<compile_context>
chip_gen: v7x
topology: tpu7x:2x2x1
jax: 0.10.2.dev20260603
libtpu: 0.0.44.dev20260713+nightly
codegen_flags: <defaults>
</compile_context>

<pallas_src>
import jax
import jax.numpy as jnp
from jax import lax
from jax.experimental import pallas as pl
from jax.experimental.pallas import tpu as pltpu
from jax.experimental.pallas import tpu_sc as plsc

N = 10000
E = 320000
D = 128
H = 128
C = 16
G = 64

NC = 2
NS = 16
NW = NC * NS
CHUNK = 128
K_CH = 80
E_PAD = NW * CHUNK * K_CH
DUMMY = N

BLK = 256
N_PAD = 10240
NBLK = N_PAD // BLK
ROWS_PER_TILE = N_PAD // NS


def _make_sc_agg(F, gather=True):
    mesh = plsc.VectorSubcoreMesh(
        core_axis_name="c", subcore_axis_name="s",
        num_cores=NC, num_subcores=NS)

    def body(tbl_hbm, src_hbm, dst_hbm, zer_hbm, out_hbm,
             src_v, dst_v, rows_v, agg_sh, *sems):
        c = lax.axis_index("c")
        s = lax.axis_index("s")
        wid = s * NC + c
        r0 = s * ROWS_PER_TILE
        half = K_CH // 2
        pltpu.sync_copy(zer_hbm, agg_sh.at[pl.ds(r0, ROWS_PER_TILE)])
        plsc.subcore_barrier()

        if gather:
            for h in (0, 1):
                pltpu.sync_copy(src_hbm.at[wid, pl.ds(h * half, half)], src_v)
                pltpu.sync_copy(dst_hbm.at[wid, pl.ds(h * half, half)], dst_v)

                def chunk(j, carry):
                    pltpu.sync_copy(tbl_hbm.at[src_v.at[j]], rows_v.at[0])
                    pltpu.sync_copy(rows_v.at[0], agg_sh.at[dst_v.at[j]],
                                    add=True)
                    return carry

                lax.fori_loop(0, half, chunk, 0)
        else:
            pltpu.sync_copy(tbl_hbm, rows_v.at[0])
            for h in (0, 1):
                pltpu.sync_copy(dst_hbm.at[wid, pl.ds(h * half, half)], dst_v)

                def chunk(j, carry):
                    pltpu.sync_copy(rows_v.at[0], agg_sh.at[dst_v.at[j]],
                                    add=True)
                    return carry

                lax.fori_loop(0, half, chunk, 0)

        plsc.subcore_barrier()
        pltpu.sync_copy(agg_sh.at[pl.ds(r0, ROWS_PER_TILE)],
                        out_hbm.at[c, pl.ds(r0, ROWS_PER_TILE)])

    return pl.kernel(
        body,
        out_type=jax.ShapeDtypeStruct((NC, N_PAD, F), jnp.float32),
        mesh=mesh,
        scratch_types=[
            pltpu.VMEM((K_CH // 2, CHUNK), jnp.int32),
            pltpu.VMEM((K_CH // 2, CHUNK), jnp.int32),
            pltpu.VMEM((2, CHUNK, F), jnp.float32),
            pltpu.VMEM_SHARED((N_PAD, F), jnp.float32),
        ],
        compiler_params=pltpu.CompilerParams(use_tc_tiling_on_sc=False),
    )


_agg128 = _make_sc_agg(128)
_agg16 = _make_sc_agg(16)
_deg16 = _make_sc_agg(16, gather=False)


def _prep_body(x_ref, w_ref, dp_ref, hs_ref, dv_ref):
    deg = dp_ref[0, :, 0:1] + dp_ref[1, :, 0:1] + 1.0
    dinv = lax.rsqrt(deg)
    h = jnp.dot(x_ref[...], w_ref[...], preferred_element_type=jnp.float32)
    hs_ref[...] = h * dinv
    dv_ref[...] = jnp.broadcast_to(dinv, (BLK, 128))


def _prep(x_pad, W_in, degp):
    return pl.pallas_call(
        _prep_body,
        grid=(NBLK,),
        in_specs=[
            pl.BlockSpec((BLK, D), lambda i: (i, 0)),
            pl.BlockSpec((D, H), lambda i: (0, 0)),
            pl.BlockSpec((NC, BLK, 16), lambda i: (0, i, 0)),
        ],
        out_specs=[
            pl.BlockSpec((BLK, H), lambda i: (i, 0)),
            pl.BlockSpec((BLK, 128), lambda i: (i, 0)),
        ],
        out_shape=[
            jax.ShapeDtypeStruct((N_PAD, H), jnp.float32),
            jax.ShapeDtypeStruct((N_PAD, 128), jnp.float32),
        ],
    )(x_pad, W_in, degp)


def _mid_body(p_ref, hs_ref, dv_ref, b_ref, w_ref, o_ref):
    dinv = dv_ref[:, 0:1]
    a = (p_ref[0] + p_ref[1] + hs_ref[...]) * dinv + b_ref[...]
    a = jnp.maximum(a, 0.0)
    o_ref[...] = jnp.dot(a, w_ref[...],
                         preferred_element_type=jnp.float32) * dinv


def _mid(p, hs_prev, dinvb, b2d, W, F_out):
    return pl.pallas_call(
        _mid_body,
        grid=(NBLK,),
        in_specs=[
            pl.BlockSpec((NC, BLK, H), lambda i: (0, i, 0)),
            pl.BlockSpec((BLK, H), lambda i: (i, 0)),
            pl.BlockSpec((BLK, 128), lambda i: (i, 0)),
            pl.BlockSpec((1, H), lambda i: (0, 0)),
            pl.BlockSpec((H, F_out), lambda i: (0, 0)),
        ],
        out_specs=pl.BlockSpec((BLK, F_out), lambda i: (i, 0)),
        out_shape=jax.ShapeDtypeStruct((N_PAD, F_out), jnp.float32),
    )(p, hs_prev, dinvb, b2d, W)


def _pool_body(p_ref, hs_ref, dv_ref, b_ref, bt_ref, o_ref, sums_ref, cnt_ref):
    i = pl.program_id(0)

    @pl.when(i == 0)
    def _():
        sums_ref[...] = jnp.zeros_like(sums_ref)
        cnt_ref[...] = jnp.zeros_like(cnt_ref)

    dinv = dv_ref[:, 0:1]
    h3 = (p_ref[0] + p_ref[1] + hs_ref[...]) * dinv + b_ref[...]
    seg = bt_ref[0, 0, :]
    oh = (seg[:, None] == lax.broadcasted_iota(jnp.int32, (1, G), 1)
          ).astype(jnp.float32)
    sums_ref[...] += lax.dot_general(
        oh, h3, (((0,), (0,)), ((), ())), preferred_element_type=jnp.float32)
    cnt_ref[...] += lax.dot_general(
        oh, jnp.ones_like(h3), (((0,), (0,)), ((), ())),
        preferred_element_type=jnp.float32)

    @pl.when(i == pl.num_programs(0) - 1)
    def _():
        pooled = sums_ref[...] / jnp.maximum(cnt_ref[...], 1.0)
        m = jnp.max(pooled, axis=1, keepdims=True)
        ex = jnp.exp(pooled - m)
        o_ref[...] = (pooled - m) - jnp.log(jnp.sum(ex, axis=1, keepdims=True))


def _pool(p3, hs3, dinvb, b2d, batch3d):
    return pl.pallas_call(
        _pool_body,
        grid=(NBLK,),
        in_specs=[
            pl.BlockSpec((NC, BLK, C), lambda i: (0, i, 0)),
            pl.BlockSpec((BLK, C), lambda i: (i, 0)),
            pl.BlockSpec((BLK, 128), lambda i: (i, 0)),
            pl.BlockSpec((1, C), lambda i: (0, 0)),
            pl.BlockSpec((1, 1, BLK), lambda i: (i, 0, 0)),
        ],
        out_specs=pl.BlockSpec((G, C), lambda i: (0, 0)),
        out_shape=jax.ShapeDtypeStruct((G, C), jnp.float32),
        scratch_shapes=[
            pltpu.VMEM((G, C), jnp.float32),
            pltpu.VMEM((G, C), jnp.float32),
        ],
    )(p3, hs3, dinvb, b2d, batch3d)


def kernel(x, edge_index, batch, W_in, b_in, W_h, b_h, W_out, b_out):
    x_pad = jnp.zeros((N_PAD, D), jnp.float32).at[:N].set(x)
    pad_e = jnp.full((E_PAD - E,), DUMMY, jnp.int32)
    src = jnp.concatenate([edge_index[0], pad_e]).reshape(NW, K_CH, CHUNK)
    dst = jnp.concatenate([edge_index[1], pad_e]).reshape(NW, K_CH, CHUNK)
    batch3d = jnp.concatenate(
        [batch, jnp.full((N_PAD - N,), G, jnp.int32)]).reshape(NBLK, 1, BLK)
    zer128 = jnp.zeros((ROWS_PER_TILE, 128), jnp.float32)
    zer16 = jnp.zeros((ROWS_PER_TILE, 16), jnp.float32)
    ones_blk = jnp.ones((CHUNK, 16), jnp.float32)

    degp = _deg16(ones_blk, src, dst, zer16)
    hs1, dinvb = _prep(x_pad, W_in, degp)
    p1 = _agg128(hs1, src, dst, zer128)
    hs2 = _mid(p1, hs1, dinvb, b_in.reshape(1, H), W_h, H)
    p2 = _agg128(hs2, src, dst, zer128)
    hs3 = _mid(p2, hs2, dinvb, b_h.reshape(1, H), W_out, C)
    p3 = _agg16(hs3, src, dst, zer16)
    return _pool(p3, hs3, dinvb, b_out.reshape(1, C), batch3d)

# --- scband reference (transcript-rebuilt; emitter-appended) ---
"""Pipeline reference for scband-gcn-78486232367723 (READ-ONLY COPY).

The authoritative reference and input builder live on the scoring server;
editing this copy changes nothing except your own understanding.
"""

import jax, jax.numpy as jnp
import numpy as np

N = 10000
E = 320000
D = 128
H = 128
C = 16
G = 64


def setup_inputs(seed: int = 0) -> dict:
    key = jax.random.key(seed)
    ks = jax.random.split(key, 9)
    x = jax.random.normal(ks[0], (N, D), dtype=jnp.float32)
    edge_index = jax.random.randint(ks[1], (2, E), 0, N, dtype=jnp.int32)
    batch = jnp.sort(jax.random.randint(ks[2], (N,), 0, G, dtype=jnp.int32))
    s = 0.05
    W_in = jax.random.normal(ks[3], (D, H), dtype=jnp.float32) * s
    b_in = jnp.zeros((H,), dtype=jnp.float32)
    W_h = jax.random.normal(ks[4], (H, H), dtype=jnp.float32) * s
    b_h = jnp.zeros((H,), dtype=jnp.float32)
    W_out = jax.random.normal(ks[5], (H, C), dtype=jnp.float32) * s
    b_out = jnp.zeros((C,), dtype=jnp.float32)
    return {"x": x, "edge_index": edge_index, "batch": batch, "W_in": W_in, "b_in": b_in, "W_h": W_h, "b_h": b_h, "W_out": W_out, "b_out": b_out}


def _gcn_conv(x, src, dst, norm, W, b):
    h = x @ W
    msg = h[src] * norm[:, None]
    out = jnp.zeros((N, h.shape[1]), dtype=h.dtype).at[dst].add(msg)
    return out + b


def reference(x, edge_index, batch, W_in, b_in, W_h, b_h, W_out, b_out):
    # add self-loops (GCNConv default)
    loop = jnp.arange(N, dtype=edge_index.dtype)
    src = jnp.concatenate([edge_index[0], loop])
    dst = jnp.concatenate([edge_index[1], loop])
    deg = jnp.zeros((N,), dtype=jnp.float32).at[dst].add(1.0)
    dinv = jnp.where(deg > 0, 1.0 / jnp.sqrt(deg), 0.0)
    norm = dinv[src] * dinv[dst]
    h = jax.nn.relu(_gcn_conv(x, src, dst, norm, W_in, b_in))
    h = jax.nn.relu(_gcn_conv(h, src, dst, norm, W_h, b_h))
    h = _gcn_conv(h, src, dst, norm, W_out, b_out)
    sums = jax.ops.segment_sum(h, batch, num_segments=G)
    cnt = jax.ops.segment_sum(jnp.ones((N, 1), dtype=h.dtype), batch, num_segments=G)
    pooled = sums / jnp.maximum(cnt, 1.0)
    return jax.nn.log_softmax(pooled, axis=-1)

if __name__ == "__main__":
    import jax
    _d = setup_inputs()
    print(jax.jit(kernel)(*tuple(_d.values())))

</pallas_src>

<mosaic_0001>
#map = affine_map<(d0, d1) -> (0, 0)>
#map1 = affine_map<(d0, d1) -> (0, 0, 0)>
module attributes {stable_mosaic.version = 14 : i64} {
  func.func @body(%arg0: i32, %arg1: i32, %arg2: memref<128x16xf32, #tpu.memory_space<hbm>>, %arg3: memref<32x80x128xi32, #tpu.memory_space<hbm>>, %arg4: memref<32x80x128xi32, #tpu.memory_space<hbm>>, %arg5: memref<640x16xf32, #tpu.memory_space<hbm>>, %arg6: memref<2x10240x16xf32, #tpu.memory_space<hbm>>, %arg7: memref<40x128xi32, #tpu.memory_space<vmem>>, %arg8: memref<40x128xi32, #tpu.memory_space<vmem>>, %arg9: memref<2x128x16xf32, #tpu.memory_space<vmem>>, %arg10: memref<10240x16xf32, #tpu.memory_space<vmem_shared>>) attributes {dimension_semantics = [#tpu.dimension_semantics<core_parallel>, #tpu.dimension_semantics<subcore_parallel>], iteration_bounds = array<i64: 2, 16>, scalar_prefetch = 0 : i64, scratch_operands = 4 : i64, tpu.core_type = #tpu.core_type<sc_vector_subcore>, window_params = [{transform_indices = #map}, {transform_indices = #map1}, {transform_indices = #map1}, {transform_indices = #map}, {transform_indices = #map1}]} {
    %mul3A = arith.constant 2 : i32
    %mul3A_0 = arith.muli %arg1, %mul3A : i32
    %add3A = arith.addi %mul3A_0, %arg0 : i32
    %mul3A_1 = arith.constant 640 : i32
    %mul3A_2 = arith.muli %arg1, %mul3A_1 : i32
    "tpu.region"() ({
      %run_scoped3A_15 = tpu.sem_alloc : memref<!tpu.dma_semaphore, #tpu.memory_space<semaphore_mem>>
      %dma_start3A = arith.constant 0 : i32
      %dma_start3A_16 = tpu.memref_slice %arg10[%mul3A_2, %dma_start3A] : memref<10240x16xf32, #tpu.memory_space<vmem_shared>> -> memref<640x16xf32, #tpu.memory_space<vmem_shared>>
      tpu.enqueue_dma source(%arg5 : memref<640x16xf32, #tpu.memory_space<hbm>>) target(%dma_start3A_16 : memref<640x16xf32, #tpu.memory_space<vmem_shared>>) target_semaphore(%run_scoped3A_15 : memref<!tpu.dma_semaphore, #tpu.memory_space<semaphore_mem>>)
      %dma_wait3A = arith.constant 0 : i32
      %dma_wait3A_17 = tpu.memref_slice %arg10[%mul3A_2, %dma_wait3A] : memref<10240x16xf32, #tpu.memory_space<vmem_shared>> -> memref<640x16xf32, #tpu.memory_space<vmem_shared>>
      tpu.wait_dma2 semaphore(%run_scoped3A_15 : memref<!tpu.dma_semaphore, #tpu.memory_space<semaphore_mem>>) src(%arg5 : memref<640x16xf32, #tpu.memory_space<hbm>>) dst(%dma_wait3A_17 : memref<640x16xf32, #tpu.memory_space<vmem_shared>>)
      tpu.yield
    }) : () -> ()
    %barrier3A = arith.constant 0 : index
    tpu.barrier barrier_id(%barrier3A)
    %run_scoped3A = arith.constant 0 : i32
    "tpu.region"() ({
      %run_scoped3A_15 = tpu.sem_alloc : memref<!tpu.dma_semaphore, #tpu.memory_space<semaphore_mem>>
      %dma_start3A = arith.constant 0 : i32
      %dma_start3A_16 = arith.constant 0 : i32
      %dma_start3A_17 = tpu.memref_slice %arg9[%run_scoped3A, %dma_start3A, %dma_start3A_16] : memref<2x128x16xf32, #tpu.memory_space<vmem>> -> memref<1x128x16xf32, #tpu.memory_space<vmem>>
      %dma_start3A_18 = tpu.memref_squeeze %dma_start3A_17 : memref<1x128x16xf32, #tpu.memory_space<vmem>> -> memref<128x16xf32, #tpu.memory_space<vmem>>
      %dma_start3A_19 = arith.constant 0 : i32
      %dma_start3A_20 = arith.constant 0 : i32
      %dma_start3A_21 = tpu.memref_slice %arg9[%run_scoped3A, %dma_start3A_19, %dma_start3A_20] : memref<2x128x16xf32, #tpu.memory_space<vmem>> -> memref<1x128x16xf32, #tpu.memory_space<vmem>>
      %dma_start3A_22 = tpu.memref_squeeze %dma_start3A_21 : memref<1x128x16xf32, #tpu.memory_space<vmem>> -> memref<128x16xf32, #tpu.memory_space<vmem>>
      tpu.enqueue_dma source(%arg2 : memref<128x16xf32, #tpu.memory_space<hbm>>) target(%dma_start3A_22 : memref<128x16xf32, #tpu.memory_space<vmem>>) target_semaphore(%run_scoped3A_15 : memref<!tpu.dma_semaphore, #tpu.memory_space<semaphore_mem>>)
      %dma_wait3A = arith.constant 0 : i32
      %dma_wait3A_23 = arith.constant 0 : i32
      %dma_wait3A_24 = tpu.memref_slice %arg9[%run_scoped3A, %dma_wait3A, %dma_wait3A_23] : memref<2x128x16xf32, #tpu.memory_space<vmem>> -> memref<1x128x16xf32, #tpu.memory_space<vmem>>
      %dma_wait3A_25 = tpu.memref_squeeze %dma_wait3A_24 : memref<1x128x16xf32, #tpu.memory_space<vmem>> -> memref<128x16xf32, #tpu.memory_space<vmem>>
      %dma_wait3A_26 = arith.constant 0 : i32
      %dma_wait3A_27 = arith.constant 0 : i32
      %dma_wait3A_28 = tpu.memref_slice %arg9[%run_scoped3A, %dma_wait3A_26, %dma_wait3A_27] : memref<2x128x16xf32, #tpu.memory_space<vmem>> -> memref<1x128x16xf32, #tpu.memory_space<vmem>>
      %dma_wait3A_29 = tpu.memref_squeeze %dma_wait3A_28 : memref<1x128x16xf32, #tpu.memory_space<vmem>> -> memref<128x16xf32, #tpu.memory_space<vmem>>
      tpu.wait_dma2 semaphore(%run_scoped3A_15 : memref<!tpu.dma_semaphore, #tpu.memory_space<semaphore_mem>>) src(%arg2 : memref<128x16xf32, #tpu.memory_space<hbm>>) dst(%dma_wait3A_29 : memref<128x16xf32, #tpu.memory_space<vmem>>)
      tpu.yield
    }) : () -> ()
    "tpu.region"() ({
      %run_scoped3A_15 = tpu.sem_alloc : memref<!tpu.dma_semaphore, #tpu.memory_space<semaphore_mem>>
      %dma_start3A = arith.constant 0 : i32
      %dma_start3A_16 = arith.constant 0 : i32
      %dma_start3A_17 = tpu.memref_slice %arg4[%add3A, %dma_start3A, %dma_start3A_16] : memref<32x80x128xi32, #tpu.memory_space<hbm>> -> memref<1x40x128xi32, #tpu.memory_space<hbm>>
      %dma_start3A_18 = tpu.memref_squeeze %dma_start3A_17 : memref<1x40x128xi32, #tpu.memory_space<hbm>> -> memref<40x128xi32, #tpu.memory_space<hbm>>
      %dma_start3A_19 = arith.constant 0 : i32
      %dma_start3A_20 = arith.constant 0 : i32
      %dma_start3A_21 = tpu.memref_slice %arg4[%add3A, %dma_start3A_19, %dma_start3A_20] : memref<32x80x128xi32, #tpu.memory_space<hbm>> -> memref<1x40x128xi32, #tpu.memory_space<hbm>>
      %dma_start3A_22 = tpu.memref_squeeze %dma_start3A_21 : memref<1x40x128xi32, #tpu.memory_space<hbm>> -> memref<40x128xi32, #tpu.memory_space<hbm>>
      tpu.enqueue_dma source(%dma_start3A_22 : memref<40x128xi32, #tpu.memory_space<hbm>>) target(%arg8 : memref<40x128xi32, #tpu.memory_space<vmem>>) target_semaphore(%run_scoped3A_15 : memref<!tpu.dma_semaphore, #tpu.memory_space<semaphore_mem>>)
      %dma_wait3A = arith.constant 0 : i32
      %dma_wait3A_23 = arith.constant 0 : i32
      %dma_wait3A_24 = tpu.memref_slice %arg4[%add3A, %dma_wait3A, %dma_wait3A_23] : memref<32x80x128xi32, #tpu.memory_space<hbm>> -> memref<1x40x128xi32, #tpu.memory_space<hbm>>
      %dma_wait3A_25 = tpu.memref_squeeze %dma_wait3A_24 : memref<1x40x128xi32, #tpu.memory_space<hbm>> -> memref<40x128xi32, #tpu.memory_space<hbm>>
      %dma_wait3A_26 = arith.constant 0 : i32
      %dma_wait3A_27 = arith.constant 0 : i32
      %dma_wait3A_28 = tpu.memref_slice %arg4[%add3A, %dma_wait3A_26, %dma_wait3A_27] : memref<32x80x128xi32, #tpu.memory_space<hbm>> -> memref<1x40x128xi32, #tpu.memory_space<hbm>>
      %dma_wait3A_29 = tpu.memref_squeeze %dma_wait3A_28 : memref<1x40x128xi32, #tpu.memory_space<hbm>> -> memref<40x128xi32, #tpu.memory_space<hbm>>
      tpu.wait_dma2 semaphore(%run_scoped3A_15 : memref<!tpu.dma_semaphore, #tpu.memory_space<semaphore_mem>>) src(%dma_wait3A_29 : memref<40x128xi32, #tpu.memory_space<hbm>>) dst(%arg8 : memref<40x128xi32, #tpu.memory_space<vmem>>)
      tpu.yield
    }) : () -> ()
    %scan3A = arith.constant 0 : i32
    %scan3A_3 = arith.constant 0 : i32
    %scan3A_4 = arith.constant 40 : i32
    %scan3A_5 = arith.addi %scan3A_3, %scan3A_4 : i32
    %scan3A_6 = arith.constant 1 : i32
    scf.for %scan3A_15 = %scan3A_3 to %scan3A_5 step %scan3A_6  : i32 {
      %run_scoped3A_16 = arith.constant 0 : i32
      "tpu.region"() ({
        %run_scoped3A_17 = tpu.sem_alloc : memref<!tpu.dma_semaphore, #tpu.memory_space<semaphore_mem>>
        %dma_start3A = arith.constant 0 : i32
        %dma_start3A_18 = arith.constant 0 : i32
        %dma_start3A_19 = tpu.memref_slice %arg9[%run_scoped3A_16, %dma_start3A, %dma_start3A_18] : memref<2x128x16xf32, #tpu.memory_space<vmem>> -> memref<1x128x16xf32, #tpu.memory_space<vmem>>
        %dma_start3A_20 = tpu.memref_squeeze %dma_start3A_19 : memref<1x128x16xf32, #tpu.memory_space<vmem>> -> memref<128x16xf32, #tpu.memory_space<vmem>>
        %dma_start3A_21 = arith.constant 0 : i32
        %dma_start3A_22 = tpu.memref_slice %arg8[%scan3A_15, %dma_start3A_21] : memref<40x128xi32, #tpu.memory_space<vmem>> -> memref<1x128xi32, #tpu.memory_space<vmem>>
        %dma_start3A_23 = tpu.memref_squeeze %dma_start3A_22 : memref<1x128xi32, #tpu.memory_space<vmem>> -> memref<128xi32, #tpu.memory_space<vmem>>
        %dma_start3A_24 = arith.constant 0 : i32
        %dma_start3A_25 = arith.constant 0 : i32
        %dma_start3A_26 = tpu.memref_slice %arg10[%dma_start3A_24, %dma_start3A_25] : memref<10240x16xf32, #tpu.memory_space<vmem_shared>> -> memref<10240x16xf32, #tpu.memory_space<vmem_shared>>
        tpu.enqueue_indirect_dma source(%dma_start3A_20 : memref<128x16xf32, #tpu.memory_space<vmem>>) target(%dma_start3A_26 : memref<10240x16xf32, #tpu.memory_space<vmem_shared>>) offsets(%dma_start3A_23 : memref<128xi32, #tpu.memory_space<vmem>>) semaphore(%run_scoped3A_17 : memref<!tpu.dma_semaphore, #tpu.memory_space<semaphore_mem>>) {add = true}
        %dma_wait3A = arith.constant 0 : i32
        %dma_wait3A_27 = arith.constant 0 : i32
        %dma_wait3A_28 = tpu.memref_slice %arg9[%run_scoped3A_16, %dma_wait3A, %dma_wait3A_27] : memref<2x128x16xf32, #tpu.memory_space<vmem>> -> memref<1x128x16xf32, #tpu.memory_space<vmem>>
        %dma_wait3A_29 = tpu.memref_squeeze %dma_wait3A_28 : memref<1x128x16xf32, #tpu.memory_space<vmem>> -> memref<128x16xf32, #tpu.memory_space<vmem>>
        %dma_wait3A_30 = arith.constant 0 : i32
        %dma_wait3A_31 = tpu.memref_slice %arg8[%scan3A_15, %dma_wait3A_30] : memref<40x128xi32, #tpu.memory_space<vmem>> -> memref<1x128xi32, #tpu.memory_space<vmem>>
        %dma_wait3A_32 = tpu.memref_squeeze %dma_wait3A_31 : memref<1x128xi32, #tpu.memory_space<vmem>> -> memref<128xi32, #tpu.memory_space<vmem>>
        %dma_wait3A_33 = arith.constant 0 : i32
        %dma_wait3A_34 = arith.constant 0 : i32
        %dma_wait3A_35 = tpu.memref_slice %arg10[%dma_wait3A_33, %dma_wait3A_34] : memref<10240x16xf32, #tpu.memory_space<vmem_shared>> -> memref<10240x16xf32, #tpu.memory_space<vmem_shared>>
        tpu.wait_indirect_dma semaphore(%run_scoped3A_17 : memref<!tpu.dma_semaphore, #tpu.memory_space<semaphore_mem>>) src(%dma_wait3A_29 : memref<128x16xf32, #tpu.memory_space<vmem>>) dst(%dma_wait3A_35 : memref<10240x16xf32, #tpu.memory_space<vmem_shared>>)
        tpu.yield
      }) : () -> ()
    }
    %scan3A_7 = arith.constant 40 : i32
    "tpu.region"() ({
      %run_scoped3A_15 = tpu.sem_alloc : memref<!tpu.dma_semaphore, #tpu.memory_space<semaphore_mem>>
      %dma_start3A = arith.constant 40 : i32
      %dma_start3A_16 = arith.constant 0 : i32
      %dma_start3A_17 = tpu.memref_slice %arg4[%add3A, %dma_start3A, %dma_start3A_16] : memref<32x80x128xi32, #tpu.memory_space<hbm>> -> memref<1x40x128xi32, #tpu.memory_space<hbm>>
      %dma_start3A_18 = tpu.memref_squeeze %dma_start3A_17 : memref<1x40x128xi32, #tpu.memory_space<hbm>> -> memref<40x128xi32, #tpu.memory_space<hbm>>
      %dma_start3A_19 = arith.constant 40 : i32
      %dma_start3A_20 = arith.constant 0 : i32
      %dma_start3A_21 = tpu.memref_slice %arg4[%add3A, %dma_start3A_19, %dma_start3A_20] : memref<32x80x128xi32, #tpu.memory_space<hbm>> -> memref<1x40x128xi32, #tpu.memory_space<hbm>>
      %dma_start3A_22 = tpu.memref_squeeze %dma_start3A_21 : memref<1x40x128xi32, #tpu.memory_space<hbm>> -> memref<40x128xi32, #tpu.memory_space<hbm>>
      tpu.enqueue_dma source(%dma_start3A_22 : memref<40x128xi32, #tpu.memory_space<hbm>>) target(%arg8 : memref<40x128xi32, #tpu.memory_space<vmem>>) target_semaphore(%run_scoped3A_15 : memref<!tpu.dma_semaphore, #tpu.memory_space<semaphore_mem>>)
      %dma_wait3A = arith.constant 40 : i32
      %dma_wait3A_23 = arith.constant 0 : i32
      %dma_wait3A_24 = tpu.memref_slice %arg4[%add3A, %dma_wait3A, %dma_wait3A_23] : memref<32x80x128xi32, #tpu.memory_space<hbm>> -> memref<1x40x128xi32, #tpu.memory_space<hbm>>
      %dma_wait3A_25 = tpu.memref_squeeze %dma_wait3A_24 : memref<1x40x128xi32, #tpu.memory_space<hbm>> -> memref<40x128xi32, #tpu.memory_space<hbm>>
      %dma_wait3A_26 = arith.constant 40 : i32
      %dma_wait3A_27 = arith.constant 0 : i32
      %dma_wait3A_28 = tpu.memref_slice %arg4[%add3A, %dma_wait3A_26, %dma_wait3A_27] : memref<32x80x128xi32, #tpu.memory_space<hbm>> -> memref<1x40x128xi32, #tpu.memory_space<hbm>>
      %dma_wait3A_29 = tpu.memref_squeeze %dma_wait3A_28 : memref<1x40x128xi32, #tpu.memory_space<hbm>> -> memref<40x128xi32, #tpu.memory_space<hbm>>
      tpu.wait_dma2 semaphore(%run_scoped3A_15 : memref<!tpu.dma_semaphore, #tpu.memory_space<semaphore_mem>>) src(%dma_wait3A_29 : memref<40x128xi32, #tpu.memory_space<hbm>>) dst(%arg8 : memref<40x128xi32, #tpu.memory_space<vmem>>)
      tpu.yield
    }) : () -> ()
    %scan3A_8 = arith.constant 0 : i32
    %scan3A_9 = arith.constant 0 : i32
    %scan3A_10 = arith.constant 40 : i32
    %scan3A_11 = arith.addi %scan3A_9, %scan3A_10 : i32
    %scan3A_12 = arith.constant 1 : i32
    scf.for %scan3A_15 = %scan3A_9 to %scan3A_11 step %scan3A_12  : i32 {
      %run_scoped3A_16 = arith.constant 0 : i32
      "tpu.region"() ({
        %run_scoped3A_17 = tpu.sem_alloc : memref<!tpu.dma_semaphore, #tpu.memory_space<semaphore_mem>>
        %dma_start3A = arith.constant 0 : i32
        %dma_start3A_18 = arith.constant 0 : i32
        %dma_start3A_19 = tpu.memref_slice %arg9[%run_scoped3A_16, %dma_start3A, %dma_start3A_18] : memref<2x128x16xf32, #tpu.memory_space<vmem>> -> memref<1x128x16xf32, #tpu.memory_space<vmem>>
        %dma_start3A_20 = tpu.memref_squeeze %dma_start3A_19 : memref<1x128x16xf32, #tpu.memory_space<vmem>> -> memref<128x16xf32, #tpu.memory_space<vmem>>
        %dma_start3A_21 = arith.constant 0 : i32
        %dma_start3A_22 = tpu.memref_slice %arg8[%scan3A_15, %dma_start3A_21] : memref<40x128xi32, #tpu.memory_space<vmem>> -> memref<1x128xi32, #tpu.memory_space<vmem>>
        %dma_start3A_23 = tpu.memref_squeeze %dma_start3A_22 : memref<1x128xi32, #tpu.memory_space<vmem>> -> memref<128xi32, #tpu.memory_space<vmem>>
        %dma_start3A_24 = arith.constant 0 : i32
        %dma_start3A_25 = arith.constant 0 : i32
        %dma_start3A_26 = tpu.memref_slice %arg10[%dma_start3A_24, %dma_start3A_25] : memref<10240x16xf32, #tpu.memory_space<vmem_shared>> -> memref<10240x16xf32, #tpu.memory_space<vmem_shared>>
        tpu.enqueue_indirect_dma source(%dma_start3A_20 : memref<128x16xf32, #tpu.memory_space<vmem>>) target(%dma_start3A_26 : memref<10240x16xf32, #tpu.memory_space<vmem_shared>>) offsets(%dma_start3A_23 : memref<128xi32, #tpu.memory_space<vmem>>) semaphore(%run_scoped3A_17 : memref<!tpu.dma_semaphore, #tpu.memory_space<semaphore_mem>>) {add = true}
        %dma_wait3A = arith.constant 0 : i32
        %dma_wait3A_27 = arith.constant 0 : i32
        %dma_wait3A_28 = tpu.memref_slice %arg9[%run_scoped3A_16, %dma_wait3A, %dma_wait3A_27] : memref<2x128x16xf32, #tpu.memory_space<vmem>> -> memref<1x128x16xf32, #tpu.memory_space<vmem>>
        %dma_wait3A_29 = tpu.memref_squeeze %dma_wait3A_28 : memref<1x128x16xf32, #tpu.memory_space<vmem>> -> memref<128x16xf32, #tpu.memory_space<vmem>>
        %dma_wait3A_30 = arith.constant 0 : i32
        %dma_wait3A_31 = tpu.memref_slice %arg8[%scan3A_15, %dma_wait3A_30] : memref<40x128xi32, #tpu.memory_space<vmem>> -> memref<1x128xi32, #tpu.memory_space<vmem>>
        %dma_wait3A_32 = tpu.memref_squeeze %dma_wait3A_31 : memref<1x128xi32, #tpu.memory_space<vmem>> -> memref<128xi32, #tpu.memory_space<vmem>>
        %dma_wait3A_33 = arith.constant 0 : i32
        %dma_wait3A_34 = arith.constant 0 : i32
        %dma_wait3A_35 = tpu.memref_slice %arg10[%dma_wait3A_33, %dma_wait3A_34] : memref<10240x16xf32, #tpu.memory_space<vmem_shared>> -> memref<10240x16xf32, #tpu.memory_space<vmem_shared>>
        tpu.wait_indirect_dma semaphore(%run_scoped3A_17 : memref<!tpu.dma_semaphore, #tpu.memory_space<semaphore_mem>>) src(%dma_wait3A_29 : memref<128x16xf32, #tpu.memory_space<vmem>>) dst(%dma_wait3A_35 : memref<10240x16xf32, #tpu.memory_space<vmem_shared>>)
        tpu.yield
      }) : () -> ()
    }
    %scan3A_13 = arith.constant 40 : i32
    %barrier3A_14 = arith.constant 0 : index
    tpu.barrier barrier_id(%barrier3A_14)
    "tpu.region"() ({
      %run_scoped3A_15 = tpu.sem_alloc : memref<!tpu.dma_semaphore, #tpu.memory_space<semaphore_mem>>
      %dma_start3A = arith.constant 0 : i32
      %dma_start3A_16 = tpu.memref_slice %arg6[%arg0, %mul3A_2, %dma_start3A] : memref<2x10240x16xf32, #tpu.memory_space<hbm>> -> memref<1x640x16xf32, #tpu.memory_space<hbm>>
      %dma_start3A_17 = tpu.memref_squeeze %dma_start3A_16 : memref<1x640x16xf32, #tpu.memory_space<hbm>> -> memref<640x16xf32, #tpu.memory_space<hbm>>
      %dma_start3A_18 = arith.constant 0 : i32
      %dma_start3A_19 = tpu.memref_slice %arg10[%mul3A_2, %dma_start3A_18] : memref<10240x16xf32, #tpu.memory_space<vmem_shared>> -> memref<640x16xf32, #tpu.memory_space<vmem_shared>>
      tpu.enqueue_dma source(%dma_start3A_19 : memref<640x16xf32, #tpu.memory_space<vmem_shared>>) target(%dma_start3A_17 : memref<640x16xf32, #tpu.memory_space<hbm>>) target_semaphore(%run_scoped3A_15 : memref<!tpu.dma_semaphore, #tpu.memory_space<semaphore_mem>>)
      %dma_wait3A = arith.constant 0 : i32
      %dma_wait3A_20 = tpu.memref_slice %arg6[%arg0, %mul3A_2, %dma_wait3A] : memref<2x10240x16xf32, #tpu.memory_space<hbm>> -> memref<1x640x16xf32, #tpu.memory_space<hbm>>
      %dma_wait3A_21 = tpu.memref_squeeze %dma_wait3A_20 : memref<1x640x16xf32, #tpu.memory_space<hbm>> -> memref<640x16xf32, #tpu.memory_space<hbm>>
      %dma_wait3A_22 = arith.constant 0 : i32
      %dma_wait3A_23 = tpu.memref_slice %arg10[%mul3A_2, %dma_wait3A_22] : memref<10240x16xf32, #tpu.memory_space<vmem_shared>> -> memref<640x16xf32, #tpu.memory_space<vmem_shared>>
      tpu.wait_dma2 semaphore(%run_scoped3A_15 : memref<!tpu.dma_semaphore, #tpu.memory_space<semaphore_mem>>) src(%dma_wait3A_23 : memref<640x16xf32, #tpu.memory_space<vmem_shared>>) dst(%dma_wait3A_21 : memref<640x16xf32, #tpu.memory_space<hbm>>)
      tpu.yield
    }) : () -> ()
    return
  }
}

#map = affine_map<(d0, d1) -> (0, 0)>
#map1 = affine_map<(d0, d1) -> (0, 0, 0)>
module attributes {stable_mosaic.version = 14 : i64} {
  func.func @body(%arg0: i32, %arg1: i32, %arg2: memref<10240x128xf32, #tpu.memory_space<hbm>>, %arg3: memref<32x80x128xi32, #tpu.memory_space<hbm>>, %arg4: memref<32x80x128xi32, #tpu.memory_space<hbm>>, %arg5: memref<640x128xf32, #tpu.memory_space<hbm>>, %arg6: memref<2x10240x128xf32, #tpu.memory_space<hbm>>, %arg7: memref<40x128xi32, #tpu.memory_space<vmem>>, %arg8: memref<40x128xi32, #tpu.memory_space<vmem>>, %arg9: memref<2x128x128xf32, #tpu.memory_space<vmem>>, %arg10: memref<10240x128xf32, #tpu.memory_space<vmem_shared>>) attributes {dimension_semantics = [#tpu.dimension_semantics<core_parallel>, #tpu.dimension_semantics<subcore_parallel>], iteration_bounds = array<i64: 2, 16>, scalar_prefetch = 0 : i64, scratch_operands = 4 : i64, tpu.core_type = #tpu.core_type<sc_vector_subcore>, window_params = [{transform_indices = #map}, {transform_indices = #map1}, {transform_indices = #map1}, {transform_indices = #map}, {transform_indices = #map1}]} {
    %mul3A = arith.constant 2 : i32
    %mul3A_0 = arith.muli %arg1, %mul3A : i32
    %add3A = arith.addi %mul3A_0, %arg0 : i32
    %mul3A_1 = arith.constant 640 : i32
    %mul3A_2 = arith.muli %arg1, %mul3A_1 : i32
    "tpu.region"() ({
      %run_scoped3A = tpu.sem_alloc : memref<!tpu.dma_semaphore, #tpu.memory_space<semaphore_mem>>
      %dma_start3A = arith.constant 0 : i32
      %dma_start3A_15 = tpu.memref_slice %arg10[%mul3A_2, %dma_start3A] : memref<10240x128xf32, #tpu.memory_space<vmem_shared>> -> memref<640x128xf32, #tpu.memory_space<vmem_shared>>
      tpu.enqueue_dma source(%arg5 : memref<640x128xf32, #tpu.memory_space<hbm>>) target(%dma_start3A_15 : memref<640x128xf32, #tpu.memory_space<vmem_shared>>) target_semaphore(%run_scoped3A : memref<!tpu.dma_semaphore, #tpu.memory_space<semaphore_mem>>)
      %dma_wait3A = arith.constant 0 : i32
      %dma_wait3A_16 = tpu.memref_slice %arg10[%mul3A_2, %dma_wait3A] : memref<10240x128xf32, #tpu.memory_space<vmem_shared>> -> memref<640x128xf32, #tpu.memory_space<vmem_shared>>
      tpu.wait_dma2 semaphore(%run_scoped3A : memref<!tpu.dma_semaphore, #tpu.memory_space<semaphore_mem>>) src(%arg5 : memref<640x128xf32, #tpu.memory_space<hbm>>) dst(%dma_wait3A_16 : memref<640x128xf32, #tpu.memory_space<vmem_shared>>)
      tpu.yield
    }) : () -> ()
    %barrier3A = arith.constant 0 : index
    tpu.barrier barrier_id(%barrier3A)
    "tpu.region"() ({
      %run_scoped3A = tpu.sem_alloc : memref<!tpu.dma_semaphore, #tpu.memory_space<semaphore_mem>>
      %dma_start3A = arith.constant 0 : i32
      %dma_start3A_15 = arith.constant 0 : i32
      %dma_start3A_16 = tpu.memref_slice %arg3[%add3A, %dma_start3A, %dma_start3A_15] : memref<32x80x128xi32, #tpu.memory_space<hbm>> -> memref<1x40x128xi32, #tpu.memory_space<hbm>>
      %dma_start3A_17 = tpu.memref_squeeze %dma_start3A_16 : memref<1x40x128xi32, #tpu.memory_space<hbm>> -> memref<40x128xi32, #tpu.memory_space<hbm>>
      %dma_start3A_18 = arith.constant 0 : i32
      %dma_start3A_19 = arith.constant 0 : i32
      %dma_start3A_20 = tpu.memref_slice %arg3[%add3A, %dma_start3A_18, %dma_start3A_19] : memref<32x80x128xi32, #tpu.memory_space<hbm>> -> memref<1x40x128xi32, #tpu.memory_space<hbm>>
      %dma_start3A_21 = tpu.memref_squeeze %dma_start3A_20 : memref<1x40x128xi32, #tpu.memory_space<hbm>> -> memref<40x128xi32, #tpu.memory_space<hbm>>
      tpu.enqueue_dma source(%dma_start3A_21 : memref<40x128xi32, #tpu.memory_space<hbm>>) target(%arg7 : memref<40x128xi32, #tpu.memory_space<vmem>>) target_semaphore(%run_scoped3A : memref<!tpu.dma_semaphore, #tpu.memory_space<semaphore_mem>>)
      %dma_wait3A = arith.constant 0 : i32
      %dma_wait3A_22 = arith.constant 0 : i32
      %dma_wait3A_23 = tpu.memref_slice %arg3[%add3A, %dma_wait3A, %dma_wait3A_22] : memref<32x80x128xi32, #tpu.memory_space<hbm>> -> memref<1x40x128xi32, #tpu.memory_space<hbm>>
      %dma_wait3A_24 = tpu.memref_squeeze %dma_wait3A_23 : memref<1x40x128xi32, #tpu.memory_space<hbm>> -> memref<40x128xi32, #tpu.memory_space<hbm>>
      %dma_wait3A_25 = arith.constant 0 : i32
      %dma_wait3A_26 = arith.constant 0 : i32
      %dma_wait3A_27 = tpu.memref_slice %arg3[%add3A, %dma_wait3A_25, %dma_wait3A_26] : memref<32x80x128xi32, #tpu.memory_space<hbm>> -> memref<1x40x128xi32, #tpu.memory_space<hbm>>
      %dma_wait3A_28 = tpu.memref_squeeze %dma_wait3A_27 : memref<1x40x128xi32, #tpu.memory_space<hbm>> -> memref<40x128xi32, #tpu.memory_space<hbm>>
      tpu.wait_dma2 semaphore(%run_scoped3A : memref<!tpu.dma_semaphore, #tpu.memory_space<semaphore_mem>>) src(%dma_wait3A_28 : memref<40x128xi32, #tpu.memory_space<hbm>>) dst(%arg7 : memref<40x128xi32, #tpu.memory_space<vmem>>)
      tpu.yield
    }) : () -> ()
    "tpu.region"() ({
      %run_scoped3A = tpu.sem_alloc : memref<!tpu.dma_semaphore, #tpu.memory_space<semaphore_mem>>
      %dma_start3A = arith.constant 0 : i32
      %dma_start3A_15 = arith.constant 0 : i32
      %dma_start3A_16 = tpu.memref_slice %arg4[%add3A, %dma_start3A, %dma_start3A_15] : memref<32x80x128xi32, #tpu.memory_space<hbm>> -> memref<1x40x128xi32, #tpu.memory_space<hbm>>
      %dma_start3A_17 = tpu.memref_squeeze %dma_start3A_16 : memref<1x40x128xi32, #tpu.memory_space<hbm>> -> memref<40x128xi32, #tpu.memory_space<hbm>>
      %dma_start3A_18 = arith.constant 0 : i32
      %dma_start3A_19 = arith.constant 0 : i32
      %dma_start3A_20 = tpu.memref_slice %arg4[%add3A, %dma_start3A_18, %dma_start3A_19] : memref<32x80x128xi32, #tpu.memory_space<hbm>> -> memref<1x40x128xi32, #tpu.memory_space<hbm>>
      %dma_start3A_21 = tpu.memref_squeeze %dma_start3A_20 : memref<1x40x128xi32, #tpu.memory_space<hbm>> -> memref<40x128xi32, #tpu.memory_space<hbm>>
      tpu.enqueue_dma source(%dma_start3A_21 : memref<40x128xi32, #tpu.memory_space<hbm>>) target(%arg8 : memref<40x128xi32, #tpu.memory_space<vmem>>) target_semaphore(%run_scoped3A : memref<!tpu.dma_semaphore, #tpu.memory_space<semaphore_mem>>)
      %dma_wait3A = arith.constant 0 : i32
      %dma_wait3A_22 = arith.constant 0 : i32
      %dma_wait3A_23 = tpu.memref_slice %arg4[%add3A, %dma_wait3A, %dma_wait3A_22] : memref<32x80x128xi32, #tpu.memory_space<hbm>> -> memref<1x40x128xi32, #tpu.memory_space<hbm>>
      %dma_wait3A_24 = tpu.memref_squeeze %dma_wait3A_23 : memref<1x40x128xi32, #tpu.memory_space<hbm>> -> memref<40x128xi32, #tpu.memory_space<hbm>>
      %dma_wait3A_25 = arith.constant 0 : i32
      %dma_wait3A_26 = arith.constant 0 : i32
      %dma_wait3A_27 = tpu.memref_slice %arg4[%add3A, %dma_wait3A_25, %dma_wait3A_26] : memref<32x80x128xi32, #tpu.memory_space<hbm>> -> memref<1x40x128xi32, #tpu.memory_space<hbm>>
      %dma_wait3A_28 = tpu.memref_squeeze %dma_wait3A_27 : memref<1x40x128xi32, #tpu.memory_space<hbm>> -> memref<40x128xi32, #tpu.memory_space<hbm>>
      tpu.wait_dma2 semaphore(%run_scoped3A : memref<!tpu.dma_semaphore, #tpu.memory_space<semaphore_mem>>) src(%dma_wait3A_28 : memref<40x128xi32, #tpu.memory_space<hbm>>) dst(%arg8 : memref<40x128xi32, #tpu.memory_space<vmem>>)
      tpu.yield
    }) : () -> ()
    %scan3A = arith.constant 0 : i32
    %scan3A_3 = arith.constant 0 : i32
    %scan3A_4 = arith.constant 40 : i32
    %scan3A_5 = arith.addi %scan3A_3, %scan3A_4 : i32
    %scan3A_6 = arith.constant 1 : i32
    scf.for %scan3A_15 = %scan3A_3 to %scan3A_5 step %scan3A_6  : i32 {
      %run_scoped3A = arith.constant 0 : i32
      "tpu.region"() ({
        %run_scoped3A_17 = tpu.sem_alloc : memref<!tpu.dma_semaphore, #tpu.memory_space<semaphore_mem>>
        %dma_start3A = arith.constant 0 : i32
        %dma_start3A_18 = arith.constant 0 : i32
        %dma_start3A_19 = tpu.memref_slice %arg9[%run_scoped3A, %dma_start3A, %dma_start3A_18] : memref<2x128x128xf32, #tpu.memory_space<vmem>> -> memref<1x128x128xf32, #tpu.memory_space<vmem>>
        %dma_start3A_20 = tpu.memref_squeeze %dma_start3A_19 : memref<1x128x128xf32, #tpu.memory_space<vmem>> -> memref<128x128xf32, #tpu.memory_space<vmem>>
        %dma_start3A_21 = arith.constant 0 : i32
        %dma_start3A_22 = tpu.memref_slice %arg7[%scan3A_15, %dma_start3A_21] : memref<40x128xi32, #tpu.memory_space<vmem>> -> memref<1x128xi32, #tpu.memory_space<vmem>>
        %dma_start3A_23 = tpu.memref_squeeze %dma_start3A_22 : memref<1x128xi32, #tpu.memory_space<vmem>> -> memref<128xi32, #tpu.memory_space<vmem>>
        %dma_start3A_24 = arith.constant 0 : i32
        %dma_start3A_25 = arith.constant 0 : i32
        %dma_start3A_26 = tpu.memref_slice %arg2[%dma_start3A_24, %dma_start3A_25] : memref<10240x128xf32, #tpu.memory_space<hbm>> -> memref<10240x128xf32, #tpu.memory_space<hbm>>
        tpu.enqueue_indirect_dma source(%dma_start3A_26 : memref<10240x128xf32, #tpu.memory_space<hbm>>) target(%dma_start3A_20 : memref<128x128xf32, #tpu.memory_space<vmem>>) offsets(%dma_start3A_23 : memref<128xi32, #tpu.memory_space<vmem>>) semaphore(%run_scoped3A_17 : memref<!tpu.dma_semaphore, #tpu.memory_space<semaphore_mem>>)
        %dma_wait3A = arith.constant 0 : i32
        %dma_wait3A_27 = arith.constant 0 : i32
        %dma_wait3A_28 = tpu.memref_slice %arg9[%run_scoped3A, %dma_wait3A, %dma_wait3A_27] : memref<2x128x128xf32, #tpu.memory_space<vmem>> -> memref<1x128x128xf32, #tpu.memory_space<vmem>>
        %dma_wait3A_29 = tpu.memref_squeeze %dma_wait3A_28 : memref<1x128x128xf32, #tpu.memory_space<vmem>> -> memref<128x128xf32, #tpu.memory_space<vmem>>
        %dma_wait3A_30 = arith.constant 0 : i32
        %dma_wait3A_31 = tpu.memref_slice %arg7[%scan3A_15, %dma_wait3A_30] : memref<40x128xi32, #tpu.memory_space<vmem>> -> memref<1x128xi32, #tpu.memory_space<vmem>>
        %dma_wait3A_32 = tpu.memref_squeeze %dma_wait3A_31 : memref<1x128xi32, #tpu.memory_space<vmem>> -> memref<128xi32, #tpu.memory_space<vmem>>
        %dma_wait3A_33 = arith.constant 0 : i32
        %dma_wait3A_34 = arith.constant 0 : i32
        %dma_wait3A_35 = tpu.memref_slice %arg2[%dma_wait3A_33, %dma_wait3A_34] : memref<10240x128xf32, #tpu.memory_space<hbm>> -> memref<10240x128xf32, #tpu.memory_space<hbm>>
        tpu.wait_indirect_dma semaphore(%run_scoped3A_17 : memref<!tpu.dma_semaphore, #tpu.memory_space<semaphore_mem>>) src(%dma_wait3A_35 : memref<10240x128xf32, #tpu.memory_space<hbm>>) dst(%dma_wait3A_29 : memref<128x128xf32, #tpu.memory_space<vmem>>)
        tpu.yield
      }) : () -> ()
      %run_scoped3A_16 = arith.constant 0 : i32
      "tpu.region"() ({
        %run_scoped3A_17 = tpu.sem_alloc : memref<!tpu.dma_semaphore, #tpu.memory_space<semaphore_mem>>
        %dma_start3A = arith.constant 0 : i32
        %dma_start3A_18 = arith.constant 0 : i32
        %dma_start3A_19 = tpu.memref_slice %arg9[%run_scoped3A_16, %dma_start3A, %dma_start3A_18] : memref<2x128x128xf32, #tpu.memory_space<vmem>> -> memref<1x128x128xf32, #tpu.memory_space<vmem>>
        %dma_start3A_20 = tpu.memref_squeeze %dma_start3A_19 : memref<1x128x128xf32, #tpu.memory_space<vmem>> -> memref<128x128xf32, #tpu.memory_space<vmem>>
        %dma_start3A_21 = arith.constant 0 : i32
        %dma_start3A_22 = tpu.memref_slice %arg8[%scan3A_15, %dma_start3A_21] : memref<40x128xi32, #tpu.memory_space<vmem>> -> memref<1x128xi32, #tpu.memory_space<vmem>>
        %dma_start3A_23 = tpu.memref_squeeze %dma_start3A_22 : memref<1x128xi32, #tpu.memory_space<vmem>> -> memref<128xi32, #tpu.memory_space<vmem>>
        %dma_start3A_24 = arith.constant 0 : i32
        %dma_start3A_25 = arith.constant 0 : i32
        %dma_start3A_26 = tpu.memref_slice %arg10[%dma_start3A_24, %dma_start3A_25] : memref<10240x128xf32, #tpu.memory_space<vmem_shared>> -> memref<10240x128xf32, #tpu.memory_space<vmem_shared>>
        tpu.enqueue_indirect_dma source(%dma_start3A_20 : memref<128x128xf32, #tpu.memory_space<vmem>>) target(%dma_start3A_26 : memref<10240x128xf32, #tpu.memory_space<vmem_shared>>) offsets(%dma_start3A_23 : memref<128xi32, #tpu.memory_space<vmem>>) semaphore(%run_scoped3A_17 : memref<!tpu.dma_semaphore, #tpu.memory_space<semaphore_mem>>) {add = true}
        %dma_wait3A = arith.constant 0 : i32
        %dma_wait3A_27 = arith.constant 0 : i32
        %dma_wait3A_28 = tpu.memref_slice %arg9[%run_scoped3A_16, %dma_wait3A, %dma_wait3A_27] : memref<2x128x128xf32, #tpu.memory_space<vmem>> -> memref<1x128x128xf32, #tpu.memory_space<vmem>>
        %dma_wait3A_29 = tpu.memref_squeeze %dma_wait3A_28 : memref<1x128x128xf32, #tpu.memory_space<vmem>> -> memref<128x128xf32, #tpu.memory_space<vmem>>
        %dma_wait3A_30 = arith.constant 0 : i32
        %dma_wait3A_31 = tpu.memref_slice %arg8[%scan3A_15, %dma_wait3A_30] : memref<40x128xi32, #tpu.memory_space<vmem>> -> memref<1x128xi32, #tpu.memory_space<vmem>>
        %dma_wait3A_32 = tpu.memref_squeeze %dma_wait3A_31 : memref<1x128xi32, #tpu.memory_space<vmem>> -> memref<128xi32, #tpu.memory_space<vmem>>
        %dma_wait3A_33 = arith.constant 0 : i32
        %dma_wait3A_34 = arith.constant 0 : i32
        %dma_wait3A_35 = tpu.memref_slice %arg10[%dma_wait3A_33, %dma_wait3A_34] : memref<10240x128xf32, #tpu.memory_space<vmem_shared>> -> memref<10240x128xf32, #tpu.memory_space<vmem_shared>>
        tpu.wait_indirect_dma semaphore(%run_scoped3A_17 : memref<!tpu.dma_semaphore, #tpu.memory_space<semaphore_mem>>) src(%dma_wait3A_29 : memref<128x128xf32, #tpu.memory_space<vmem>>) dst(%dma_wait3A_35 : memref<10240x128xf32, #tpu.memory_space<vmem_shared>>)
        tpu.yield
      }) : () -> ()
    }
    %scan3A_7 = arith.constant 40 : i32
    "tpu.region"() ({
      %run_scoped3A = tpu.sem_alloc : memref<!tpu.dma_semaphore, #tpu.memory_space<semaphore_mem>>
      %dma_start3A = arith.constant 40 : i32
      %dma_start3A_15 = arith.constant 0 : i32
      %dma_start3A_16 = tpu.memref_slice %arg3[%add3A, %dma_start3A, %dma_start3A_15] : memref<32x80x128xi32, #tpu.memory_space<hbm>> -> memref<1x40x128xi32, #tpu.memory_space<hbm>>
      %dma_start3A_17 = tpu.memref_squeeze %dma_start3A_16 : memref<1x40x128xi32, #tpu.memory_space<hbm>> -> memref<40x128xi32, #tpu.memory_space<hbm>>
      %dma_start3A_18 = arith.constant 40 : i32
      %dma_start3A_19 = arith.constant 0 : i32
      %dma_start3A_20 = tpu.memref_slice %arg3[%add3A, %dma_start3A_18, %dma_start3A_19] : memref<32x80x128xi32, #tpu.memory_space<hbm>> -> memref<1x40x128xi32, #tpu.memory_space<hbm>>
      %dma_start3A_21 = tpu.memref_squeeze %dma_start3A_20 : memref<1x40x128xi32, #tpu.memory_space<hbm>> -> memref<40x128xi32, #tpu.memory_space<hbm>>
      tpu.enqueue_dma source(%dma_start3A_21 : memref<40x128xi32, #tpu.memory_space<hbm>>) target(%arg7 : memref<40x128xi32, #tpu.memory_space<vmem>>) target_semaphore(%run_scoped3A : memref<!tpu.dma_semaphore, #tpu.memory_space<semaphore_mem>>)
      %dma_wait3A = arith.constant 40 : i32
      %dma_wait3A_22 = arith.constant 0 : i32
      %dma_wait3A_23 = tpu.memref_slice %arg3[%add3A, %dma_wait3A, %dma_wait3A_22] : memref<32x80x128xi32, #tpu.memory_space<hbm>> -> memref<1x40x128xi32, #tpu.memory_space<hbm>>
      %dma_wait3A_24 = tpu.memref_squeeze %dma_wait3A_23 : memref<1x40x128xi32, #tpu.memory_space<hbm>> -> memref<40x128xi32, #tpu.memory_space<hbm>>
      %dma_wait3A_25 = arith.constant 40 : i32
      %dma_wait3A_26 = arith.constant 0 : i32
      %dma_wait3A_27 = tpu.memref_slice %arg3[%add3A, %dma_wait3A_25, %dma_wait3A_26] : memref<32x80x128xi32, #tpu.memory_space<hbm>> -> memref<1x40x128xi32, #tpu.memory_space<hbm>>
      %dma_wait3A_28 = tpu.memref_squeeze %dma_wait3A_27 : memref<1x40x128xi32, #tpu.memory_space<hbm>> -> memref<40x128xi32, #tpu.memory_space<hbm>>
      tpu.wait_dma2 semaphore(%run_scoped3A : memref<!tpu.dma_semaphore, #tpu.memory_space<semaphore_mem>>) src(%dma_wait3A_28 : memref<40x128xi32, #tpu.memory_space<hbm>>) dst(%arg7 : memref<40x128xi32, #tpu.memory_space<vmem>>)
      tpu.yield
    }) : () -> ()
    "tpu.region"() ({
      %run_scoped3A = tpu.sem_alloc : memref<!tpu.dma_semaphore, #tpu.memory_space<semaphore_mem>>
      %dma_start3A = arith.constant 40 : i32
      %dma_start3A_15 = arith.constant 0 : i32
      %dma_start3A_16 = tpu.memref_slice %arg4[%add3A, %dma_start3A, %dma_start3A_15] : memref<32x80x128xi32, #tpu.memory_space<hbm>> -> memref<1x40x128xi32, #tpu.memory_space<hbm>>
      %dma_start3A_17 = tpu.memref_squeeze %dma_start3A_16 : memref<1x40x128xi32, #tpu.memory_space<hbm>> -> memref<40x128xi32, #tpu.memory_space<hbm>>
      %dma_start3A_18 = arith.constant 40 : i32
      %dma_start3A_19 = arith.constant 0 : i32
      %dma_start3A_20 = tpu.memref_slice %arg4[%add3A, %dma_start3A_18, %dma_start3A_19] : memref<32x80x128xi32, #tpu.memory_space<hbm>> -> memref<1x40x128xi32, #tpu.memory_space<hbm>>
      %dma_start3A_21 = tpu.memref_squeeze %dma_start3A_20 : memref<1x40x128xi32, #tpu.memory_space<hbm>> -> memref<40x128xi32, #tpu.memory_space<hbm>>
      tpu.enqueue_dma source(%dma_start3A_21 : memref<40x128xi32, #tpu.memory_space<hbm>>) target(%arg8 : memref<40x128xi32, #tpu.memory_space<vmem>>) target_semaphore(%run_scoped3A : memref<!tpu.dma_semaphore, #tpu.memory_space<semaphore_mem>>)
      %dma_wait3A = arith.constant 40 : i32
      %dma_wait3A_22 = arith.constant 0 : i32
      %dma_wait3A_23 = tpu.memref_slice %arg4[%add3A, %dma_wait3A, %dma_wait3A_22] : memref<32x80x128xi32, #tpu.memory_space<hbm>> -> memref<1x40x128xi32, #tpu.memory_space<hbm>>
      %dma_wait3A_24 = tpu.memref_squeeze %dma_wait3A_23 : memref<1x40x128xi32, #tpu.memory_space<hbm>> -> memref<40x128xi32, #tpu.memory_space<hbm>>
      %dma_wait3A_25 = arith.constant 40 : i32
      %dma_wait3A_26 = arith.constant 0 : i32
      %dma_wait3A_27 = tpu.memref_slice %arg4[%add3A, %dma_wait3A_25, %dma_wait3A_26] : memref<32x80x128xi32, #tpu.memory_space<hbm>> -> memref<1x40x128xi32, #tpu.memory_space<hbm>>
      %dma_wait3A_28 = tpu.memref_squeeze %dma_wait3A_27 : memref<1x40x128xi32, #tpu.memory_space<hbm>> -> memref<40x128xi32, #tpu.memory_space<hbm>>
      tpu.wait_dma2 semaphore(%run_scoped3A : memref<!tpu.dma_semaphore, #tpu.memory_space<semaphore_mem>>) src(%dma_wait3A_28 : memref<40x128xi32, #tpu.memory_space<hbm>>) dst(%arg8 : memref<40x128xi32, #tpu.memory_space<vmem>>)
      tpu.yield
    }) : () -> ()
    %scan3A_8 = arith.constant 0 : i32
    %scan3A_9 = arith.constant 0 : i32
    %scan3A_10 = arith.constant 40 : i32
    %scan3A_11 = arith.addi %scan3A_9, %scan3A_10 : i32
    %scan3A_12 = arith.constant 1 : i32
    scf.for %scan3A_15 = %scan3A_9 to %scan3A_11 step %scan3A_12  : i32 {
      %run_scoped3A = arith.constant 0 : i32
      "tpu.region"() ({
        %run_scoped3A_17 = tpu.sem_alloc : memref<!tpu.dma_semaphore, #tpu.memory_space<semaphore_mem>>
        %dma_start3A = arith.constant 0 : i32
        %dma_start3A_18 = arith.constant 0 : i32
        %dma_start3A_19 = tpu.memref_slice %arg9[%run_scoped3A, %dma_start3A, %dma_start3A_18] : memref<2x128x128xf32, #tpu.memory_space<vmem>> -> memref<1x128x128xf32, #tpu.memory_space<vmem>>
        %dma_start3A_20 = tpu.memref_squeeze %dma_start3A_19 : memref<1x128x128xf32, #tpu.memory_space<vmem>> -> memref<128x128xf32, #tpu.memory_space<vmem>>
        %dma_start3A_21 = arith.constant 0 : i32
        %dma_start3A_22 = tpu.memref_slice %arg7[%scan3A_15, %dma_start3A_21] : memref<40x128xi32, #tpu.memory_space<vmem>> -> memref<1x128xi32, #tpu.memory_space<vmem>>
        %dma_start3A_23 = tpu.memref_squeeze %dma_start3A_22 : memref<1x128xi32, #tpu.memory_space<vmem>> -> memref<128xi32, #tpu.memory_space<vmem>>
        %dma_start3A_24 = arith.constant 0 : i32
        %dma_start3A_25 = arith.constant 0 : i32
        %dma_start3A_26 = tpu.memref_slice %arg2[%dma_start3A_24, %dma_start3A_25] : memref<10240x128xf32, #tpu.memory_space<hbm>> -> memref<10240x128xf32, #tpu.memory_space<hbm>>
        tpu.enqueue_indirect_dma source(%dma_start3A_26 : memref<10240x128xf32, #tpu.memory_space<hbm>>) target(%dma_start3A_20 : memref<128x128xf32, #tpu.memory_space<vmem>>) offsets(%dma_start3A_23 : memref<128xi32, #tpu.memory_space<vmem>>) semaphore(%run_scoped3A_17 : memref<!tpu.dma_semaphore, #tpu.memory_space<semaphore_mem>>)
        %dma_wait3A = arith.constant 0 : i32
        %dma_wait3A_27 = arith.constant 0 : i32
        %dma_wait3A_28 = tpu.memref_slice %arg9[%run_scoped3A, %dma_wait3A, %dma_wait3A_27] : memref<2x128x128xf32, #tpu.memory_space<vmem>> -> memref<1x128x128xf32, #tpu.memory_space<vmem>>
        %dma_wait3A_29 = tpu.memref_squeeze %dma_wait3A_28 : memref<1x128x128xf32, #tpu.memory_space<vmem>> -> memref<128x128xf32, #tpu.memory_space<vmem>>
        %dma_wait3A_30 = arith.constant 0 : i32
        %dma_wait3A_31 = tpu.memref_slice %arg7[%scan3A_15, %dma_wait3A_30] : memref<40x128xi32, #tpu.memory_space<vmem>> -> memref<1x128xi32, #tpu.memory_space<vmem>>
        %dma_wait3A_32 = tpu.memref_squeeze %dma_wait3A_31 : memref<1x128xi32, #tpu.memory_space<vmem>> -> memref<128xi32, #tpu.memory_space<vmem>>
        %dma_wait3A_33 = arith.constant 0 : i32
        %dma_wait3A_34 = arith.constant 0 : i32
        %dma_wait3A_35 = tpu.memref_slice %arg2[%dma_wait3A_33, %dma_wait3A_34] : memref<10240x128xf32, #tpu.memory_space<hbm>> -> memref<10240x128xf32, #tpu.memory_space<hbm>>
        tpu.wait_indirect_dma semaphore(%run_scoped3A_17 : memref<!tpu.dma_semaphore, #tpu.memory_space<semaphore_mem>>) src(%dma_wait3A_35 : memref<10240x128xf32, #tpu.memory_space<hbm>>) dst(%dma_wait3A_29 : memref<128x128xf32, #tpu.memory_space<vmem>>)
        tpu.yield
      }) : () -> ()
      %run_scoped3A_16 = arith.constant 0 : i32
      "tpu.region"() ({
        %run_scoped3A_17 = tpu.sem_alloc : memref<!tpu.dma_semaphore, #tpu.memory_space<semaphore_mem>>
        %dma_start3A = arith.constant 0 : i32
        %dma_start3A_18 = arith.constant 0 : i32
        %dma_start3A_19 = tpu.memref_slice %arg9[%run_scoped3A_16, %dma_start3A, %dma_start3A_18] : memref<2x128x128xf32, #tpu.memory_space<vmem>> -> memref<1x128x128xf32, #tpu.memory_space<vmem>>
        %dma_start3A_20 = tpu.memref_squeeze %dma_start3A_19 : memref<1x128x128xf32, #tpu.memory_space<vmem>> -> memref<128x128xf32, #tpu.memory_space<vmem>>
        %dma_start3A_21 = arith.constant 0 : i32
        %dma_start3A_22 = tpu.memref_slice %arg8[%scan3A_15, %dma_start3A_21] : memref<40x128xi32, #tpu.memory_space<vmem>> -> memref<1x128xi32, #tpu.memory_space<vmem>>
        %dma_start3A_23 = tpu.memref_squeeze %dma_start3A_22 : memref<1x128xi32, #tpu.memory_space<vmem>> -> memref<128xi32, #tpu.memory_space<vmem>>
        %dma_start3A_24 = arith.constant 0 : i32
        %dma_start3A_25 = arith.constant 0 : i32
        %dma_start3A_26 = tpu.memref_slice %arg10[%dma_start3A_24, %dma_start3A_25] : memref<10240x128xf32, #tpu.memory_space<vmem_shared>> -> memref<10240x128xf32, #tpu.memory_space<vmem_shared>>
        tpu.enqueue_indirect_dma source(%dma_start3A_20 : memref<128x128xf32, #tpu.memory_space<vmem>>) target(%dma_start3A_26 : memref<10240x128xf32, #tpu.memory_space<vmem_shared>>) offsets(%dma_start3A_23 : memref<128xi32, #tpu.memory_space<vmem>>) semaphore(%run_scoped3A_17 : memref<!tpu.dma_semaphore, #tpu.memory_space<semaphore_mem>>) {add = true}
        %dma_wait3A = arith.constant 0 : i32
        %dma_wait3A_27 = arith.constant 0 : i32
        %dma_wait3A_28 = tpu.memref_slice %arg9[%run_scoped3A_16, %dma_wait3A, %dma_wait3A_27] : memref<2x128x128xf32, #tpu.memory_space<vmem>> -> memref<1x128x128xf32, #tpu.memory_space<vmem>>
        %dma_wait3A_29 = tpu.memref_squeeze %dma_wait3A_28 : memref<1x128x128xf32, #tpu.memory_space<vmem>> -> memref<128x128xf32, #tpu.memory_space<vmem>>
        %dma_wait3A_30 = arith.constant 0 : i32
        %dma_wait3A_31 = tpu.memref_slice %arg8[%scan3A_15, %dma_wait3A_30] : memref<40x128xi32, #tpu.memory_space<vmem>> -> memref<1x128xi32, #tpu.memory_space<vmem>>
        %dma_wait3A_32 = tpu.memref_squeeze %dma_wait3A_31 : memref<1x128xi32, #tpu.memory_space<vmem>> -> memref<128xi32, #tpu.memory_space<vmem>>
        %dma_wait3A_33 = arith.constant 0 : i32
        %dma_wait3A_34 = arith.constant 0 : i32
        %dma_wait3A_35 = tpu.memref_slice %arg10[%dma_wait3A_33, %dma_wait3A_34] : memref<10240x128xf32, #tpu.memory_space<vmem_shared>> -> memref<10240x128xf32, #tpu.memory_space<vmem_shared>>
        tpu.wait_indirect_dma semaphore(%run_scoped3A_17 : memref<!tpu.dma_semaphore, #tpu.memory_space<semaphore_mem>>) src(%dma_wait3A_29 : memref<128x128xf32, #tpu.memory_space<vmem>>) dst(%dma_wait3A_35 : memref<10240x128xf32, #tpu.memory_space<vmem_shared>>)
        tpu.yield
      }) : () -> ()
    }
    %scan3A_13 = arith.constant 40 : i32
    %barrier3A_14 = arith.constant 0 : index
    tpu.barrier barrier_id(%barrier3A_14)
    "tpu.region"() ({
      %run_scoped3A = tpu.sem_alloc : memref<!tpu.dma_semaphore, #tpu.memory_space<semaphore_mem>>
      %dma_start3A = arith.constant 0 : i32
      %dma_start3A_15 = tpu.memref_slice %arg6[%arg0, %mul3A_2, %dma_start3A] : memref<2x10240x128xf32, #tpu.memory_space<hbm>> -> memref<1x640x128xf32, #tpu.memory_space<hbm>>
      %dma_start3A_16 = tpu.memref_squeeze %dma_start3A_15 : memref<1x640x128xf32, #tpu.memory_space<hbm>> -> memref<640x128xf32, #tpu.memory_space<hbm>>
      %dma_start3A_17 = arith.constant 0 : i32
      %dma_start3A_18 = tpu.memref_slice %arg10[%mul3A_2, %dma_start3A_17] : memref<10240x128xf32, #tpu.memory_space<vmem_shared>> -> memref<640x128xf32, #tpu.memory_space<vmem_shared>>
      tpu.enqueue_dma source(%dma_start3A_18 : memref<640x128xf32, #tpu.memory_space<vmem_shared>>) target(%dma_start3A_16 : memref<640x128xf32, #tpu.memory_space<hbm>>) target_semaphore(%run_scoped3A : memref<!tpu.dma_semaphore, #tpu.memory_space<semaphore_mem>>)
      %dma_wait3A = arith.constant 0 : i32
      %dma_wait3A_19 = tpu.memref_slice %arg6[%arg0, %mul3A_2, %dma_wait3A] : memref<2x10240x128xf32, #tpu.memory_space<hbm>> -> memref<1x640x128xf32, #tpu.memory_space<hbm>>
      %dma_wait3A_20 = tpu.memref_squeeze %dma_wait3A_19 : memref<1x640x128xf32, #tpu.memory_space<hbm>> -> memref<640x128xf32, #tpu.memory_space<hbm>>
      %dma_wait3A_21 = arith.constant 0 : i32
      %dma_wait3A_22 = tpu.memref_slice %arg10[%mul3A_2, %dma_wait3A_21] : memref<10240x128xf32, #tpu.memory_space<vmem_shared>> -> memref<640x128xf32, #tpu.memory_space<vmem_shared>>
      tpu.wait_dma2 semaphore(%run_scoped3A : memref<!tpu.dma_semaphore, #tpu.memory_space<semaphore_mem>>) src(%dma_wait3A_22 : memref<640x128xf32, #tpu.memory_space<vmem_shared>>) dst(%dma_wait3A_20 : memref<640x128xf32, #tpu.memory_space<hbm>>)
      tpu.yield
    }) : () -> ()
    return
  }
}

#map = affine_map<(d0, d1) -> (0, 0)>
#map1 = affine_map<(d0, d1) -> (0, 0, 0)>
module attributes {stable_mosaic.version = 14 : i64} {
  func.func @body(%arg0: i32, %arg1: i32, %arg2: memref<10240x128xf32, #tpu.memory_space<hbm>>, %arg3: memref<32x80x128xi32, #tpu.memory_space<hbm>>, %arg4: memref<32x80x128xi32, #tpu.memory_space<hbm>>, %arg5: memref<640x128xf32, #tpu.memory_space<hbm>>, %arg6: memref<2x10240x128xf32, #tpu.memory_space<hbm>>, %arg7: memref<40x128xi32, #tpu.memory_space<vmem>>, %arg8: memref<40x128xi32, #tpu.memory_space<vmem>>, %arg9: memref<2x128x128xf32, #tpu.memory_space<vmem>>, %arg10: memref<10240x128xf32, #tpu.memory_space<vmem_shared>>) attributes {dimension_semantics = [#tpu.dimension_semantics<core_parallel>, #tpu.dimension_semantics<subcore_parallel>], iteration_bounds = array<i64: 2, 16>, scalar_prefetch = 0 : i64, scratch_operands = 4 : i64, tpu.core_type = #tpu.core_type<sc_vector_subcore>, window_params = [{transform_indices = #map}, {transform_indices = #map1}, {transform_indices = #map1}, {transform_indices = #map}, {transform_indices = #map1}]} {
    %mul3A = arith.constant 2 : i32
    %mul3A_0 = arith.muli %arg1, %mul3A : i32
    %add3A = arith.addi %mul3A_0, %arg0 : i32
    %mul3A_1 = arith.constant 640 : i32
    %mul3A_2 = arith.muli %arg1, %mul3A_1 : i32
    "tpu.region"() ({
      %run_scoped3A = tpu.sem_alloc : memref<!tpu.dma_semaphore, #tpu.memory_space<semaphore_mem>>
      %dma_start3A = arith.constant 0 : i32
      %dma_start3A_15 = tpu.memref_slice %arg10[%mul3A_2, %dma_start3A] : memref<10240x128xf32, #tpu.memory_space<vmem_shared>> -> memref<640x128xf32, #tpu.memory_space<vmem_shared>>
      tpu.enqueue_dma source(%arg5 : memref<640x128xf32, #tpu.memory_space<hbm>>) target(%dma_start3A_15 : memref<640x128xf32, #tpu.memory_space<vmem_shared>>) target_semaphore(%run_scoped3A : memref<!tpu.dma_semaphore, #tpu.memory_space<semaphore_mem>>)
      %dma_wait3A = arith.constant 0 : i32
      %dma_wait3A_16 = tpu.memref_slice %arg10[%mul3A_2, %dma_wait3A] : memref<10240x128xf32, #tpu.memory_space<vmem_shared>> -> memref<640x128xf32, #tpu.memory_space<vmem_shared>>
      tpu.wait_dma2 semaphore(%run_scoped3A : memref<!tpu.dma_semaphore, #tpu.memory_space<semaphore_mem>>) src(%arg5 : memref<640x128xf32, #tpu.memory_space<hbm>>) dst(%dma_wait3A_16 : memref<640x128xf32, #tpu.memory_space<vmem_shared>>)
      tpu.yield
    }) : () -> ()
    %barrier3A = arith.constant 0 : index
    tpu.barrier barrier_id(%barrier3A)
    "tpu.region"() ({
      %run_scoped3A = tpu.sem_alloc : memref<!tpu.dma_semaphore, #tpu.memory_space<semaphore_mem>>
      %dma_start3A = arith.constant 0 : i32
      %dma_start3A_15 = arith.constant 0 : i32
      %dma_start3A_16 = tpu.memref_slice %arg3[%add3A, %dma_start3A, %dma_start3A_15] : memref<32x80x128xi32, #tpu.memory_space<hbm>> -> memref<1x40x128xi32, #tpu.memory_space<hbm>>
      %dma_start3A_17 = tpu.memref_squeeze %dma_start3A_16 : memref<1x40x128xi32, #tpu.memory_space<hbm>> -> memref<40x128xi32, #tpu.memory_space<hbm>>
      %dma_start3A_18 = arith.constant 0 : i32
      %dma_start3A_19 = arith.constant 0 : i32
      %dma_start3A_20 = tpu.memref_slice %arg3[%add3A, %dma_start3A_18, %dma_start3A_19] : memref<32x80x128xi32, #tpu.memory_space<hbm>> -> memref<1x40x128xi32, #tpu.memory_space<hbm>>
      %dma_start3A_21 = tpu.memref_squeeze %dma_start3A_20 : memref<1x40x128xi32, #tpu.memory_space<hbm>> -> memref<40x128xi32, #tpu.memory_space<hbm>>
      tpu.enqueue_dma source(%dma_start3A_21 : memref<40x128xi32, #tpu.memory_space<hbm>>) target(%arg7 : memref<40x128xi32, #tpu.memory_space<vmem>>) target_semaphore(%run_scoped3A : memref<!tpu.dma_semaphore, #tpu.memory_space<semaphore_mem>>)
      %dma_wait3A = arith.constant 0 : i32
      %dma_wait3A_22 = arith.constant 0 : i32
      %dma_wait3A_23 = tpu.memref_slice %arg3[%add3A, %dma_wait3A, %dma_wait3A_22] : memref<32x80x128xi32, #tpu.memory_space<hbm>> -> memref<1x40x128xi32, #tpu.memory_space<hbm>>
      %dma_wait3A_24 = tpu.memref_squeeze %dma_wait3A_23 : memref<1x40x128xi32, #tpu.memory_space<hbm>> -> memref<40x128xi32, #tpu.memory_space<hbm>>
      %dma_wait3A_25 = arith.constant 0 : i32
      %dma_wait3A_26 = arith.constant 0 : i32
      %dma_wait3A_27 = tpu.memref_slice %arg3[%add3A, %dma_wait3A_25, %dma_wait3A_26] : memref<32x80x128xi32, #tpu.memory_space<hbm>> -> memref<1x40x128xi32, #tpu.memory_space<hbm>>
      %dma_wait3A_28 = tpu.memref_squeeze %dma_wait3A_27 : memref<1x40x128xi32, #tpu.memory_space<hbm>> -> memref<40x128xi32, #tpu.memory_space<hbm>>
      tpu.wait_dma2 semaphore(%run_scoped3A : memref<!tpu.dma_semaphore, #tpu.memory_space<semaphore_mem>>) src(%dma_wait3A_28 : memref<40x128xi32, #tpu.memory_space<hbm>>) dst(%arg7 : memref<40x128xi32, #tpu.memory_space<vmem>>)
      tpu.yield
    }) : () -> ()
    "tpu.region"() ({
      %run_scoped3A = tpu.sem_alloc : memref<!tpu.dma_semaphore, #tpu.memory_space<semaphore_mem>>
      %dma_start3A = arith.constant 0 : i32
      %dma_start3A_15 = arith.constant 0 : i32
      %dma_start3A_16 = tpu.memref_slice %arg4[%add3A, %dma_start3A, %dma_start3A_15] : memref<32x80x128xi32, #tpu.memory_space<hbm>> -> memref<1x40x128xi32, #tpu.memory_space<hbm>>
      %dma_start3A_17 = tpu.memref_squeeze %dma_start3A_16 : memref<1x40x128xi32, #tpu.memory_space<hbm>> -> memref<40x128xi32, #tpu.memory_space<hbm>>
      %dma_start3A_18 = arith.constant 0 : i32
      %dma_start3A_19 = arith.constant 0 : i32
      %dma_start3A_20 = tpu.memref_slice %arg4[%add3A, %dma_start3A_18, %dma_start3A_19] : memref<32x80x128xi32, #tpu.memory_space<hbm>> -> memref<1x40x128xi32, #tpu.memory_space<hbm>>
      %dma_start3A_21 = tpu.memref_squeeze %dma_start3A_20 : memref<1x40x128xi32, #tpu.memory_space<hbm>> -> memref<40x128xi32, #tpu.memory_space<hbm>>
      tpu.enqueue_dma source(%dma_start3A_21 : memref<40x128xi32, #tpu.memory_space<hbm>>) target(%arg8 : memref<40x128xi32, #tpu.memory_space<vmem>>) target_semaphore(%run_scoped3A : memref<!tpu.dma_semaphore, #tpu.memory_space<semaphore_mem>>)
      %dma_wait3A = arith.constant 0 : i32
      %dma_wait3A_22 = arith.constant 0 : i32
      %dma_wait3A_23 = tpu.memref_slice %arg4[%add3A, %dma_wait3A, %dma_wait3A_22] : memref<32x80x128xi32, #tpu.memory_space<hbm>> -> memref<1x40x128xi32, #tpu.memory_space<hbm>>
      %dma_wait3A_24 = tpu.memref_squeeze %dma_wait3A_23 : memref<1x40x128xi32, #tpu.memory_space<hbm>> -> memref<40x128xi32, #tpu.memory_space<hbm>>
      %dma_wait3A_25 = arith.constant 0 : i32
      %dma_wait3A_26 = arith.constant 0 : i32
      %dma_wait3A_27 = tpu.memref_slice %arg4[%add3A, %dma_wait3A_25, %dma_wait3A_26] : memref<32x80x128xi32, #tpu.memory_space<hbm>> -> memref<1x40x128xi32, #tpu.memory_space<hbm>>
      %dma_wait3A_28 = tpu.memref_squeeze %dma_wait3A_27 : memref<1x40x128xi32, #tpu.memory_space<hbm>> -> memref<40x128xi32, #tpu.memory_space<hbm>>
      tpu.wait_dma2 semaphore(%run_scoped3A : memref<!tpu.dma_semaphore, #tpu.memory_space<semaphore_mem>>) src(%dma_wait3A_28 : memref<40x128xi32, #tpu.memory_space<hbm>>) dst(%arg8 : memref<40x128xi32, #tpu.memory_space<vmem>>)
      tpu.yield
    }) : () -> ()
    %scan3A = arith.constant 0 : i32
    %scan3A_3 = arith.constant 0 : i32
    %scan3A_4 = arith.constant 40 : i32
    %scan3A_5 = arith.addi %scan3A_3, %scan3A_4 : i32
    %scan3A_6 = arith.constant 1 : i32
    scf.for %scan3A_15 = %scan3A_3 to %scan3A_5 step %scan3A_6  : i32 {
      %run_scoped3A = arith.constant 0 : i32
      "tpu.region"() ({
        %run_scoped3A_17 = tpu.sem_alloc : memref<!tpu.dma_semaphore, #tpu.memory_space<semaphore_mem>>
        %dma_start3A = arith.constant 0 : i32
        %dma_start3A_18 = arith.constant 0 : i32
        %dma_start3A_19 = tpu.memref_slice %arg9[%run_scoped3A, %dma_start3A, %dma_start3A_18] : memref<2x128x128xf32, #tpu.memory_space<vmem>> -> memref<1x128x128xf32, #tpu.memory_space<vmem>>
        %dma_start3A_20 = tpu.memref_squeeze %dma_start3A_19 : memref<1x128x128xf32, #tpu.memory_space<vmem>> -> memref<128x128xf32, #tpu.memory_space<vmem>>
        %dma_start3A_21 = arith.constant 0 : i32
        %dma_start3A_22 = tpu.memref_slice %arg7[%scan3A_15, %dma_start3A_21] : memref<40x128xi32, #tpu.memory_space<vmem>> -> memref<1x128xi32, #tpu.memory_space<vmem>>
        %dma_start3A_23 = tpu.memref_squeeze %dma_start3A_22 : memref<1x128xi32, #tpu.memory_space<vmem>> -> memref<128xi32, #tpu.memory_space<vmem>>
        %dma_start3A_24 = arith.constant 0 : i32
        %dma_start3A_25 = arith.constant 0 : i32
        %dma_start3A_26 = tpu.memref_slice %arg2[%dma_start3A_24, %dma_start3A_25] : memref<10240x128xf32, #tpu.memory_space<hbm>> -> memref<10240x128xf32, #tpu.memory_space<hbm>>
        tpu.enqueue_indirect_dma source(%dma_start3A_26 : memref<10240x128xf32, #tpu.memory_space<hbm>>) target(%dma_start3A_20 : memref<128x128xf32, #tpu.memory_space<vmem>>) offsets(%dma_start3A_23 : memref<128xi32, #tpu.memory_space<vmem>>) semaphore(%run_scoped3A_17 : memref<!tpu.dma_semaphore, #tpu.memory_space<semaphore_mem>>)
        %dma_wait3A = arith.constant 0 : i32
        %dma_wait3A_27 = arith.constant 0 : i32
        %dma_wait3A_28 = tpu.memref_slice %arg9[%run_scoped3A, %dma_wait3A, %dma_wait3A_27] : memref<2x128x128xf32, #tpu.memory_space<vmem>> -> memref<1x128x128xf32, #tpu.memory_space<vmem>>
        %dma_wait3A_29 = tpu.memref_squeeze %dma_wait3A_28 : memref<1x128x128xf32, #tpu.memory_space<vmem>> -> memref<128x128xf32, #tpu.memory_space<vmem>>
        %dma_wait3A_30 = arith.constant 0 : i32
        %dma_wait3A_31 = tpu.memref_slice %arg7[%scan3A_15, %dma_wait3A_30] : memref<40x128xi32, #tpu.memory_space<vmem>> -> memref<1x128xi32, #tpu.memory_space<vmem>>
        %dma_wait3A_32 = tpu.memref_squeeze %dma_wait3A_31 : memref<1x128xi32, #tpu.memory_space<vmem>> -> memref<128xi32, #tpu.memory_space<vmem>>
        %dma_wait3A_33 = arith.constant 0 : i32
        %dma_wait3A_34 = arith.constant 0 : i32
        %dma_wait3A_35 = tpu.memref_slice %arg2[%dma_wait3A_33, %dma_wait3A_34] : memref<10240x128xf32, #tpu.memory_space<hbm>> -> memref<10240x128xf32, #tpu.memory_space<hbm>>
        tpu.wait_indirect_dma semaphore(%run_scoped3A_17 : memref<!tpu.dma_semaphore, #tpu.memory_space<semaphore_mem>>) src(%dma_wait3A_35 : memref<10240x128xf32, #tpu.memory_space<hbm>>) dst(%dma_wait3A_29 : memref<128x128xf32, #tpu.memory_space<vmem>>)
        tpu.yield
      }) : () -> ()
      %run_scoped3A_16 = arith.constant 0 : i32
      "tpu.region"() ({
        %run_scoped3A_17 = tpu.sem_alloc : memref<!tpu.dma_semaphore, #tpu.memory_space<semaphore_mem>>
        %dma_start3A = arith.constant 0 : i32
        %dma_start3A_18 = arith.constant 0 : i32
        %dma_start3A_19 = tpu.memref_slice %arg9[%run_scoped3A_16, %dma_start3A, %dma_start3A_18] : memref<2x128x128xf32, #tpu.memory_space<vmem>> -> memref<1x128x128xf32, #tpu.memory_space<vmem>>
        %dma_start3A_20 = tpu.memref_squeeze %dma_start3A_19 : memref<1x128x128xf32, #tpu.memory_space<vmem>> -> memref<128x128xf32, #tpu.memory_space<vmem>>
        %dma_start3A_21 = arith.constant 0 : i32
        %dma_start3A_22 = tpu.memref_slice %arg8[%scan3A_15, %dma_start3A_21] : memref<40x128xi32, #tpu.memory_space<vmem>> -> memref<1x128xi32, #tpu.memory_space<vmem>>
        %dma_start3A_23 = tpu.memref_squeeze %dma_start3A_22 : memref<1x128xi32, #tpu.memory_space<vmem>> -> memref<128xi32, #tpu.memory_space<vmem>>
        %dma_start3A_24 = arith.constant 0 : i32
        %dma_start3A_25 = arith.constant 0 : i32
        %dma_start3A_26 = tpu.memref_slice %arg10[%dma_start3A_24, %dma_start3A_25] : memref<10240x128xf32, #tpu.memory_space<vmem_shared>> -> memref<10240x128xf32, #tpu.memory_space<vmem_shared>>
        tpu.enqueue_indirect_dma source(%dma_start3A_20 : memref<128x128xf32, #tpu.memory_space<vmem>>) target(%dma_start3A_26 : memref<10240x128xf32, #tpu.memory_space<vmem_shared>>) offsets(%dma_start3A_23 : memref<128xi32, #tpu.memory_space<vmem>>) semaphore(%run_scoped3A_17 : memref<!tpu.dma_semaphore, #tpu.memory_space<semaphore_mem>>) {add = true}
        %dma_wait3A = arith.constant 0 : i32
        %dma_wait3A_27 = arith.constant 0 : i32
        %dma_wait3A_28 = tpu.memref_slice %arg9[%run_scoped3A_16, %dma_wait3A, %dma_wait3A_27] : memref<2x128x128xf32, #tpu.memory_space<vmem>> -> memref<1x128x128xf32, #tpu.memory_space<vmem>>
        %dma_wait3A_29 = tpu.memref_squeeze %dma_wait3A_28 : memref<1x128x128xf32, #tpu.memory_space<vmem>> -> memref<128x128xf32, #tpu.memory_space<vmem>>
        %dma_wait3A_30 = arith.constant 0 : i32
        %dma_wait3A_31 = tpu.memref_slice %arg8[%scan3A_15, %dma_wait3A_30] : memref<40x128xi32, #tpu.memory_space<vmem>> -> memref<1x128xi32, #tpu.memory_space<vmem>>
        %dma_wait3A_32 = tpu.memref_squeeze %dma_wait3A_31 : memref<1x128xi32, #tpu.memory_space<vmem>> -> memref<128xi32, #tpu.memory_space<vmem>>
        %dma_wait3A_33 = arith.constant 0 : i32
        %dma_wait3A_34 = arith.constant 0 : i32
        %dma_wait3A_35 = tpu.memref_slice %arg10[%dma_wait3A_33, %dma_wait3A_34] : memref<10240x128xf32, #tpu.memory_space<vmem_shared>> -> memref<10240x128xf32, #tpu.memory_space<vmem_shared>>
        tpu.wait_indirect_dma semaphore(%run_scoped3A_17 : memref<!tpu.dma_semaphore, #tpu.memory_space<semaphore_mem>>) src(%dma_wait3A_29 : memref<128x128xf32, #tpu.memory_space<vmem>>) dst(%dma_wait3A_35 : memref<10240x128xf32, #tpu.memory_space<vmem_shared>>)
        tpu.yield
      }) : () -> ()
    }
    %scan3A_7 = arith.constant 40 : i32
    "tpu.region"() ({
      %run_scoped3A = tpu.sem_alloc : memref<!tpu.dma_semaphore, #tpu.memory_space<semaphore_mem>>
      %dma_start3A = arith.constant 40 : i32
      %dma_start3A_15 = arith.constant 0 : i32
      %dma_start3A_16 = tpu.memref_slice %arg3[%add3A, %dma_start3A, %dma_start3A_15] : memref<32x80x128xi32, #tpu.memory_space<hbm>> -> memref<1x40x128xi32, #tpu.memory_space<hbm>>
      %dma_start3A_17 = tpu.memref_squeeze %dma_start3A_16 : memref<1x40x128xi32, #tpu.memory_space<hbm>> -> memref<40x128xi32, #tpu.memory_space<hbm>>
      %dma_start3A_18 = arith.constant 40 : i32
      %dma_start3A_19 = arith.constant 0 : i32
      %dma_start3A_20 = tpu.memref_slice %arg3[%add3A, %dma_start3A_18, %dma_start3A_19] : memref<32x80x128xi32, #tpu.memory_space<hbm>> -> memref<1x40x128xi32, #tpu.memory_space<hbm>>
      %dma_start3A_21 = tpu.memref_squeeze %dma_start3A_20 : memref<1x40x128xi32, #tpu.memory_space<hbm>> -> memref<40x128xi32, #tpu.memory_space<hbm>>
      tpu.enqueue_dma source(%dma_start3A_21 : memref<40x128xi32, #tpu.memory_space<hbm>>) target(%arg7 : memref<40x128xi32, #tpu.memory_space<vmem>>) target_semaphore(%run_scoped3A : memref<!tpu.dma_semaphore, #tpu.memory_space<semaphore_mem>>)
      %dma_wait3A = arith.constant 40 : i32
      %dma_wait3A_22 = arith.constant 0 : i32
      %dma_wait3A_23 = tpu.memref_slice %arg3[%add3A, %dma_wait3A, %dma_wait3A_22] : memref<32x80x128xi32, #tpu.memory_space<hbm>> -> memref<1x40x128xi32, #tpu.memory_space<hbm>>
      %dma_wait3A_24 = tpu.memref_squeeze %dma_wait3A_23 : memref<1x40x128xi32, #tpu.memory_space<hbm>> -> memref<40x128xi32, #tpu.memory_space<hbm>>
      %dma_wait3A_25 = arith.constant 40 : i32
      %dma_wait3A_26 = arith.constant 0 : i32
      %dma_wait3A_27 = tpu.memref_slice %arg3[%add3A, %dma_wait3A_25, %dma_wait3A_26] : memref<32x80x128xi32, #tpu.memory_space<hbm>> -> memref<1x40x128xi32, #tpu.memory_space<hbm>>
      %dma_wait3A_28 = tpu.memref_squeeze %dma_wait3A_27 : memref<1x40x128xi32, #tpu.memory_space<hbm>> -> memref<40x128xi32, #tpu.memory_space<hbm>>
      tpu.wait_dma2 semaphore(%run_scoped3A : memref<!tpu.dma_semaphore, #tpu.memory_space<semaphore_mem>>) src(%dma_wait3A_28 : memref<40x128xi32, #tpu.memory_space<hbm>>) dst(%arg7 : memref<40x128xi32, #tpu.memory_space<vmem>>)
      tpu.yield
    }) : () -> ()
    "tpu.region"() ({
      %run_scoped3A = tpu.sem_alloc : memref<!tpu.dma_semaphore, #tpu.memory_space<semaphore_mem>>
      %dma_start3A = arith.constant 40 : i32
      %dma_start3A_15 = arith.constant 0 : i32
      %dma_start3A_16 = tpu.memref_slice %arg4[%add3A, %dma_start3A, %dma_start3A_15] : memref<32x80x128xi32, #tpu.memory_space<hbm>> -> memref<1x40x128xi32, #tpu.memory_space<hbm>>
      %dma_start3A_17 = tpu.memref_squeeze %dma_start3A_16 : memref<1x40x128xi32, #tpu.memory_space<hbm>> -> memref<40x128xi32, #tpu.memory_space<hbm>>
      %dma_start3A_18 = arith.constant 40 : i32
      %dma_start3A_19 = arith.constant 0 : i32
      %dma_start3A_20 = tpu.memref_slice %arg4[%add3A, %dma_start3A_18, %dma_start3A_19] : memref<32x80x128xi32, #tpu.memory_space<hbm>> -> memref<1x40x128xi32, #tpu.memory_space<hbm>>
      %dma_start3A_21 = tpu.memref_squeeze %dma_start3A_20 : memref<1x40x128xi32, #tpu.memory_space<hbm>> -> memref<40x128xi32, #tpu.memory_space<hbm>>
      tpu.enqueue_dma source(%dma_start3A_21 : memref<40x128xi32, #tpu.memory_space<hbm>>) target(%arg8 : memref<40x128xi32, #tpu.memory_space<vmem>>) target_semaphore(%run_scoped3A : memref<!tpu.dma_semaphore, #tpu.memory_space<semaphore_mem>>)
      %dma_wait3A = arith.constant 40 : i32
      %dma_wait3A_22 = arith.constant 0 : i32
      %dma_wait3A_23 = tpu.memref_slice %arg4[%add3A, %dma_wait3A, %dma_wait3A_22] : memref<32x80x128xi32, #tpu.memory_space<hbm>> -> memref<1x40x128xi32, #tpu.memory_space<hbm>>
      %dma_wait3A_24 = tpu.memref_squeeze %dma_wait3A_23 : memref<1x40x128xi32, #tpu.memory_space<hbm>> -> memref<40x128xi32, #tpu.memory_space<hbm>>
      %dma_wait3A_25 = arith.constant 40 : i32
      %dma_wait3A_26 = arith.constant 0 : i32
      %dma_wait3A_27 = tpu.memref_slice %arg4[%add3A, %dma_wait3A_25, %dma_wait3A_26] : memref<32x80x128xi32, #tpu.memory_space<hbm>> -> memref<1x40x128xi32, #tpu.memory_space<hbm>>
      %dma_wait3A_28 = tpu.memref_squeeze %dma_wait3A_27 : memref<1x40x128xi32, #tpu.memory_space<hbm>> -> memref<40x128xi32, #tpu.memory_space<hbm>>
      tpu.wait_dma2 semaphore(%run_scoped3A : memref<!tpu.dma_semaphore, #tpu.memory_space<semaphore_mem>>) src(%dma_wait3A_28 : memref<40x128xi32, #tpu.memory_space<hbm>>) dst(%arg8 : memref<40x128xi32, #tpu.memory_space<vmem>>)
      tpu.yield
    }) : () -> ()
    %scan3A_8 = arith.constant 0 : i32
    %scan3A_9 = arith.constant 0 : i32
    %scan3A_10 = arith.constant 40 : i32
    %scan3A_11 = arith.addi %scan3A_9, %scan3A_10 : i32
    %scan3A_12 = arith.constant 1 : i32
    scf.for %scan3A_15 = %scan3A_9 to %scan3A_11 step %scan3A_12  : i32 {
      %run_scoped3A = arith.constant 0 : i32
      "tpu.region"() ({
        %run_scoped3A_17 = tpu.sem_alloc : memref<!tpu.dma_semaphore, #tpu.memory_space<semaphore_mem>>
        %dma_start3A = arith.constant 0 : i32
        %dma_start3A_18 = arith.constant 0 : i32
        %dma_start3A_19 = tpu.memref_slice %arg9[%run_scoped3A, %dma_start3A, %dma_start3A_18] : memref<2x128x128xf32, #tpu.memory_space<vmem>> -> memref<1x128x128xf32, #tpu.memory_space<vmem>>
        %dma_start3A_20 = tpu.memref_squeeze %dma_start3A_19 : memref<1x128x128xf32, #tpu.memory_space<vmem>> -> memref<128x128xf32, #tpu.memory_space<vmem>>
        %dma_start3A_21 = arith.constant 0 : i32
        %dma_start3A_22 = tpu.memref_slice %arg7[%scan3A_15, %dma_start3A_21] : memref<40x128xi32, #tpu.memory_space<vmem>> -> memref<1x128xi32, #tpu.memory_space<vmem>>
        %dma_start3A_23 = tpu.memref_squeeze %dma_start3A_22 : memref<1x128xi32, #tpu.memory_space<vmem>> -> memref<128xi32, #tpu.memory_space<vmem>>
        %dma_start3A_24 = arith.constant 0 : i32
        %dma_start3A_25 = arith.constant 0 : i32
        %dma_start3A_26 = tpu.memref_slice %arg2[%dma_start3A_24, %dma_start3A_25] : memref<10240x128xf32, #tpu.memory_space<hbm>> -> memref<10240x128xf32, #tpu.memory_space<hbm>>
        tpu.enqueue_indirect_dma source(%dma_start3A_26 : memref<10240x128xf32, #tpu.memory_space<hbm>>) target(%dma_start3A_20 : memref<128x128xf32, #tpu.memory_space<vmem>>) offsets(%dma_start3A_23 : memref<128xi32, #tpu.memory_space<vmem>>) semaphore(%run_scoped3A_17 : memref<!tpu.dma_semaphore, #tpu.memory_space<semaphore_mem>>)
        %dma_wait3A = arith.constant 0 : i32
        %dma_wait3A_27 = arith.constant 0 : i32
        %dma_wait3A_28 = tpu.memref_slice %arg9[%run_scoped3A, %dma_wait3A, %dma_wait3A_27] : memref<2x128x128xf32, #tpu.memory_space<vmem>> -> memref<1x128x128xf32, #tpu.memory_space<vmem>>
        %dma_wait3A_29 = tpu.memref_squeeze %dma_wait3A_28 : memref<1x128x128xf32, #tpu.memory_space<vmem>> -> memref<128x128xf32, #tpu.memory_space<vmem>>
        %dma_wait3A_30 = arith.constant 0 : i32
        %dma_wait3A_31 = tpu.memref_slice %arg7[%scan3A_15, %dma_wait3A_30] : memref<40x128xi32, #tpu.memory_space<vmem>> -> memref<1x128xi32, #tpu.memory_space<vmem>>
        %dma_wait3A_32 = tpu.memref_squeeze %dma_wait3A_31 : memref<1x128xi32, #tpu.memory_space<vmem>> -> memref<128xi32, #tpu.memory_space<vmem>>
        %dma_wait3A_33 = arith.constant 0 : i32
        %dma_wait3A_34 = arith.constant 0 : i32
        %dma_wait3A_35 = tpu.memref_slice %arg2[%dma_wait3A_33, %dma_wait3A_34] : memref<10240x128xf32, #tpu.memory_space<hbm>> -> memref<10240x128xf32, #tpu.memory_space<hbm>>
        tpu.wait_indirect_dma semaphore(%run_scoped3A_17 : memref<!tpu.dma_semaphore, #tpu.memory_space<semaphore_mem>>) src(%dma_wait3A_35 : memref<10240x128xf32, #tpu.memory_space<hbm>>) dst(%dma_wait3A_29 : memref<128x128xf32, #tpu.memory_space<vmem>>)
        tpu.yield
      }) : () -> ()
      %run_scoped3A_16 = arith.constant 0 : i32
      "tpu.region"() ({
        %run_scoped3A_17 = tpu.sem_alloc : memref<!tpu.dma_semaphore, #tpu.memory_space<semaphore_mem>>
        %dma_start3A = arith.constant 0 : i32
        %dma_start3A_18 = arith.constant 0 : i32
        %dma_start3A_19 = tpu.memref_slice %arg9[%run_scoped3A_16, %dma_start3A, %dma_start3A_18] : memref<2x128x128xf32, #tpu.memory_space<vmem>> -> memref<1x128x128xf32, #tpu.memory_space<vmem>>
        %dma_start3A_20 = tpu.memref_squeeze %dma_start3A_19 : memref<1x128x128xf32, #tpu.memory_space<vmem>> -> memref<128x128xf32, #tpu.memory_space<vmem>>
        %dma_start3A_21 = arith.constant 0 : i32
        %dma_start3A_22 = tpu.memref_slice %arg8[%scan3A_15, %dma_start3A_21] : memref<40x128xi32, #tpu.memory_space<vmem>> -> memref<1x128xi32, #tpu.memory_space<vmem>>
        %dma_start3A_23 = tpu.memref_squeeze %dma_start3A_22 : memref<1x128xi32, #tpu.memory_space<vmem>> -> memref<128xi32, #tpu.memory_space<vmem>>
        %dma_start3A_24 = arith.constant 0 : i32
        %dma_start3A_25 = arith.constant 0 : i32
        %dma_start3A_26 = tpu.memref_slice %arg10[%dma_start3A_24, %dma_start3A_25] : memref<10240x128xf32, #tpu.memory_space<vmem_shared>> -> memref<10240x128xf32, #tpu.memory_space<vmem_shared>>
        tpu.enqueue_indirect_dma source(%dma_start3A_20 : memref<128x128xf32, #tpu.memory_space<vmem>>) target(%dma_start3A_26 : memref<10240x128xf32, #tpu.memory_space<vmem_shared>>) offsets(%dma_start3A_23 : memref<128xi32, #tpu.memory_space<vmem>>) semaphore(%run_scoped3A_17 : memref<!tpu.dma_semaphore, #tpu.memory_space<semaphore_mem>>) {add = true}
        %dma_wait3A = arith.constant 0 : i32
        %dma_wait3A_27 = arith.constant 0 : i32
        %dma_wait3A_28 = tpu.memref_slice %arg9[%run_scoped3A_16, %dma_wait3A, %dma_wait3A_27] : memref<2x128x128xf32, #tpu.memory_space<vmem>> -> memref<1x128x128xf32, #tpu.memory_space<vmem>>
        %dma_wait3A_29 = tpu.memref_squeeze %dma_wait3A_28 : memref<1x128x128xf32, #tpu.memory_space<vmem>> -> memref<128x128xf32, #tpu.memory_space<vmem>>
        %dma_wait3A_30 = arith.constant 0 : i32
        %dma_wait3A_31 = tpu.memref_slice %arg8[%scan3A_15, %dma_wait3A_30] : memref<40x128xi32, #tpu.memory_space<vmem>> -> memref<1x128xi32, #tpu.memory_space<vmem>>
        %dma_wait3A_32 = tpu.memref_squeeze %dma_wait3A_31 : memref<1x128xi32, #tpu.memory_space<vmem>> -> memref<128xi32, #tpu.memory_space<vmem>>
        %dma_wait3A_33 = arith.constant 0 : i32
        %dma_wait3A_34 = arith.constant 0 : i32
        %dma_wait3A_35 = tpu.memref_slice %arg10[%dma_wait3A_33, %dma_wait3A_34] : memref<10240x128xf32, #tpu.memory_space<vmem_shared>> -> memref<10240x128xf32, #tpu.memory_space<vmem_shared>>
        tpu.wait_indirect_dma semaphore(%run_scoped3A_17 : memref<!tpu.dma_semaphore, #tpu.memory_space<semaphore_mem>>) src(%dma_wait3A_29 : memref<128x128xf32, #tpu.memory_space<vmem>>) dst(%dma_wait3A_35 : memref<10240x128xf32, #tpu.memory_space<vmem_shared>>)
        tpu.yield
      }) : () -> ()
    }
    %scan3A_13 = arith.constant 40 : i32
    %barrier3A_14 = arith.constant 0 : index
    tpu.barrier barrier_id(%barrier3A_14)
    "tpu.region"() ({
      %run_scoped3A = tpu.sem_alloc : memref<!tpu.dma_semaphore, #tpu.memory_space<semaphore_mem>>
      %dma_start3A = arith.constant 0 : i32
      %dma_start3A_15 = tpu.memref_slice %arg6[%arg0, %mul3A_2, %dma_start3A] : memref<2x10240x128xf32, #tpu.memory_space<hbm>> -> memref<1x640x128xf32, #tpu.memory_space<hbm>>
      %dma_start3A_16 = tpu.memref_squeeze %dma_start3A_15 : memref<1x640x128xf32, #tpu.memory_space<hbm>> -> memref<640x128xf32, #tpu.memory_space<hbm>>
      %dma_start3A_17 = arith.constant 0 : i32
      %dma_start3A_18 = tpu.memref_slice %arg10[%mul3A_2, %dma_start3A_17] : memref<10240x128xf32, #tpu.memory_space<vmem_shared>> -> memref<640x128xf32, #tpu.memory_space<vmem_shared>>
      tpu.enqueue_dma source(%dma_start3A_18 : memref<640x128xf32, #tpu.memory_space<vmem_shared>>) target(%dma_start3A_16 : memref<640x128xf32, #tpu.memory_space<hbm>>) target_semaphore(%run_scoped3A : memref<!tpu.dma_semaphore, #tpu.memory_space<semaphore_mem>>)
      %dma_wait3A = arith.constant 0 : i32
      %dma_wait3A_19 = tpu.memref_slice %arg6[%arg0, %mul3A_2, %dma_wait3A] : memref<2x10240x128xf32, #tpu.memory_space<hbm>> -> memref<1x640x128xf32, #tpu.memory_space<hbm>>
      %dma_wait3A_20 = tpu.memref_squeeze %dma_wait3A_19 : memref<1x640x128xf32, #tpu.memory_space<hbm>> -> memref<640x128xf32, #tpu.memory_space<hbm>>
      %dma_wait3A_21 = arith.constant 0 : i32
      %dma_wait3A_22 = tpu.memref_slice %arg10[%mul3A_2, %dma_wait3A_21] : memref<10240x128xf32, #tpu.memory_space<vmem_shared>> -> memref<640x128xf32, #tpu.memory_space<vmem_shared>>
      tpu.wait_dma2 semaphore(%run_scoped3A : memref<!tpu.dma_semaphore, #tpu.memory_space<semaphore_mem>>) src(%dma_wait3A_22 : memref<640x128xf32, #tpu.memory_space<vmem_shared>>) dst(%dma_wait3A_20 : memref<640x128xf32, #tpu.memory_space<hbm>>)
      tpu.yield
    }) : () -> ()
    return
  }
}

#map = affine_map<(d0, d1) -> (0, 0)>
#map1 = affine_map<(d0, d1) -> (0, 0, 0)>
module attributes {stable_mosaic.version = 14 : i64} {
  func.func @body(%arg0: i32, %arg1: i32, %arg2: memref<10240x16xf32, #tpu.memory_space<hbm>>, %arg3: memref<32x80x128xi32, #tpu.memory_space<hbm>>, %arg4: memref<32x80x128xi32, #tpu.memory_space<hbm>>, %arg5: memref<640x16xf32, #tpu.memory_space<hbm>>, %arg6: memref<2x10240x16xf32, #tpu.memory_space<hbm>>, %arg7: memref<40x128xi32, #tpu.memory_space<vmem>>, %arg8: memref<40x128xi32, #tpu.memory_space<vmem>>, %arg9: memref<2x128x16xf32, #tpu.memory_space<vmem>>, %arg10: memref<10240x16xf32, #tpu.memory_space<vmem_shared>>) attributes {dimension_semantics = [#tpu.dimension_semantics<core_parallel>, #tpu.dimension_semantics<subcore_parallel>], iteration_bounds = array<i64: 2, 16>, scalar_prefetch = 0 : i64, scratch_operands = 4 : i64, tpu.core_type = #tpu.core_type<sc_vector_subcore>, window_params = [{transform_indices = #map}, {transform_indices = #map1}, {transform_indices = #map1}, {transform_indices = #map}, {transform_indices = #map1}]} {
    %mul3A = arith.constant 2 : i32
    %mul3A_0 = arith.muli %arg1, %mul3A : i32
    %add3A = arith.addi %mul3A_0, %arg0 : i32
    %mul3A_1 = arith.constant 640 : i32
    %mul3A_2 = arith.muli %arg1, %mul3A_1 : i32
    "tpu.region"() ({
      %run_scoped3A = tpu.sem_alloc : memref<!tpu.dma_semaphore, #tpu.memory_space<semaphore_mem>>
      %dma_start3A = arith.constant 0 : i32
      %dma_start3A_15 = tpu.memref_slice %arg10[%mul3A_2, %dma_start3A] : memref<10240x16xf32, #tpu.memory_space<vmem_shared>> -> memref<640x16xf32, #tpu.memory_space<vmem_shared>>
      tpu.enqueue_dma source(%arg5 : memref<640x16xf32, #tpu.memory_space<hbm>>) target(%dma_start3A_15 : memref<640x16xf32, #tpu.memory_space<vmem_shared>>) target_semaphore(%run_scoped3A : memref<!tpu.dma_semaphore, #tpu.memory_space<semaphore_mem>>)
      %dma_wait3A = arith.constant 0 : i32
      %dma_wait3A_16 = tpu.memref_slice %arg10[%mul3A_2, %dma_wait3A] : memref<10240x16xf32, #tpu.memory_space<vmem_shared>> -> memref<640x16xf32, #tpu.memory_space<vmem_shared>>
      tpu.wait_dma2 semaphore(%run_scoped3A : memref<!tpu.dma_semaphore, #tpu.memory_space<semaphore_mem>>) src(%arg5 : memref<640x16xf32, #tpu.memory_space<hbm>>) dst(%dma_wait3A_16 : memref<640x16xf32, #tpu.memory_space<vmem_shared>>)
      tpu.yield
    }) : () -> ()
    %barrier3A = arith.constant 0 : index
    tpu.barrier barrier_id(%barrier3A)
    "tpu.region"() ({
      %run_scoped3A = tpu.sem_alloc : memref<!tpu.dma_semaphore, #tpu.memory_space<semaphore_mem>>
      %dma_start3A = arith.constant 0 : i32
      %dma_start3A_15 = arith.constant 0 : i32
      %dma_start3A_16 = tpu.memref_slice %arg3[%add3A, %dma_start3A, %dma_start3A_15] : memref<32x80x128xi32, #tpu.memory_space<hbm>> -> memref<1x40x128xi32, #tpu.memory_space<hbm>>
      %dma_start3A_17 = tpu.memref_squeeze %dma_start3A_16 : memref<1x40x128xi32, #tpu.memory_space<hbm>> -> memref<40x128xi32, #tpu.memory_space<hbm>>
      %dma_start3A_18 = arith.constant 0 : i32
      %dma_start3A_19 = arith.constant 0 : i32
      %dma_start3A_20 = tpu.memref_slice %arg3[%add3A, %dma_start3A_18, %dma_start3A_19] : memref<32x80x128xi32, #tpu.memory_space<hbm>> -> memref<1x40x128xi32, #tpu.memory_space<hbm>>
      %dma_start3A_21 = tpu.memref_squeeze %dma_start3A_20 : memref<1x40x128xi32, #tpu.memory_space<hbm>> -> memref<40x128xi32, #tpu.memory_space<hbm>>
      tpu.enqueue_dma source(%dma_start3A_21 : memref<40x128xi32, #tpu.memory_space<hbm>>) target(%arg7 : memref<40x128xi32, #tpu.memory_space<vmem>>) target_semaphore(%run_scoped3A : memref<!tpu.dma_semaphore, #tpu.memory_space<semaphore_mem>>)
      %dma_wait3A = arith.constant 0 : i32
      %dma_wait3A_22 = arith.constant 0 : i32
      %dma_wait3A_23 = tpu.memref_slice %arg3[%add3A, %dma_wait3A, %dma_wait3A_22] : memref<32x80x128xi32, #tpu.memory_space<hbm>> -> memref<1x40x128xi32, #tpu.memory_space<hbm>>
      %dma_wait3A_24 = tpu.memref_squeeze %dma_wait3A_23 : memref<1x40x128xi32, #tpu.memory_space<hbm>> -> memref<40x128xi32, #tpu.memory_space<hbm>>
      %dma_wait3A_25 = arith.constant 0 : i32
      %dma_wait3A_26 = arith.constant 0 : i32
      %dma_wait3A_27 = tpu.memref_slice %arg3[%add3A, %dma_wait3A_25, %dma_wait3A_26] : memref<32x80x128xi32, #tpu.memory_space<hbm>> -> memref<1x40x128xi32, #tpu.memory_space<hbm>>
      %dma_wait3A_28 = tpu.memref_squeeze %dma_wait3A_27 : memref<1x40x128xi32, #tpu.memory_space<hbm>> -> memref<40x128xi32, #tpu.memory_space<hbm>>
      tpu.wait_dma2 semaphore(%run_scoped3A : memref<!tpu.dma_semaphore, #tpu.memory_space<semaphore_mem>>) src(%dma_wait3A_28 : memref<40x128xi32, #tpu.memory_space<hbm>>) dst(%arg7 : memref<40x128xi32, #tpu.memory_space<vmem>>)
      tpu.yield
    }) : () -> ()
    "tpu.region"() ({
      %run_scoped3A = tpu.sem_alloc : memref<!tpu.dma_semaphore, #tpu.memory_space<semaphore_mem>>
      %dma_start3A = arith.constant 0 : i32
      %dma_start3A_15 = arith.constant 0 : i32
      %dma_start3A_16 = tpu.memref_slice %arg4[%add3A, %dma_start3A, %dma_start3A_15] : memref<32x80x128xi32, #tpu.memory_space<hbm>> -> memref<1x40x128xi32, #tpu.memory_space<hbm>>
      %dma_start3A_17 = tpu.memref_squeeze %dma_start3A_16 : memref<1x40x128xi32, #tpu.memory_space<hbm>> -> memref<40x128xi32, #tpu.memory_space<hbm>>
      %dma_start3A_18 = arith.constant 0 : i32
      %dma_start3A_19 = arith.constant 0 : i32
      %dma_start3A_20 = tpu.memref_slice %arg4[%add3A, %dma_start3A_18, %dma_start3A_19] : memref<32x80x128xi32, #tpu.memory_space<hbm>> -> memref<1x40x128xi32, #tpu.memory_space<hbm>>
      %dma_start3A_21 = tpu.memref_squeeze %dma_start3A_20 : memref<1x40x128xi32, #tpu.memory_space<hbm>> -> memref<40x128xi32, #tpu.memory_space<hbm>>
      tpu.enqueue_dma source(%dma_start3A_21 : memref<40x128xi32, #tpu.memory_space<hbm>>) target(%arg8 : memref<40x128xi32, #tpu.memory_space<vmem>>) target_semaphore(%run_scoped3A : memref<!tpu.dma_semaphore, #tpu.memory_space<semaphore_mem>>)
      %dma_wait3A = arith.constant 0 : i32
      %dma_wait3A_22 = arith.constant 0 : i32
      %dma_wait3A_23 = tpu.memref_slice %arg4[%add3A, %dma_wait3A, %dma_wait3A_22] : memref<32x80x128xi32, #tpu.memory_space<hbm>> -> memref<1x40x128xi32, #tpu.memory_space<hbm>>
      %dma_wait3A_24 = tpu.memref_squeeze %dma_wait3A_23 : memref<1x40x128xi32, #tpu.memory_space<hbm>> -> memref<40x128xi32, #tpu.memory_space<hbm>>
      %dma_wait3A_25 = arith.constant 0 : i32
      %dma_wait3A_26 = arith.constant 0 : i32
      %dma_wait3A_27 = tpu.memref_slice %arg4[%add3A, %dma_wait3A_25, %dma_wait3A_26] : memref<32x80x128xi32, #tpu.memory_space<hbm>> -> memref<1x40x128xi32, #tpu.memory_space<hbm>>
      %dma_wait3A_28 = tpu.memref_squeeze %dma_wait3A_27 : memref<1x40x128xi32, #tpu.memory_space<hbm>> -> memref<40x128xi32, #tpu.memory_space<hbm>>
      tpu.wait_dma2 semaphore(%run_scoped3A : memref<!tpu.dma_semaphore, #tpu.memory_space<semaphore_mem>>) src(%dma_wait3A_28 : memref<40x128xi32, #tpu.memory_space<hbm>>) dst(%arg8 : memref<40x128xi32, #tpu.memory_space<vmem>>)
      tpu.yield
    }) : () -> ()
    %scan3A = arith.constant 0 : i32
    %scan3A_3 = arith.constant 0 : i32
    %scan3A_4 = arith.constant 40 : i32
    %scan3A_5 = arith.addi %scan3A_3, %scan3A_4 : i32
    %scan3A_6 = arith.constant 1 : i32
    scf.for %scan3A_15 = %scan3A_3 to %scan3A_5 step %scan3A_6  : i32 {
      %run_scoped3A = arith.constant 0 : i32
      "tpu.region"() ({
        %run_scoped3A_17 = tpu.sem_alloc : memref<!tpu.dma_semaphore, #tpu.memory_space<semaphore_mem>>
        %dma_start3A = arith.constant 0 : i32
        %dma_start3A_18 = arith.constant 0 : i32
        %dma_start3A_19 = tpu.memref_slice %arg9[%run_scoped3A, %dma_start3A, %dma_start3A_18] : memref<2x128x16xf32, #tpu.memory_space<vmem>> -> memref<1x128x16xf32, #tpu.memory_space<vmem>>
        %dma_start3A_20 = tpu.memref_squeeze %dma_start3A_19 : memref<1x128x16xf32, #tpu.memory_space<vmem>> -> memref<128x16xf32, #tpu.memory_space<vmem>>
        %dma_start3A_21 = arith.constant 0 : i32
        %dma_start3A_22 = tpu.memref_slice %arg7[%scan3A_15, %dma_start3A_21] : memref<40x128xi32, #tpu.memory_space<vmem>> -> memref<1x128xi32, #tpu.memory_space<vmem>>
        %dma_start3A_23 = tpu.memref_squeeze %dma_start3A_22 : memref<1x128xi32, #tpu.memory_space<vmem>> -> memref<128xi32, #tpu.memory_space<vmem>>
        %dma_start3A_24 = arith.constant 0 : i32
        %dma_start3A_25 = arith.constant 0 : i32
        %dma_start3A_26 = tpu.memref_slice %arg2[%dma_start3A_24, %dma_start3A_25] : memref<10240x16xf32, #tpu.memory_space<hbm>> -> memref<10240x16xf32, #tpu.memory_space<hbm>>
        tpu.enqueue_indirect_dma source(%dma_start3A_26 : memref<10240x16xf32, #tpu.memory_space<hbm>>) target(%dma_start3A_20 : memref<128x16xf32, #tpu.memory_space<vmem>>) offsets(%dma_start3A_23 : memref<128xi32, #tpu.memory_space<vmem>>) semaphore(%run_scoped3A_17 : memref<!tpu.dma_semaphore, #tpu.memory_space<semaphore_mem>>)
        %dma_wait3A = arith.constant 0 : i32
        %dma_wait3A_27 = arith.constant 0 : i32
        %dma_wait3A_28 = tpu.memref_slice %arg9[%run_scoped3A, %dma_wait3A, %dma_wait3A_27] : memref<2x128x16xf32, #tpu.memory_space<vmem>> -> memref<1x128x16xf32, #tpu.memory_space<vmem>>
        %dma_wait3A_29 = tpu.memref_squeeze %dma_wait3A_28 : memref<1x128x16xf32, #tpu.memory_space<vmem>> -> memref<128x16xf32, #tpu.memory_space<vmem>>
        %dma_wait3A_30 = arith.constant 0 : i32
        %dma_wait3A_31 = tpu.memref_slice %arg7[%scan3A_15, %dma_wait3A_30] : memref<40x128xi32, #tpu.memory_space<vmem>> -> memref<1x128xi32, #tpu.memory_space<vmem>>
        %dma_wait3A_32 = tpu.memref_squeeze %dma_wait3A_31 : memref<1x128xi32, #tpu.memory_space<vmem>> -> memref<128xi32, #tpu.memory_space<vmem>>
        %dma_wait3A_33 = arith.constant 0 : i32
        %dma_wait3A_34 = arith.constant 0 : i32
        %dma_wait3A_35 = tpu.memref_slice %arg2[%dma_wait3A_33, %dma_wait3A_34] : memref<10240x16xf32, #tpu.memory_space<hbm>> -> memref<10240x16xf32, #tpu.memory_space<hbm>>
        tpu.wait_indirect_dma semaphore(%run_scoped3A_17 : memref<!tpu.dma_semaphore, #tpu.memory_space<semaphore_mem>>) src(%dma_wait3A_35 : memref<10240x16xf32, #tpu.memory_space<hbm>>) dst(%dma_wait3A_29 : memref<128x16xf32, #tpu.memory_space<vmem>>)
        tpu.yield
      }) : () -> ()
      %run_scoped3A_16 = arith.constant 0 : i32
      "tpu.region"() ({
        %run_scoped3A_17 = tpu.sem_alloc : memref<!tpu.dma_semaphore, #tpu.memory_space<semaphore_mem>>
        %dma_start3A = arith.constant 0 : i32
        %dma_start3A_18 = arith.constant 0 : i32
        %dma_start3A_19 = tpu.memref_slice %arg9[%run_scoped3A_16, %dma_start3A, %dma_start3A_18] : memref<2x128x16xf32, #tpu.memory_space<vmem>> -> memref<1x128x16xf32, #tpu.memory_space<vmem>>
        %dma_start3A_20 = tpu.memref_squeeze %dma_start3A_19 : memref<1x128x16xf32, #tpu.memory_space<vmem>> -> memref<128x16xf32, #tpu.memory_space<vmem>>
        %dma_start3A_21 = arith.constant 0 : i32
        %dma_start3A_22 = tpu.memref_slice %arg8[%scan3A_15, %dma_start3A_21] : memref<40x128xi32, #tpu.memory_space<vmem>> -> memref<1x128xi32, #tpu.memory_space<vmem>>
        %dma_start3A_23 = tpu.memref_squeeze %dma_start3A_22 : memref<1x128xi32, #tpu.memory_space<vmem>> -> memref<128xi32, #tpu.memory_space<vmem>>
        %dma_start3A_24 = arith.constant 0 : i32
        %dma_start3A_25 = arith.constant 0 : i32
        %dma_start3A_26 = tpu.memref_slice %arg10[%dma_start3A_24, %dma_start3A_25] : memref<10240x16xf32, #tpu.memory_space<vmem_shared>> -> memref<10240x16xf32, #tpu.memory_space<vmem_shared>>
        tpu.enqueue_indirect_dma source(%dma_start3A_20 : memref<128x16xf32, #tpu.memory_space<vmem>>) target(%dma_start3A_26 : memref<10240x16xf32, #tpu.memory_space<vmem_shared>>) offsets(%dma_start3A_23 : memref<128xi32, #tpu.memory_space<vmem>>) semaphore(%run_scoped3A_17 : memref<!tpu.dma_semaphore, #tpu.memory_space<semaphore_mem>>) {add = true}
        %dma_wait3A = arith.constant 0 : i32
        %dma_wait3A_27 = arith.constant 0 : i32
        %dma_wait3A_28 = tpu.memref_slice %arg9[%run_scoped3A_16, %dma_wait3A, %dma_wait3A_27] : memref<2x128x16xf32, #tpu.memory_space<vmem>> -> memref<1x128x16xf32, #tpu.memory_space<vmem>>
        %dma_wait3A_29 = tpu.memref_squeeze %dma_wait3A_28 : memref<1x128x16xf32, #tpu.memory_space<vmem>> -> memref<128x16xf32, #tpu.memory_space<vmem>>
        %dma_wait3A_30 = arith.constant 0 : i32
        %dma_wait3A_31 = tpu.memref_slice %arg8[%scan3A_15, %dma_wait3A_30] : memref<40x128xi32, #tpu.memory_space<vmem>> -> memref<1x128xi32, #tpu.memory_space<vmem>>
        %dma_wait3A_32 = tpu.memref_squeeze %dma_wait3A_31 : memref<1x128xi32, #tpu.memory_space<vmem>> -> memref<128xi32, #tpu.memory_space<vmem>>
        %dma_wait3A_33 = arith.constant 0 : i32
        %dma_wait3A_34 = arith.constant 0 : i32
        %dma_wait3A_35 = tpu.memref_slice %arg10[%dma_wait3A_33, %dma_wait3A_34] : memref<10240x16xf32, #tpu.memory_space<vmem_shared>> -> memref<10240x16xf32, #tpu.memory_space<vmem_shared>>
        tpu.wait_indirect_dma semaphore(%run_scoped3A_17 : memref<!tpu.dma_semaphore, #tpu.memory_space<semaphore_mem>>) src(%dma_wait3A_29 : memref<128x16xf32, #tpu.memory_space<vmem>>) dst(%dma_wait3A_35 : memref<10240x16xf32, #tpu.memory_space<vmem_shared>>)
        tpu.yield
      }) : () -> ()
    }
    %scan3A_7 = arith.constant 40 : i32
    "tpu.region"() ({
      %run_scoped3A = tpu.sem_alloc : memref<!tpu.dma_semaphore, #tpu.memory_space<semaphore_mem>>
      %dma_start3A = arith.constant 40 : i32
      %dma_start3A_15 = arith.constant 0 : i32
      %dma_start3A_16 = tpu.memref_slice %arg3[%add3A, %dma_start3A, %dma_start3A_15] : memref<32x80x128xi32, #tpu.memory_space<hbm>> -> memref<1x40x128xi32, #tpu.memory_space<hbm>>
      %dma_start3A_17 = tpu.memref_squeeze %dma_start3A_16 : memref<1x40x128xi32, #tpu.memory_space<hbm>> -> memref<40x128xi32, #tpu.memory_space<hbm>>
      %dma_start3A_18 = arith.constant 40 : i32
      %dma_start3A_19 = arith.constant 0 : i32
      %dma_start3A_20 = tpu.memref_slice %arg3[%add3A, %dma_start3A_18, %dma_start3A_19] : memref<32x80x128xi32, #tpu.memory_space<hbm>> -> memref<1x40x128xi32, #tpu.memory_space<hbm>>
      %dma_start3A_21 = tpu.memref_squeeze %dma_start3A_20 : memref<1x40x128xi32, #tpu.memory_space<hbm>> -> memref<40x128xi32, #tpu.memory_space<hbm>>
      tpu.enqueue_dma source(%dma_start3A_21 : memref<40x128xi32, #tpu.memory_space<hbm>>) target(%arg7 : memref<40x128xi32, #tpu.memory_space<vmem>>) target_semaphore(%run_scoped3A : memref<!tpu.dma_semaphore, #tpu.memory_space<semaphore_mem>>)
      %dma_wait3A = arith.constant 40 : i32
      %dma_wait3A_22 = arith.constant 0 : i32
      %dma_wait3A_23 = tpu.memref_slice %arg3[%add3A, %dma_wait3A, %dma_wait3A_22] : memref<32x80x128xi32, #tpu.memory_space<hbm>> -> memref<1x40x128xi32, #tpu.memory_space<hbm>>
      %dma_wait3A_24 = tpu.memref_squeeze %dma_wait3A_23 : memref<1x40x128xi32, #tpu.memory_space<hbm>> -> memref<40x128xi32, #tpu.memory_space<hbm>>
      %dma_wait3A_25 = arith.constant 40 : i32
      %dma_wait3A_26 = arith.constant 0 : i32
      %dma_wait3A_27 = tpu.memref_slice %arg3[%add3A, %dma_wait3A_25, %dma_wait3A_26] : memref<32x80x128xi32, #tpu.memory_space<hbm>> -> memref<1x40x128xi32, #tpu.memory_space<hbm>>
      %dma_wait3A_28 = tpu.memref_squeeze %dma_wait3A_27 : memref<1x40x128xi32, #tpu.memory_space<hbm>> -> memref<40x128xi32, #tpu.memory_space<hbm>>
      tpu.wait_dma2 semaphore(%run_scoped3A : memref<!tpu.dma_semaphore, #tpu.memory_space<semaphore_mem>>) src(%dma_wait3A_28 : memref<40x128xi32, #tpu.memory_space<hbm>>) dst(%arg7 : memref<40x128xi32, #tpu.memory_space<vmem>>)
      tpu.yield
    }) : () -> ()
    "tpu.region"() ({
      %run_scoped3A = tpu.sem_alloc : memref<!tpu.dma_semaphore, #tpu.memory_space<semaphore_mem>>
      %dma_start3A = arith.constant 40 : i32
      %dma_start3A_15 = arith.constant 0 : i32
      %dma_start3A_16 = tpu.memref_slice %arg4[%add3A, %dma_start3A, %dma_start3A_15] : memref<32x80x128xi32, #tpu.memory_space<hbm>> -> memref<1x40x128xi32, #tpu.memory_space<hbm>>
      %dma_start3A_17 = tpu.memref_squeeze %dma_start3A_16 : memref<1x40x128xi32, #tpu.memory_space<hbm>> -> memref<40x128xi32, #tpu.memory_space<hbm>>
      %dma_start3A_18 = arith.constant 40 : i32
      %dma_start3A_19 = arith.constant 0 : i32
      %dma_start3A_20 = tpu.memref_slice %arg4[%add3A, %dma_start3A_18, %dma_start3A_19] : memref<32x80x128xi32, #tpu.memory_space<hbm>> -> memref<1x40x128xi32, #tpu.memory_space<hbm>>
      %dma_start3A_21 = tpu.memref_squeeze %dma_start3A_20 : memref<1x40x128xi32, #tpu.memory_space<hbm>> -> memref<40x128xi32, #tpu.memory_space<hbm>>
      tpu.enqueue_dma source(%dma_start3A_21 : memref<40x128xi32, #tpu.memory_space<hbm>>) target(%arg8 : memref<40x128xi32, #tpu.memory_space<vmem>>) target_semaphore(%run_scoped3A : memref<!tpu.dma_semaphore, #tpu.memory_space<semaphore_mem>>)
      %dma_wait3A = arith.constant 40 : i32
      %dma_wait3A_22 = arith.constant 0 : i32
      %dma_wait3A_23 = tpu.memref_slice %arg4[%add3A, %dma_wait3A, %dma_wait3A_22] : memref<32x80x128xi32, #tpu.memory_space<hbm>> -> memref<1x40x128xi32, #tpu.memory_space<hbm>>
      %dma_wait3A_24 = tpu.memref_squeeze %dma_wait3A_23 : memref<1x40x128xi32, #tpu.memory_space<hbm>> -> memref<40x128xi32, #tpu.memory_space<hbm>>
      %dma_wait3A_25 = arith.constant 40 : i32
      %dma_wait3A_26 = arith.constant 0 : i32
      %dma_wait3A_27 = tpu.memref_slice %arg4[%add3A, %dma_wait3A_25, %dma_wait3A_26] : memref<32x80x128xi32, #tpu.memory_space<hbm>> -> memref<1x40x128xi32, #tpu.memory_space<hbm>>
      %dma_wait3A_28 = tpu.memref_squeeze %dma_wait3A_27 : memref<1x40x128xi32, #tpu.memory_space<hbm>> -> memref<40x128xi32, #tpu.memory_space<hbm>>
      tpu.wait_dma2 semaphore(%run_scoped3A : memref<!tpu.dma_semaphore, #tpu.memory_space<semaphore_mem>>) src(%dma_wait3A_28 : memref<40x128xi32, #tpu.memory_space<hbm>>) dst(%arg8 : memref<40x128xi32, #tpu.memory_space<vmem>>)
      tpu.yield
    }) : () -> ()
    %scan3A_8 = arith.constant 0 : i32
    %scan3A_9 = arith.constant 0 : i32
    %scan3A_10 = arith.constant 40 : i32
    %scan3A_11 = arith.addi %scan3A_9, %scan3A_10 : i32
    %scan3A_12 = arith.constant 1 : i32
    scf.for %scan3A_15 = %scan3A_9 to %scan3A_11 step %scan3A_12  : i32 {
      %run_scoped3A = arith.constant 0 : i32
      "tpu.region"() ({
        %run_scoped3A_17 = tpu.sem_alloc : memref<!tpu.dma_semaphore, #tpu.memory_space<semaphore_mem>>
        %dma_start3A = arith.constant 0 : i32
        %dma_start3A_18 = arith.constant 0 : i32
        %dma_start3A_19 = tpu.memref_slice %arg9[%run_scoped3A, %dma_start3A, %dma_start3A_18] : memref<2x128x16xf32, #tpu.memory_space<vmem>> -> memref<1x128x16xf32, #tpu.memory_space<vmem>>
        %dma_start3A_20 = tpu.memref_squeeze %dma_start3A_19 : memref<1x128x16xf32, #tpu.memory_space<vmem>> -> memref<128x16xf32, #tpu.memory_space<vmem>>
        %dma_start3A_21 = arith.constant 0 : i32
        %dma_start3A_22 = tpu.memref_slice %arg7[%scan3A_15, %dma_start3A_21] : memref<40x128xi32, #tpu.memory_space<vmem>> -> memref<1x128xi32, #tpu.memory_space<vmem>>
        %dma_start3A_23 = tpu.memref_squeeze %dma_start3A_22 : memref<1x128xi32, #tpu.memory_space<vmem>> -> memref<128xi32, #tpu.memory_space<vmem>>
        %dma_start3A_24 = arith.constant 0 : i32
        %dma_start3A_25 = arith.constant 0 : i32
        %dma_start3A_26 = tpu.memref_slice %arg2[%dma_start3A_24, %dma_start3A_25] : memref<10240x16xf32, #tpu.memory_space<hbm>> -> memref<10240x16xf32, #tpu.memory_space<hbm>>
        tpu.enqueue_indirect_dma source(%dma_start3A_26 : memref<10240x16xf32, #tpu.memory_space<hbm>>) target(%dma_start3A_20 : memref<128x16xf32, #tpu.memory_space<vmem>>) offsets(%dma_start3A_23 : memref<128xi32, #tpu.memory_space<vmem>>) semaphore(%run_scoped3A_17 : memref<!tpu.dma_semaphore, #tpu.memory_space<semaphore_mem>>)
        %dma_wait3A = arith.constant 0 : i32
        %dma_wait3A_27 = arith.constant 0 : i32
        %dma_wait3A_28 = tpu.memref_slice %arg9[%run_scoped3A, %dma_wait3A, %dma_wait3A_27] : memref<2x128x16xf32, #tpu.memory_space<vmem>> -> memref<1x128x16xf32, #tpu.memory_space<vmem>>
        %dma_wait3A_29 = tpu.memref_squeeze %dma_wait3A_28 : memref<1x128x16xf32, #tpu.memory_space<vmem>> -> memref<128x16xf32, #tpu.memory_space<vmem>>
        %dma_wait3A_30 = arith.constant 0 : i32
        %dma_wait3A_31 = tpu.memref_slice %arg7[%scan3A_15, %dma_wait3A_30] : memref<40x128xi32, #tpu.memory_space<vmem>> -> memref<1x128xi32, #tpu.memory_space<vmem>>
        %dma_wait3A_32 = tpu.memref_squeeze %dma_wait3A_31 : memref<1x128xi32, #tpu.memory_space<vmem>> -> memref<128xi32, #tpu.memory_space<vmem>>
        %dma_wait3A_33 = arith.constant 0 : i32
        %dma_wait3A_34 = arith.constant 0 : i32
        %dma_wait3A_35 = tpu.memref_slice %arg2[%dma_wait3A_33, %dma_wait3A_34] : memref<10240x16xf32, #tpu.memory_space<hbm>> -> memref<10240x16xf32, #tpu.memory_space<hbm>>
        tpu.wait_indirect_dma semaphore(%run_scoped3A_17 : memref<!tpu.dma_semaphore, #tpu.memory_space<semaphore_mem>>) src(%dma_wait3A_35 : memref<10240x16xf32, #tpu.memory_space<hbm>>) dst(%dma_wait3A_29 : memref<128x16xf32, #tpu.memory_space<vmem>>)
        tpu.yield
      }) : () -> ()
      %run_scoped3A_16 = arith.constant 0 : i32
      "tpu.region"() ({
        %run_scoped3A_17 = tpu.sem_alloc : memref<!tpu.dma_semaphore, #tpu.memory_space<semaphore_mem>>
        %dma_start3A = arith.constant 0 : i32
        %dma_start3A_18 = arith.constant 0 : i32
        %dma_start3A_19 = tpu.memref_slice %arg9[%run_scoped3A_16, %dma_start3A, %dma_start3A_18] : memref<2x128x16xf32, #tpu.memory_space<vmem>> -> memref<1x128x16xf32, #tpu.memory_space<vmem>>
        %dma_start3A_20 = tpu.memref_squeeze %dma_start3A_19 : memref<1x128x16xf32, #tpu.memory_space<vmem>> -> memref<128x16xf32, #tpu.memory_space<vmem>>
        %dma_start3A_21 = arith.constant 0 : i32
        %dma_start3A_22 = tpu.memref_slice %arg8[%scan3A_15, %dma_start3A_21] : memref<40x128xi32, #tpu.memory_space<vmem>> -> memref<1x128xi32, #tpu.memory_space<vmem>>
        %dma_start3A_23 = tpu.memref_squeeze %dma_start3A_22 : memref<1x128xi32, #tpu.memory_space<vmem>> -> memref<128xi32, #tpu.memory_space<vmem>>
        %dma_start3A_24 = arith.constant 0 : i32
        %dma_start3A_25 = arith.constant 0 : i32
        %dma_start3A_26 = tpu.memref_slice %arg10[%dma_start3A_24, %dma_start3A_25] : memref<10240x16xf32, #tpu.memory_space<vmem_shared>> -> memref<10240x16xf32, #tpu.memory_space<vmem_shared>>
        tpu.enqueue_indirect_dma source(%dma_start3A_20 : memref<128x16xf32, #tpu.memory_space<vmem>>) target(%dma_start3A_26 : memref<10240x16xf32, #tpu.memory_space<vmem_shared>>) offsets(%dma_start3A_23 : memref<128xi32, #tpu.memory_space<vmem>>) semaphore(%run_scoped3A_17 : memref<!tpu.dma_semaphore, #tpu.memory_space<semaphore_mem>>) {add = true}
        %dma_wait3A = arith.constant 0 : i32
        %dma_wait3A_27 = arith.constant 0 : i32
        %dma_wait3A_28 = tpu.memref_slice %arg9[%run_scoped3A_16, %dma_wait3A, %dma_wait3A_27] : memref<2x128x16xf32, #tpu.memory_space<vmem>> -> memref<1x128x16xf32, #tpu.memory_space<vmem>>
        %dma_wait3A_29 = tpu.memref_squeeze %dma_wait3A_28 : memref<1x128x16xf32, #tpu.memory_space<vmem>> -> memref<128x16xf32, #tpu.memory_space<vmem>>
        %dma_wait3A_30 = arith.constant 0 : i32
        %dma_wait3A_31 = tpu.memref_slice %arg8[%scan3A_15, %dma_wait3A_30] : memref<40x128xi32, #tpu.memory_space<vmem>> -> memref<1x128xi32, #tpu.memory_space<vmem>>
        %dma_wait3A_32 = tpu.memref_squeeze %dma_wait3A_31 : memref<1x128xi32, #tpu.memory_space<vmem>> -> memref<128xi32, #tpu.memory_space<vmem>>
        %dma_wait3A_33 = arith.constant 0 : i32
        %dma_wait3A_34 = arith.constant 0 : i32
        %dma_wait3A_35 = tpu.memref_slice %arg10[%dma_wait3A_33, %dma_wait3A_34] : memref<10240x16xf32, #tpu.memory_space<vmem_shared>> -> memref<10240x16xf32, #tpu.memory_space<vmem_shared>>
        tpu.wait_indirect_dma semaphore(%run_scoped3A_17 : memref<!tpu.dma_semaphore, #tpu.memory_space<semaphore_mem>>) src(%dma_wait3A_29 : memref<128x16xf32, #tpu.memory_space<vmem>>) dst(%dma_wait3A_35 : memref<10240x16xf32, #tpu.memory_space<vmem_shared>>)
        tpu.yield
      }) : () -> ()
    }
    %scan3A_13 = arith.constant 40 : i32
    %barrier3A_14 = arith.constant 0 : index
    tpu.barrier barrier_id(%barrier3A_14)
    "tpu.region"() ({
      %run_scoped3A = tpu.sem_alloc : memref<!tpu.dma_semaphore, #tpu.memory_space<semaphore_mem>>
      %dma_start3A = arith.constant 0 : i32
      %dma_start3A_15 = tpu.memref_slice %arg6[%arg0, %mul3A_2, %dma_start3A] : memref<2x10240x16xf32, #tpu.memory_space<hbm>> -> memref<1x640x16xf32, #tpu.memory_space<hbm>>
      %dma_start3A_16 = tpu.memref_squeeze %dma_start3A_15 : memref<1x640x16xf32, #tpu.memory_space<hbm>> -> memref<640x16xf32, #tpu.memory_space<hbm>>
      %dma_start3A_17 = arith.constant 0 : i32
      %dma_start3A_18 = tpu.memref_slice %arg10[%mul3A_2, %dma_start3A_17] : memref<10240x16xf32, #tpu.memory_space<vmem_shared>> -> memref<640x16xf32, #tpu.memory_space<vmem_shared>>
      tpu.enqueue_dma source(%dma_start3A_18 : memref<640x16xf32, #tpu.memory_space<vmem_shared>>) target(%dma_start3A_16 : memref<640x16xf32, #tpu.memory_space<hbm>>) target_semaphore(%run_scoped3A : memref<!tpu.dma_semaphore, #tpu.memory_space<semaphore_mem>>)
      %dma_wait3A = arith.constant 0 : i32
      %dma_wait3A_19 = tpu.memref_slice %arg6[%arg0, %mul3A_2, %dma_wait3A] : memref<2x10240x16xf32, #tpu.memory_space<hbm>> -> memref<1x640x16xf32, #tpu.memory_space<hbm>>
      %dma_wait3A_20 = tpu.memref_squeeze %dma_wait3A_19 : memref<1x640x16xf32, #tpu.memory_space<hbm>> -> memref<640x16xf32, #tpu.memory_space<hbm>>
      %dma_wait3A_21 = arith.constant 0 : i32
      %dma_wait3A_22 = tpu.memref_slice %arg10[%mul3A_2, %dma_wait3A_21] : memref<10240x16xf32, #tpu.memory_space<vmem_shared>> -> memref<640x16xf32, #tpu.memory_space<vmem_shared>>
      tpu.wait_dma2 semaphore(%run_scoped3A : memref<!tpu.dma_semaphore, #tpu.memory_space<semaphore_mem>>) src(%dma_wait3A_22 : memref<640x16xf32, #tpu.memory_space<vmem_shared>>) dst(%dma_wait3A_20 : memref<640x16xf32, #tpu.memory_space<hbm>>)
      tpu.yield
    }) : () -> ()
    return
  }
}

module attributes {stable_mosaic.version = 14 : i64} {
  func.func @_prep_body(%arg0: i32, %arg1: memref<256x128xf32, #tpu.memory_space<vmem>>, %arg2: memref<128x128xf32, #tpu.memory_space<vmem>>, %arg3: memref<2x256x16xf32, #tpu.memory_space<vmem>>, %arg4: memref<256x128xf32, #tpu.memory_space<vmem>>, %arg5: memref<256x128xf32, #tpu.memory_space<vmem>>) attributes {dimension_semantics = [#tpu.dimension_semantics<arbitrary>], iteration_bounds = array<i64: 40>, scalar_prefetch = 0 : i64, scratch_operands = 0 : i64, tpu.core_type = #tpu.core_type<tc>, window_params = [{transform_indices = @transform_0, window_bounds = array<i64: 256, 128>}, {pipeline_mode = #tpu.pipeline_mode<synchronous>, transform_indices = @transform_1, window_bounds = array<i64: 128, 128>}, {transform_indices = @transform_2, window_bounds = array<i64: 2, 256, 16>}, {transform_indices = @transform_3, window_bounds = array<i64: 256, 128>}, {transform_indices = @transform_4, window_bounds = array<i64: 256, 128>}]} {
    %get3A = arith.constant 0 : index
    %get3A_0 = arith.constant 0 : index
    %get3A_1 = arith.constant 0 : index
    %get3A_2 = vector.load %arg3[%get3A, %get3A_0, %get3A_1] : memref<2x256x16xf32, #tpu.memory_space<vmem>>, vector<1x256x1xf32>
    %get3A_3 = vector.shape_cast %get3A_2 : vector<1x256x1xf32> to vector<256x1xf32>
    %get3A_4 = arith.constant 1 : index
    %get3A_5 = arith.constant 0 : index
    %get3A_6 = arith.constant 0 : index
    %get3A_7 = vector.load %arg3[%get3A_4, %get3A_5, %get3A_6] : memref<2x256x16xf32, #tpu.memory_space<vmem>>, vector<1x256x1xf32>
    %get3A_8 = vector.shape_cast %get3A_7 : vector<1x256x1xf32> to vector<256x1xf32>
    %add3A = arith.addf %get3A_3, %get3A_8 : vector<256x1xf32>
    %add3A_9 = arith.constant 1.000000e+00 : f32
    %add3A_10 = vector.broadcast %add3A_9 : f32 to vector<256x1xf32>
    %add3A_11 = arith.addf %add3A, %add3A_10 : vector<256x1xf32>
    %rsqrt3A = math.rsqrt %add3A_11 : vector<256x1xf32>
    %get3A_12 = arith.constant 0 : index
    %get3A_13 = arith.constant 0 : index
    %get3A_14 = vector.load %arg1[%get3A_12, %get3A_13] : memref<256x128xf32, #tpu.memory_space<vmem>>, vector<256x128xf32>
    %get3A_15 = arith.constant 0 : index
    %get3A_16 = arith.constant 0 : index
    %get3A_17 = vector.load %arg2[%get3A_15, %get3A_16] : memref<128x128xf32, #tpu.memory_space<vmem>>, vector<128x128xf32>
    %dot_general3A = arith.constant dense<0.000000e+00> : vector<256x128xf32>
    %dot_general3A_18 = tpu.matmul %get3A_14, %get3A_17, %dot_general3A {dimension_numbers = #tpu.dot_dimension_numbers<[1], [0], [0], [1], [0, 0, 1, 1], [], []>, transpose_lhs_hint = false} : vector<256x128xf32>, vector<128x128xf32>, vector<256x128xf32> -> vector<256x128xf32>
    %mul3A = vector.broadcast %rsqrt3A : vector<256x1xf32> to vector<256x128xf32>
    %mul3A_19 = arith.mulf %dot_general3A_18, %mul3A : vector<256x128xf32>
    %swap3A = arith.constant 0 : index
    %swap3A_20 = arith.constant 0 : index
    %swap3A_21 = vector.load %arg4[%swap3A, %swap3A_20] : memref<256x128xf32, #tpu.memory_space<vmem>>, vector<256x128xf32>
    tpu.vector_store %arg4[%swap3A, %swap3A_20], %mul3A_19 {strides = array<i32>} : memref<256x128xf32, #tpu.memory_space<vmem>>, vector<256x128xf32>,
    %broadcast_in_dim3A = vector.shape_cast %rsqrt3A : vector<256x1xf32> to vector<256x1xf32>
    %broadcast_in_dim3A_22 = vector.broadcast %broadcast_in_dim3A : vector<256x1xf32> to vector<256x128xf32>
    %swap3A_23 = arith.constant 0 : index
    %swap3A_24 = arith.constant 0 : index
    %swap3A_25 = vector.load %arg5[%swap3A_23, %swap3A_24] : memref<256x128xf32, #tpu.memory_space<vmem>>, vector<256x128xf32>
    tpu.vector_store %arg5[%swap3A_23, %swap3A_24], %broadcast_in_dim3A_22 {strides = array<i32>} : memref<256x128xf32, #tpu.memory_space<vmem>>, vector<256x128xf32>,
    return
  }
  func.func @transform_0(%arg0: i32) -> (i32, i32) {
    %c0_i32 = arith.constant 0 : i32
    %c0_i32_0 = arith.constant 0 : i32
    return %arg0, %c0_i32 : i32, i32
  }
  func.func @transform_1(%arg0: i32) -> (i32, i32) {
    %c0_i32 = arith.constant 0 : i32
    %c0_i32_0 = arith.constant 0 : i32
    %c0_i32_1 = arith.constant 0 : i32
    return %c0_i32, %c0_i32_0 : i32, i32
  }
  func.func @transform_2(%arg0: i32) -> (i32, i32, i32) {
    %c0_i32 = arith.constant 0 : i32
    %c0_i32_0 = arith.constant 0 : i32
    %c0_i32_1 = arith.constant 0 : i32
    return %c0_i32, %arg0, %c0_i32_0 : i32, i32, i32
  }
  func.func @transform_3(%arg0: i32) -> (i32, i32) {
    %c0_i32 = arith.constant 0 : i32
    %c0_i32_0 = arith.constant 0 : i32
    return %arg0, %c0_i32 : i32, i32
  }
  func.func @transform_4(%arg0: i32) -> (i32, i32) {
    %c0_i32 = arith.constant 0 : i32
    %c0_i32_0 = arith.constant 0 : i32
    return %arg0, %c0_i32 : i32, i32
  }
}

module attributes {stable_mosaic.version = 14 : i64} {
  func.func @_mid_body(%arg0: i32, %arg1: memref<2x256x128xf32, #tpu.memory_space<vmem>>, %arg2: memref<256x128xf32, #tpu.memory_space<vmem>>, %arg3: memref<256x128xf32, #tpu.memory_space<vmem>>, %arg4: memref<1x128xf32, #tpu.memory_space<vmem>>, %arg5: memref<128x128xf32, #tpu.memory_space<vmem>>, %arg6: memref<256x128xf32, #tpu.memory_space<vmem>>) attributes {dimension_semantics = [#tpu.dimension_semantics<arbitrary>], iteration_bounds = array<i64: 40>, scalar_prefetch = 0 : i64, scratch_operands = 0 : i64, tpu.core_type = #tpu.core_type<tc>, window_params = [{transform_indices = @transform_0, window_bounds = array<i64: 2, 256, 128>}, {transform_indices = @transform_1, window_bounds = array<i64: 256, 128>}, {transform_indices = @transform_2, window_bounds = array<i64: 256, 128>}, {pipeline_mode = #tpu.pipeline_mode<synchronous>, transform_indices = @transform_3, window_bounds = array<i64: 1, 128>}, {pipeline_mode = #tpu.pipeline_mode<synchronous>, transform_indices = @transform_4, window_bounds = array<i64: 128, 128>}, {transform_indices = @transform_5, window_bounds = array<i64: 256, 128>}]} {
    %get3A = arith.constant 0 : index
    %get3A_0 = arith.constant 0 : index
    %get3A_1 = vector.load %arg3[%get3A, %get3A_0] : memref<256x128xf32, #tpu.memory_space<vmem>>, vector<256x1xf32>
    %get3A_2 = arith.constant 0 : index
    %get3A_3 = arith.constant 0 : index
    %get3A_4 = arith.constant 0 : index
    %get3A_5 = vector.load %arg1[%get3A_2, %get3A_3, %get3A_4] : memref<2x256x128xf32, #tpu.memory_space<vmem>>, vector<1x256x128xf32>
    %get3A_6 = vector.shape_cast %get3A_5 : vector<1x256x128xf32> to vector<256x128xf32>
    %get3A_7 = arith.constant 1 : index
    %get3A_8 = arith.constant 0 : index
    %get3A_9 = arith.constant 0 : index
    %get3A_10 = vector.load %arg1[%get3A_7, %get3A_8, %get3A_9] : memref<2x256x128xf32, #tpu.memory_space<vmem>>, vector<1x256x128xf32>
    %get3A_11 = vector.shape_cast %get3A_10 : vector<1x256x128xf32> to vector<256x128xf32>
    %add3A = arith.addf %get3A_6, %get3A_11 : vector<256x128xf32>
    %get3A_12 = arith.constant 0 : index
    %get3A_13 = arith.constant 0 : index
    %get3A_14 = vector.load %arg2[%get3A_12, %get3A_13] : memref<256x128xf32, #tpu.memory_space<vmem>>, vector<256x128xf32>
    %add3A_15 = arith.addf %add3A, %get3A_14 : vector<256x128xf32>
    %mul3A = vector.broadcast %get3A_1 : vector<256x1xf32> to vector<256x128xf32>
    %mul3A_16 = arith.mulf %add3A_15, %mul3A : vector<256x128xf32>
    %get3A_17 = arith.constant 0 : index
    %get3A_18 = arith.constant 0 : index
    %get3A_19 = vector.load %arg4[%get3A_17, %get3A_18] : memref<1x128xf32, #tpu.memory_space<vmem>>, vector<1x128xf32>
    %add3A_20 = vector.broadcast %get3A_19 : vector<1x128xf32> to vector<256x128xf32>
    %add3A_21 = arith.addf %mul3A_16, %add3A_20 : vector<256x128xf32>
    %max3A = arith.constant 0.000000e+00 : f32
    %max3A_22 = vector.broadcast %max3A : f32 to vector<256x128xf32>
    %max3A_23 = arith.maximumf %add3A_21, %max3A_22 : vector<256x128xf32>
    %get3A_24 = arith.constant 0 : index
    %get3A_25 = arith.constant 0 : index
    %get3A_26 = vector.load %arg5[%get3A_24, %get3A_25] : memref<128x128xf32, #tpu.memory_space<vmem>>, vector<128x128xf32>
    %dot_general3A = arith.constant dense<0.000000e+00> : vector<256x128xf32>
    %dot_general3A_27 = tpu.matmul %max3A_23, %get3A_26, %dot_general3A {dimension_numbers = #tpu.dot_dimension_numbers<[1], [0], [0], [1], [0, 0, 1, 1], [], []>, transpose_lhs_hint = false} : vector<256x128xf32>, vector<128x128xf32>, vector<256x128xf32> -> vector<256x128xf32>
    %mul3A_28 = vector.broadcast %get3A_1 : vector<256x1xf32> to vector<256x128xf32>
    %mul3A_29 = arith.mulf %dot_general3A_27, %mul3A_28 : vector<256x128xf32>
    %swap3A = arith.constant 0 : index
    %swap3A_30 = arith.constant 0 : index
    %swap3A_31 = vector.load %arg6[%swap3A, %swap3A_30] : memref<256x128xf32, #tpu.memory_space<vmem>>, vector<256x128xf32>
    tpu.vector_store %arg6[%swap3A, %swap3A_30], %mul3A_29 {strides = array<i32>} : memref<256x128xf32, #tpu.memory_space<vmem>>, vector<256x128xf32>,
    return
  }
  func.func @transform_0(%arg0: i32) -> (i32, i32, i32) {
    %c0_i32 = arith.constant 0 : i32
    %c0_i32_0 = arith.constant 0 : i32
    %c0_i32_1 = arith.constant 0 : i32
    return %c0_i32, %arg0, %c0_i32_0 : i32, i32, i32
  }
  func.func @transform_1(%arg0: i32) -> (i32, i32) {
    %c0_i32 = arith.constant 0 : i32
    %c0_i32_0 = arith.constant 0 : i32
    return %arg0, %c0_i32 : i32, i32
  }
  func.func @transform_2(%arg0: i32) -> (i32, i32) {
    %c0_i32 = arith.constant 0 : i32
    %c0_i32_0 = arith.constant 0 : i32
    return %arg0, %c0_i32 : i32, i32
  }
  func.func @transform_3(%arg0: i32) -> (i32, i32) {
    %c0_i32 = arith.constant 0 : i32
    %c0_i32_0 = arith.constant 0 : i32
    %c0_i32_1 = arith.constant 0 : i32
    return %c0_i32, %c0_i32_0 : i32, i32
  }
  func.func @transform_4(%arg0: i32) -> (i32, i32) {
    %c0_i32 = arith.constant 0 : i32
    %c0_i32_0 = arith.constant 0 : i32
    %c0_i32_1 = arith.constant 0 : i32
    return %c0_i32, %c0_i32_0 : i32, i32
  }
  func.func @transform_5(%arg0: i32) -> (i32, i32) {
    %c0_i32 = arith.constant 0 : i32
    %c0_i32_0 = arith.constant 0 : i32
    return %arg0, %c0_i32 : i32, i32
  }
}

module attributes {stable_mosaic.version = 14 : i64} {
  func.func @_mid_body(%arg0: i32, %arg1: memref<2x256x128xf32, #tpu.memory_space<vmem>>, %arg2: memref<256x128xf32, #tpu.memory_space<vmem>>, %arg3: memref<256x128xf32, #tpu.memory_space<vmem>>, %arg4: memref<1x128xf32, #tpu.memory_space<vmem>>, %arg5: memref<128x16xf32, #tpu.memory_space<vmem>>, %arg6: memref<256x16xf32, #tpu.memory_space<vmem>>) attributes {dimension_semantics = [#tpu.dimension_semantics<arbitrary>], iteration_bounds = array<i64: 40>, scalar_prefetch = 0 : i64, scratch_operands = 0 : i64, tpu.core_type = #tpu.core_type<tc>, window_params = [{transform_indices = @transform_0, window_bounds = array<i64: 2, 256, 128>}, {transform_indices = @transform_1, window_bounds = array<i64: 256, 128>}, {transform_indices = @transform_2, window_bounds = array<i64: 256, 128>}, {pipeline_mode = #tpu.pipeline_mode<synchronous>, transform_indices = @transform_3, window_bounds = array<i64: 1, 128>}, {pipeline_mode = #tpu.pipeline_mode<synchronous>, transform_indices = @transform_4, window_bounds = array<i64: 128, 16>}, {transform_indices = @transform_5, window_bounds = array<i64: 256, 16>}]} {
    %get3A = arith.constant 0 : index
    %get3A_0 = arith.constant 0 : index
    %get3A_1 = vector.load %arg3[%get3A, %get3A_0] : memref<256x128xf32, #tpu.memory_space<vmem>>, vector<256x1xf32>
    %get3A_2 = arith.constant 0 : index
    %get3A_3 = arith.constant 0 : index
    %get3A_4 = arith.constant 0 : index
    %get3A_5 = vector.load %arg1[%get3A_2, %get3A_3, %get3A_4] : memref<2x256x128xf32, #tpu.memory_space<vmem>>, vector<1x256x128xf32>
    %get3A_6 = vector.shape_cast %get3A_5 : vector<1x256x128xf32> to vector<256x128xf32>
    %get3A_7 = arith.constant 1 : index
    %get3A_8 = arith.constant 0 : index
    %get3A_9 = arith.constant 0 : index
    %get3A_10 = vector.load %arg1[%get3A_7, %get3A_8, %get3A_9] : memref<2x256x128xf32, #tpu.memory_space<vmem>>, vector<1x256x128xf32>
    %get3A_11 = vector.shape_cast %get3A_10 : vector<1x256x128xf32> to vector<256x128xf32>
    %add3A = arith.addf %get3A_6, %get3A_11 : vector<256x128xf32>
    %get3A_12 = arith.constant 0 : index
    %get3A_13 = arith.constant 0 : index
    %get3A_14 = vector.load %arg2[%get3A_12, %get3A_13] : memref<256x128xf32, #tpu.memory_space<vmem>>, vector<256x128xf32>
    %add3A_15 = arith.addf %add3A, %get3A_14 : vector<256x128xf32>
    %mul3A = vector.broadcast %get3A_1 : vector<256x1xf32> to vector<256x128xf32>
    %mul3A_16 = arith.mulf %add3A_15, %mul3A : vector<256x128xf32>
    %get3A_17 = arith.constant 0 : index
    %get3A_18 = arith.constant 0 : index
    %get3A_19 = vector.load %arg4[%get3A_17, %get3A_18] : memref<1x128xf32, #tpu.memory_space<vmem>>, vector<1x128xf32>
    %add3A_20 = vector.broadcast %get3A_19 : vector<1x128xf32> to vector<256x128xf32>
    %add3A_21 = arith.addf %mul3A_16, %add3A_20 : vector<256x128xf32>
    %max3A = arith.constant 0.000000e+00 : f32
    %max3A_22 = vector.broadcast %max3A : f32 to vector<256x128xf32>
    %max3A_23 = arith.maximumf %add3A_21, %max3A_22 : vector<256x128xf32>
    %get3A_24 = arith.constant 0 : index
    %get3A_25 = arith.constant 0 : index
    %get3A_26 = vector.load %arg5[%get3A_24, %get3A_25] : memref<128x16xf32, #tpu.memory_space<vmem>>, vector<128x16xf32>
    %dot_general3A = arith.constant dense<0.000000e+00> : vector<256x16xf32>
    %dot_general3A_27 = tpu.matmul %max3A_23, %get3A_26, %dot_general3A {dimension_numbers = #tpu.dot_dimension_numbers<[1], [0], [0], [1], [0, 0, 1, 1], [], []>, transpose_lhs_hint = false} : vector<256x128xf32>, vector<128x16xf32>, vector<256x16xf32> -> vector<256x16xf32>
    %mul3A_28 = vector.broadcast %get3A_1 : vector<256x1xf32> to vector<256x16xf32>
    %mul3A_29 = arith.mulf %dot_general3A_27, %mul3A_28 : vector<256x16xf32>
    %swap3A = arith.constant 0 : index
    %swap3A_30 = arith.constant 0 : index
    %swap3A_31 = vector.load %arg6[%swap3A, %swap3A_30] : memref<256x16xf32, #tpu.memory_space<vmem>>, vector<256x16xf32>
    tpu.vector_store %arg6[%swap3A, %swap3A_30], %mul3A_29 {strides = array<i32>} : memref<256x16xf32, #tpu.memory_space<vmem>>, vector<256x16xf32>,
    return
  }
  func.func @transform_0(%arg0: i32) -> (i32, i32, i32) {
    %c0_i32 = arith.constant 0 : i32
    %c0_i32_0 = arith.constant 0 : i32
    %c0_i32_1 = arith.constant 0 : i32
    return %c0_i32, %arg0, %c0_i32_0 : i32, i32, i32
  }
  func.func @transform_1(%arg0: i32) -> (i32, i32) {
    %c0_i32 = arith.constant 0 : i32
    %c0_i32_0 = arith.constant 0 : i32
    return %arg0, %c0_i32 : i32, i32
  }
  func.func @transform_2(%arg0: i32) -> (i32, i32) {
    %c0_i32 = arith.constant 0 : i32
    %c0_i32_0 = arith.constant 0 : i32
    return %arg0, %c0_i32 : i32, i32
  }
  func.func @transform_3(%arg0: i32) -> (i32, i32) {
    %c0_i32 = arith.constant 0 : i32
    %c0_i32_0 = arith.constant 0 : i32
    %c0_i32_1 = arith.constant 0 : i32
    return %c0_i32, %c0_i32_0 : i32, i32
  }
  func.func @transform_4(%arg0: i32) -> (i32, i32) {
    %c0_i32 = arith.constant 0 : i32
    %c0_i32_0 = arith.constant 0 : i32
    %c0_i32_1 = arith.constant 0 : i32
    return %c0_i32, %c0_i32_0 : i32, i32
  }
  func.func @transform_5(%arg0: i32) -> (i32, i32) {
    %c0_i32 = arith.constant 0 : i32
    %c0_i32_0 = arith.constant 0 : i32
    return %arg0, %c0_i32 : i32, i32
  }
}

module attributes {stable_mosaic.version = 14 : i64} {
  func.func @_pool_body(%arg0: i32, %arg1: memref<2x256x16xf32, #tpu.memory_space<vmem>>, %arg2: memref<256x16xf32, #tpu.memory_space<vmem>>, %arg3: memref<256x128xf32, #tpu.memory_space<vmem>>, %arg4: memref<1x16xf32, #tpu.memory_space<vmem>>, %arg5: memref<1x1x256xi32, #tpu.memory_space<vmem>>, %arg6: memref<64x16xf32, #tpu.memory_space<vmem>>, %arg7: memref<64x16xf32, #tpu.memory_space<vmem>>, %arg8: memref<64x16xf32, #tpu.memory_space<vmem>>) attributes {dimension_semantics = [#tpu.dimension_semantics<arbitrary>], iteration_bounds = array<i64: 40>, scalar_prefetch = 0 : i64, scratch_operands = 2 : i64, tpu.core_type = #tpu.core_type<tc>, window_params = [{transform_indices = @transform_0, window_bounds = array<i64: 2, 256, 16>}, {transform_indices = @transform_1, window_bounds = array<i64: 256, 16>}, {transform_indices = @transform_2, window_bounds = array<i64: 256, 128>}, {pipeline_mode = #tpu.pipeline_mode<synchronous>, transform_indices = @transform_3, window_bounds = array<i64: 1, 16>}, {transform_indices = @transform_4, window_bounds = array<i64: 1, 1, 256>}, {pipeline_mode = #tpu.pipeline_mode<synchronous>, transform_indices = @transform_5, window_bounds = array<i64: 64, 16>}]} {
    %eq3A = arith.constant 0 : i32
    %eq3A_0 = arith.cmpi eq, %arg0, %eq3A : i32
    %convert_element_type3A = arith.extui %eq3A_0 : i1 to i32
    %cond3A = arith.constant 0 : i32
    %cond3A_1 = arith.cmpi ne, %convert_element_type3A, %cond3A : i32
    scf.if %cond3A_1 {
      %broadcast_in_dim3A_57 = arith.constant 0.000000e+00 : f32
      %broadcast_in_dim3A_58 = vector.broadcast %broadcast_in_dim3A_57 : f32 to vector<64x16xf32>
      %swap3A_59 = arith.constant 0 : index
      %swap3A_60 = arith.constant 0 : index
      %swap3A_61 = vector.load %arg7[%swap3A_59, %swap3A_60] : memref<64x16xf32, #tpu.memory_space<vmem>>, vector<64x16xf32>
      tpu.vector_store %arg7[%swap3A_59, %swap3A_60], %broadcast_in_dim3A_58 {strides = array<i32>} : memref<64x16xf32, #tpu.memory_space<vmem>>, vector<64x16xf32>,
      %broadcast_in_dim3A_62 = arith.constant 0.000000e+00 : f32
      %broadcast_in_dim3A_63 = vector.broadcast %broadcast_in_dim3A_62 : f32 to vector<64x16xf32>
      %swap3A_64 = arith.constant 0 : index
      %swap3A_65 = arith.constant 0 : index
      %swap3A_66 = vector.load %arg8[%swap3A_64, %swap3A_65] : memref<64x16xf32, #tpu.memory_space<vmem>>, vector<64x16xf32>
      tpu.vector_store %arg8[%swap3A_64, %swap3A_65], %broadcast_in_dim3A_63 {strides = array<i32>} : memref<64x16xf32, #tpu.memory_space<vmem>>, vector<64x16xf32>,
    } else {
    }
    %get3A = arith.constant 0 : index
    %get3A_2 = arith.constant 0 : index
    %get3A_3 = vector.load %arg3[%get3A, %get3A_2] : memref<256x128xf32, #tpu.memory_space<vmem>>, vector<256x1xf32>
    %get3A_4 = arith.constant 0 : index
    %get3A_5 = arith.constant 0 : index
    %get3A_6 = arith.constant 0 : index
    %get3A_7 = vector.load %arg1[%get3A_4, %get3A_5, %get3A_6] : memref<2x256x16xf32, #tpu.memory_space<vmem>>, vector<1x256x16xf32>
    %get3A_8 = vector.shape_cast %get3A_7 : vector<1x256x16xf32> to vector<256x16xf32>
    %get3A_9 = arith.constant 1 : index
    %get3A_10 = arith.constant 0 : index
    %get3A_11 = arith.constant 0 : index
    %get3A_12 = vector.load %arg1[%get3A_9, %get3A_10, %get3A_11] : memref<2x256x16xf32, #tpu.memory_space<vmem>>, vector<1x256x16xf32>
    %get3A_13 = vector.shape_cast %get3A_12 : vector<1x256x16xf32> to vector<256x16xf32>
    %add3A = arith.addf %get3A_8, %get3A_13 : vector<256x16xf32>
    %get3A_14 = arith.constant 0 : index
    %get3A_15 = arith.constant 0 : index
    %get3A_16 = vector.load %arg2[%get3A_14, %get3A_15] : memref<256x16xf32, #tpu.memory_space<vmem>>, vector<256x16xf32>
    %add3A_17 = arith.addf %add3A, %get3A_16 : vector<256x16xf32>
    %mul3A = vector.broadcast %get3A_3 : vector<256x1xf32> to vector<256x16xf32>
    %mul3A_18 = arith.mulf %add3A_17, %mul3A : vector<256x16xf32>
    %get3A_19 = arith.constant 0 : index
    %get3A_20 = arith.constant 0 : index
    %get3A_21 = vector.load %arg4[%get3A_19, %get3A_20] : memref<1x16xf32, #tpu.memory_space<vmem>>, vector<1x16xf32>
    %add3A_22 = vector.broadcast %get3A_21 : vector<1x16xf32> to vector<256x16xf32>
    %add3A_23 = arith.addf %mul3A_18, %add3A_22 : vector<256x16xf32>
    %get3A_24 = arith.constant 0 : index
    %get3A_25 = arith.constant 0 : index
    %get3A_26 = arith.constant 0 : index
    %get3A_27 = vector.load %arg5[%get3A_24, %get3A_25, %get3A_26] : memref<1x1x256xi32, #tpu.memory_space<vmem>>, vector<1x1x256xi32>
    %get3A_28 = vector.shape_cast %get3A_27 : vector<1x1x256xi32> to vector<256xi32>
    %broadcast_in_dim3A = vector.shape_cast %get3A_28 : vector<256xi32> to vector<256x1xi32>
    %iota3A = tpu.iota {dimensions = array<i32: 1>} : vector<1x64xi32>
    %eq3A_29 = vector.broadcast %broadcast_in_dim3A : vector<256x1xi32> to vector<256x64xi32>
    %eq3A_30 = vector.broadcast %iota3A : vector<1x64xi32> to vector<256x64xi32>
    %eq3A_31 = arith.cmpi eq, %eq3A_29, %eq3A_30 : vector<256x64xi32>
    %convert_element_type3A_32 = arith.extui %eq3A_31 : vector<256x64xi1> to vector<256x64xi32>
    %convert_element_type3A_33 = arith.sitofp %convert_element_type3A_32 : vector<256x64xi32> to vector<256x64xf32>
    %get3A_34 = arith.constant 0 : index
    %get3A_35 = arith.constant 0 : index
    %get3A_36 = vector.load %arg7[%get3A_34, %get3A_35] : memref<64x16xf32, #tpu.memory_space<vmem>>, vector<64x16xf32>
    %dot_general3A = arith.constant dense<0.000000e+00> : vector<64x16xf32>
    %dot_general3A_37 = tpu.matmul %convert_element_type3A_33, %add3A_23, %dot_general3A {dimension_numbers = #tpu.dot_dimension_numbers<[0], [0], [1], [1], [0, 1, 1, 1], [], []>, transpose_lhs_hint = false} : vector<256x64xf32>, vector<256x16xf32>, vector<64x16xf32> -> vector<64x16xf32>
    %add3A_38 = arith.addf %get3A_36, %dot_general3A_37 : vector<64x16xf32>
    %swap3A = arith.constant 0 : index
    %swap3A_39 = arith.constant 0 : index
    %swap3A_40 = vector.load %arg7[%swap3A, %swap3A_39] : memref<64x16xf32, #tpu.memory_space<vmem>>, vector<64x16xf32>
    tpu.vector_store %arg7[%swap3A, %swap3A_39], %add3A_38 {strides = array<i32>} : memref<64x16xf32, #tpu.memory_space<vmem>>, vector<64x16xf32>,
    %get3A_41 = arith.constant 0 : index
    %get3A_42 = arith.constant 0 : index
    %get3A_43 = vector.load %arg8[%get3A_41, %get3A_42] : memref<64x16xf32, #tpu.memory_space<vmem>>, vector<64x16xf32>
    %broadcast_in_dim3A_44 = arith.constant 1.000000e+00 : f32
    %broadcast_in_dim3A_45 = vector.broadcast %broadcast_in_dim3A_44 : f32 to vector<256x16xf32>
    %dot_general3A_46 = arith.constant dense<0.000000e+00> : vector<64x16xf32>
    %dot_general3A_47 = tpu.matmul %convert_element_type3A_33, %broadcast_in_dim3A_45, %dot_general3A_46 {dimension_numbers = #tpu.dot_dimension_numbers<[0], [0], [1], [1], [0, 1, 1, 1], [], []>, transpose_lhs_hint = false} : vector<256x64xf32>, vector<256x16xf32>, vector<64x16xf32> -> vector<64x16xf32>
    %add3A_48 = arith.addf %get3A_43, %dot_general3A_47 : vector<64x16xf32>
    %swap3A_49 = arith.constant 0 : index
    %swap3A_50 = arith.constant 0 : index
    %swap3A_51 = vector.load %arg8[%swap3A_49, %swap3A_50] : memref<64x16xf32, #tpu.memory_space<vmem>>, vector<64x16xf32>
    tpu.vector_store %arg8[%swap3A_49, %swap3A_50], %add3A_48 {strides = array<i32>} : memref<64x16xf32, #tpu.memory_space<vmem>>, vector<64x16xf32>,
    %eq3A_52 = arith.constant 39 : i32
    %eq3A_53 = arith.cmpi eq, %arg0, %eq3A_52 : i32
    %convert_element_type3A_54 = arith.extui %eq3A_53 : i1 to i32
    %cond3A_55 = arith.constant 0 : i32
    %cond3A_56 = arith.cmpi ne, %convert_element_type3A_54, %cond3A_55 : i32
    scf.if %cond3A_56 {
      %get3A_57 = arith.constant 0 : index
      %get3A_58 = arith.constant 0 : index
      %get3A_59 = vector.load %arg7[%get3A_57, %get3A_58] : memref<64x16xf32, #tpu.memory_space<vmem>>, vector<64x16xf32>
      %get3A_60 = arith.constant 0 : index
      %get3A_61 = arith.constant 0 : index
      %get3A_62 = vector.load %arg8[%get3A_60, %get3A_61] : memref<64x16xf32, #tpu.memory_space<vmem>>, vector<64x16xf32>
      %max3A = arith.constant 1.000000e+00 : f32
      %max3A_63 = vector.broadcast %max3A : f32 to vector<64x16xf32>
      %max3A_64 = arith.maximumf %get3A_62, %max3A_63 : vector<64x16xf32>
      %div3A = arith.divf %get3A_59, %max3A_64 : vector<64x16xf32>
      %reduce_max3A = arith.constant dense<0xFF800000> : vector<64xf32>
      %reduce_max3A_65 = vector.multi_reduction <maximumf>, %div3A, %reduce_max3A [1] : vector<64x16xf32> to vector<64xf32>
      %broadcast_in_dim3A_66 = vector.shape_cast %reduce_max3A_65 : vector<64xf32> to vector<64x1xf32>
      %sub3A = vector.broadcast %broadcast_in_dim3A_66 : vector<64x1xf32> to vector<64x16xf32>
      %sub3A_67 = arith.subf %div3A, %sub3A : vector<64x16xf32>
      %exp3A = math.exp %sub3A_67 : vector<64x16xf32>
      %sub3A_68 = vector.broadcast %broadcast_in_dim3A_66 : vector<64x1xf32> to vector<64x16xf32>
      %sub3A_69 = arith.subf %div3A, %sub3A_68 : vector<64x16xf32>
      %reduce_sum3A = arith.constant dense<0.000000e+00> : vector<64xf32>
      %reduce_sum3A_70 = vector.multi_reduction <add>, %exp3A, %reduce_sum3A [1] : vector<64x16xf32> to vector<64xf32>
      %broadcast_in_dim3A_71 = vector.shape_cast %reduce_sum3A_70 : vector<64xf32> to vector<64x1xf32>
      %log3A = math.log %broadcast_in_dim3A_71 : vector<64x1xf32>
      %sub3A_72 = vector.broadcast %log3A : vector<64x1xf32> to vector<64x16xf32>
      %sub3A_73 = arith.subf %sub3A_69, %sub3A_72 : vector<64x16xf32>
      %swap3A_74 = arith.constant 0 : index
      %swap3A_75 = arith.constant 0 : index
      %swap3A_76 = vector.load %arg6[%swap3A_74, %swap3A_75] : memref<64x16xf32, #tpu.memory_space<vmem>>, vector<64x16xf32>
      tpu.vector_store %arg6[%swap3A_74, %swap3A_75], %sub3A_73 {strides = array<i32>} : memref<64x16xf32, #tpu.memory_space<vmem>>, vector<64x16xf32>,
    } else {
    }
    return
  }
  func.func @transform_0(%arg0: i32) -> (i32, i32, i32) {
    %c0_i32 = arith.constant 0 : i32
    %c0_i32_0 = arith.constant 0 : i32
    %c0_i32_1 = arith.constant 0 : i32
    return %c0_i32, %arg0, %c0_i32_0 : i32, i32, i32
  }
  func.func @transform_1(%arg0: i32) -> (i32, i32) {
    %c0_i32 = arith.constant 0 : i32
    %c0_i32_0 = arith.constant 0 : i32
    return %arg0, %c0_i32 : i32, i32
  }
  func.func @transform_2(%arg0: i32) -> (i32, i32) {
    %c0_i32 = arith.constant 0 : i32
    %c0_i32_0 = arith.constant 0 : i32
    return %arg0, %c0_i32 : i32, i32
  }
  func.func @transform_3(%arg0: i32) -> (i32, i32) {
    %c0_i32 = arith.constant 0 : i32
    %c0_i32_0 = arith.constant 0 : i32
    %c0_i32_1 = arith.constant 0 : i32
    return %c0_i32, %c0_i32_0 : i32, i32
  }
  func.func @transform_4(%arg0: i32) -> (i32, i32, i32) {
    %c0_i32 = arith.constant 0 : i32
    %c0_i32_0 = arith.constant 0 : i32
    %c0_i32_1 = arith.constant 0 : i32
    return %arg0, %c0_i32, %c0_i32_0 : i32, i32, i32
  }
  func.func @transform_5(%arg0: i32) -> (i32, i32) {
    %c0_i32 = arith.constant 0 : i32
    %c0_i32_0 = arith.constant 0 : i32
    %c0_i32_1 = arith.constant 0 : i32
    return %c0_i32, %c0_i32_0 : i32, i32
  }
}

</mosaic_0001>

<sc_bundles>
// kernel: kernel.10.cloned.1.call-start
scs
__scs_entry_jumppad:
0x0: {  	(pc) =	sbr.rel $0x88, $3  }
0x1: {  	(tag) =	ssettag $0x0;
	lr =	simm.s32 $0x1  }
0x2: {  	[smem:$0x3F98] =	sst lr;
	_ =	strace $0xD0000000  }
0x3: {  	_ = 	snop  }
0x4: {  	_ = 	snop  }
0x5: {  	_ = 	snop  }
0x6: {  	_ = 	snop  }
0x7: {  	_ = 	snop  }
__scs_overlays_trampoline_lowered:
0x8: {  	[smem:$0x3FA7] =	sst s0  }
0x9: {  	[smem:$0x3FA8] =	sst s1  }
0xa: {  	[smem:$0x3FA9] =	sst s2  }
0xb: {  	[smem:$0x3FAA] =	sst s3  }
0xc: {  	[smem:$0x3FAB] =	sst s4  }
0xd: {  	[smem:$0x3FAC] =	sst s5  }
0xe: {  	[smem:$0x3FAD] =	sst s6  }
0xf: {  	[smem:$0x3FAE] =	sst s7  }
0x10: {  	[smem:$0x3FAF] =	sst s8  }
0x11: {  	[smem:$0x3FB0] =	sst s9;
	s0 =	simm.s32 @!p0 $0x0  }
0x12: {  	s1 =	sld [smem:$0x3F96];
	s0 =	simm.s32 @p0 $0x1  }
0x13: {  	[smem:$0x3FB1] =	sst s0;
	s0 =	simm.s32 @!p1 $0x0  }
0x14: {  	s2 =	sld [smem:$0x3F95];
	s0 =	simm.s32 @p1 $0x1  }
0x15: {  	[smem:$0x3FB2] =	sst s0;
	s0 =	simm.s32 @!p2 $0x0  }
0x16: {  	s3 =	sld [smem:$0x3FDB];
	s0 =	simm.s32 @p2 $0x1  }
0x17: {  	s4 =	simm.s32 $0x1BF5;
	[smem:$0x3FB4] =	sst s0  }
0x18: {  	s0 =	sld [smem:$0x3F97];
	_ =	swait.ge [sflag:s4], $0x0  }
0x19: {  	s7 =	sld [smem:$0x3F98]  }
0x1a: {  	s8 =	sadd.s32 $0xFFFFE003, lr  }
0x1b: {  	s9 =	sadd.s32 $0xFFFFFEF7, lr;
	s5 =	simm.s32 $0xFFFFFFFF;
	p2 =	slt.u32 s8, $0xFFFFF086  }
0x1c: {  	p1 =	slt.u32 s9, $0xF7A;
	s5 =	simm.s32 @!p2 $0x0  }
0x1d: {  	s5 =	simm.s32 @p1 $0x1;
	p0 =	seq.s32 s7, s2  }
0x1e: {  	s7 =	smul.u32 @!p0 $0xF7A, s2;
	p2 =	seq.s32 @!p0 s5, $0x0  }
0x1f: {  	s9 =	smul.u32 $0xF7A, s1;
	s8 =	simm.s32 @!p0 $0x1BF5;
	p2 =	por !p2, p0  }
0x20: {  	[sflag:s8] =	ssyncset.s32 @!p0 $0xFFFFF086;
	s6 =	sadd.s32 @!p0 s3, s7;
	s7 =	simm.s32 @!p0 $0x108  }
0x21: {  	s3 =	sadd.s32 s3, s9;
	s6 =	sadd.s32 @!p0 $0x88, s6;
	s7 =	simm.s32 @p2 $0x1082  }
0x22: {  	[simem:s7], [sflag:s8] =	dma.local @!p0 [hbm:s6], $0xF7A  }
0x23: {  	s9 =	sor.u32 $0xD0000000, s2;
	s6 =	simm.s32 $0x108;
	_ =	swait.ge @!p0 [sflag:s8], $0x0  }
0x24: {  	s3 =	sadd.s32 $0x88, s3;
	s6 =	simm.s32 @!p1 $0x1082;
	[sflag:s4] =	ssyncset.s32 $0xFFFFF086  }
0x25: {  	[simem:s6], [sflag:s4] =	dma.local [hbm:s3], $0xF7A  }
0x26: {  	[smem:$0x3F98] =	sst s1;
	(tag) =	ssettag s2;
	_ =	strace s9  }
0x27: {  	s1 =	sld [smem:$0x3FA8]  }
0x28: {  	s2 =	sld [smem:$0x3FA9]  }
0x29: {  	s4 =	sld [smem:$0x3FAB]  }
0x2a: {  	p0 =	seq.s32 s5, $0x0;
	s5 =	sld [smem:$0x3FAC]  }
0x2b: {  	s6 =	sld [smem:$0x3FAD]  }
0x2c: {  	s7 =	sld [smem:$0x3FAE]  }
0x2d: {  	s3 =	simm.s32 $0x108;
	s8 =	sld [smem:$0x3FAF]  }
0x2e: {  	s3 =	simm.s32 @!p0 $0x1082;
	s9 =	sld [smem:$0x3FB0]  }
0x2f: {  	lr =	sadd.s32 s0, s3;
	s0 =	sld [smem:$0x3FA7]  }
0x30: {  	s3 =	sld [smem:$0x3FAA]  }
0x31: {  	[smem:$0x3FB3] =	sst s10  }
0x32: {  	s10 =	sld [smem:$0x3FB1];
	_ =	sdelay $0x3  }
0x33: {  	p0 =	seq.s32 s10, $0x1;
	s10 =	sld [smem:$0x3FB3];
	_ =	sdelay $0x3  }
0x34: {  	[smem:$0x3FB3] =	sst s10  }
0x35: {  	s10 =	sld [smem:$0x3FB2];
	_ =	sdelay $0x3  }
0x36: {  	p1 =	seq.s32 s10, $0x1;
	s10 =	sld [smem:$0x3FB3];
	_ =	sdelay $0x3  }
0x37: {  	[smem:$0x3FB3] =	sst s10  }
0x38: {  	s10 =	sld [smem:$0x3FB4]  }
0x39: {  	_ = 	snop;
	(pc) =	sbr.ind lr, $3  }
0x3a: {  	_ = 	snop  }
0x3b: {  	_ = 	snop  }
0x3c: {  	p2 =	seq.s32 s10, $0x1;
	s10 =	sld [smem:$0x3FB3]  }
0x3d: {  	_ =	shalt  }
0x3e: {  	_ =	shalt  }
0x3f: {  	_ =	shalt  }
0x40: {  	_ =	shalt  }
0x41: {  	_ =	shalt  }
0x42: {  	_ =	shalt  }
0x43: {  	_ =	shalt  }
0x44: {  	_ =	shalt  }
0x45: {  	_ =	shalt  }
0x46: {  	_ =	shalt  }
0x47: {  	_ =	shalt  }
0x48: {  	_ =	shalt  }
0x49: {  	_ =	shalt  }
0x4a: {  	_ =	shalt  }
0x4b: {  	_ =	shalt  }
0x4c: {  	_ =	shalt  }
0x4d: {  	_ =	shalt  }
0x4e: {  	_ =	shalt  }
0x4f: {  	_ =	shalt  }
0x50: {  	_ =	shalt  }
0x51: {  	_ =	shalt  }
0x52: {  	_ =	shalt  }
0x53: {  	_ =	shalt  }
0x54: {  	_ =	shalt  }
0x55: {  	_ =	shalt  }
0x56: {  	_ =	shalt  }
0x57: {  	_ =	shalt  }
0x58: {  	_ =	shalt  }
0x59: {  	_ =	shalt  }
0x5a: {  	_ =	shalt  }
0x5b: {  	_ =	shalt  }
0x5c: {  	_ =	shalt  }
0x5d: {  	_ =	shalt  }
0x5e: {  	_ =	shalt  }
0x5f: {  	_ =	shalt  }
0x60: {  	_ =	shalt  }
0x61: {  	_ =	shalt  }
0x62: {  	_ =	shalt  }
0x63: {  	_ =	shalt  }
0x64: {  	_ =	shalt  }
0x65: {  	_ =	shalt  }
0x66: {  	_ =	shalt  }
0x67: {  	_ =	shalt  }
0x68: {  	_ =	shalt  }
0x69: {  	_ =	shalt  }
0x6a: {  	_ =	shalt  }
0x6b: {  	_ =	shalt  }
0x6c: {  	_ =	shalt  }
0x6d: {  	_ =	shalt  }
0x6e: {  	_ =	shalt  }
0x6f: {  	_ =	shalt  }
0x70: {  	_ =	shalt  }
0x71: {  	_ =	shalt  }
0x72: {  	_ =	shalt  }
0x73: {  	_ =	shalt  }
0x74: {  	_ =	shalt  }
0x75: {  	_ =	shalt  }
0x76: {  	_ =	shalt  }
0x77: {  	_ =	shalt  }
0x78: {  	_ =	shalt  }
0x79: {  	_ =	shalt  }
0x7a: {  	_ =	shalt  }
0x7b: {  	_ =	shalt  }
0x7c: {  	_ =	shalt  }
0x7d: {  	_ =	shalt  }
0x7e: {  	_ =	shalt  }
0x7f: {  	_ =	shalt  }
0x80: {  	_ =	shalt  }
0x81: {  	_ =	shalt  }
0x82: {  	_ =	shalt  }
0x83: {  	_ =	shalt  }
0x84: {  	_ =	shalt  }
0x85: {  	_ =	shalt  }
0x86: {  	_ =	shalt  }
0x87: {  	_ =	shalt  }
.Lfunc_end0:
.L_simem_size_0:
called_computation_lowered:
.L_overlay_start_0:
0x88: {  	s2 =	sld [smem:$0x3FD9]  }
0x89: {  	s3 =	sld [smem:$0x3FFE];
	_ =	sdelay $0x1  }
0x8a: {  	s1 =	srdreg.scid  }
0x8b: {  	s0 =	sand.u32 $0x1, s1  }
0x8c: {  	s17 =	sshll.u32 s0, $0xA;
	s2 =	sadd.s32 s3, s2  }
0x8d: {  	s2 =	sadd.s32 s2, s17  }
0x8e: {  	[smem:$0x3FBF] =	sst s2  }
0x8f: {  	_ = 	snop  }
0x90: {  	s2 =	sld [smem:$0x3FD0];
	(tm) =	ssettm $0x1  }
0x91: {  	s18 =	sld [smem:$0x3FFB];
	_ =	sdelay $0x3  }
0x92: {  	_ =	strace s18  }
0x93: {  	s3 =	sld [smem:$0x3FFC];
	_ =	sdelay $0x3  }
0x94: {  	_ =	strace s3  }
0x95: {  	s3 =	sld [smem:$0x3FFD];
	_ =	sdelay $0x3  }
0x96: {  	_ =	strace s3  }
0x97: {  	_ =	strace $0x8FFFFFFF  }
0x98: {  	s19 =	sld [smem:$0x3FDB];
	_ =	sdelay $0x1  }
0x99: {  	s4 =	simm.s32 $_scs_section_size  }
0x9a: {  	s5 =	simm.s32 $_size__tile_overlayer_lowered;
	s6 =	simm.s32 $_tile_overlayer_lowered  }
0x9b: {  	s22 =	simm.s32 $0x1BFF;
	s21 =	sshll.u32 s6, $0x1;
	s3 =	sadd.s32 s4, s19  }
0x9c: {  	s7 =	simm.s32 $0x0;
	s20 =	sshll.u32 s5, $0x1;
	s5 =	sadd.s32 s21, s3  }
0x9d: {  	[timem:s7], [sflag:s22] =	dma.local [hbm:s5], s20  }
0x9e: {  	_ =	swait.ge [sflag:s22], s20  }
0x9f: {  	s4 =	ssub.s32 $0x0, s20;
	[sflag:s22] =	ssyncset.done $0x0  }
0xa0: {  	[sflag:s22] =	ssyncadd.s32 s4;
	_ =	sdelay $0x1  }
0xa1: {  	s23 =	simm.s32 $0x1B8B  }
0xa2: {  	_ =	swait.ge [sflag:s23], $0x1  }
0xa3: {  	[sflag:s23] =	ssyncset.done $0x0  }
0xa4: {  	s25 =	simm.s32 $0x1B8E;
	s24 =	sld [smem:$0x3FFE];
	[sflag:s23] =	ssyncadd.s32 $0xFFFFFFFF  }
0xa5: {  	s26 =	simm.s32 $execute0_lowered;
	[smem:$0x3FD2] =	sst s25  }
0xa6: {  	s5 =	sshll.u32 s26, $0x1;
	_ =	strace $0x80000046;
	[dreg:$0x1] =	wrdreg $0xFFFFFFFF  }
0xa7: {  	s28 =	simm.s32 $_size_execute0_lowered;
	s3 =	sadd.s32 s3, s5;
	[dreg:$0x0] =	wrdreg $0x0  }
0xa8: {  	s5 =	sshll.u32 s28, $0x1;
	[dreg:$0x2] =	wrdreg s3  }
0xa9: {  	[dreg:$0x3] =	wrdreg s5  }
0xaa: {  	[dreg:$0x4] =	wrdreg $0xC0  }
0xab: {  	_ =	task [dreg:s7], $0x5FFFF  }
0xac: {  	[dreg:$0x1] =	wrdreg $0xFFFFFFFF  }
0xad: {  	[dreg:$0x0] =	wrdreg $0x60  }
0xae: {  	[dreg:$0x2] =	wrdreg s2  }
0xaf: {  	[dreg:$0x3] =	wrdreg s24  }
0xb0: {  	[dreg:$0x4] =	wrdreg $0x24000  }
0xb1: {  	[dreg:$0x5] =	wrdreg $0x9  }
0xb2: {  	_ =	task.clear_ibuf [dreg:s7], $0x6FFFF;
	_ =	strace $0x90000046  }
0xb3: {  	s29 =	simm.s32 $0x9;
	_ =	strace $0x80000048  }
0xb4: {  	_ =	swait.ge [sflag:s29], $0x1  }
0xb5: {  	[sflag:s29] =	ssyncadd.s32 $0xFFFFFFFF  }
0xb6: {  	_ =	strace $0x90000048  }
0xb7: {  	_ =	sfence  }
0xb8: {  	s30 =	sld [smem:$0x0];
	_ =	sdelay $0x2  }
0xb9: {  	s31 =	sshll.u32 s1, $0xD;
	s1 =	sshrl.u32 s1, $0x2  }
0xba: {  	s3 =	sand.u32 $0x4000, s31;
	s1 =	sadd.s32 s1, s30  }
0xbb: {  	s0 =	sor.u32 s3, s0;
	s1 =	sshll.u32 s1, $0x11  }
0xbc: {  	s0 =	sor.u32 s1, s0  }
0xbd: {  	s0 =	sadd.s32 $0x8F2B, s0  }
0xbe: {  	[sflag:s0] =	ssyncadd.remote.s32 $0x1  }
0xbf: {  	_ =	sfence.sel $0xFFFF  }
0xc0: {  	[dreg:$0x0] =	wrdreg $0xFFFFFFFF;
	(pc) =	sbr.abs _section_cstart, $3  }
0xc1: {  	[dreg:$0x1] =	wrdreg $0xFFFFFFFF  }
0xc2: {  	_ =	task.clear_ibuf [dreg:s7], $0x2FFFF;
	_ =	strace $0x9FFFFFFF  }
0xc3: {  	(tm) =	ssettm $0x7FFFFFFF  }
tec
execute0_lowered:
.L_overlay_start_1:
0x0: {  	(tag) =	ssettag $0x1  }
0x1: {  	s2 =	rddreg [dreg:$0x0]  }
0x2: {  	s1 =	srdreg.scid;
	s7 =	rddreg [dreg:$0x1]  }
0x3: {  	s0 =	stileid.u32;
	s3 =	rddreg [dreg:$0x2];
	s4 =	simm.s32 $0x0  }
0x4: {  	s14 =	simm.s32 $0x80;
	s15 =	simm.s32 $0x0;
	s6 =	sand.u32 $0x1, s1  }
0x5: {  	s30 =	sshll.u32 s0, $0x1;
	s8 =	smul.u32 $0x2800, s0;
	[smem:$0x7FF] =	sst s4  }
0x6: {  	s11 =	sshll.u32 s0, $0x6;
	s1 =	sor.u32 s6, s30;
	s9 =	smul.u32 $0x28000, s6  }
0x7: {  	s6 =	ssub.s32 $0x2, s6;
	s5 =	smul.u32 $0x2800, s1;
	s1 =	rddreg [dreg:$0x3]  }
0x8: {  	_ =	strace $0x80000047;
	s31 =	sshrl.u32 s6, $0x1;
	s13 =	sadd.s32 s8, s3  }
0x9: {  	s9 =	sadd.s32 s8, s9;
	s12 =	ssub.s32 s6, s31;
	s6 =	sor.u32 $0x1C01, s11  }
0xa: {  	s11 =	sshrl.u32 s13, $0x3;
	s13 =	simm.s32 $0x1400;
	s5 =	sshrl.u32 s5, $0x3  }
0xb: {  	s9 =	sshrl.u32 s9, $0x3;
	s10 =	sadd.s32 s5, s7;
	s5 =	sadd.s32 $0x17400, s7  }
0xc: {  	s9 =	sadd.s32 s9, s7;
	s7 =	sadd.s32 $0x3400, s10;
	s8 =	sadd.s32 $0x3680, s10  }
0xd: {  	s9 =	sadd.s32 $0x17A00, s9;
	s10 =	smax.u32 s12, $0x1;
	s12 =	simm.s32 $0x1  }
.LBB2_1:
0xe: {  	[spmem:s11], [sflag:s6] =	dma.local [hbm:s5], $0x500  }
0xf: {  	_ =	swait.ge [sflag:s12], $0x500  }
0x10: {  	[sflag:s12] =	ssyncset.done $0x0  }
0x11: {  	[sflag:s12] =	ssyncadd.s32 $0xFFFFFB00  }
0x12: {  	[bflag:$0x0] =	sbarrier.arrive $0xFFFF  }
0x13: {  	[tilespmem:s13], [sflag:$0x1] =	stream.linear.gather [hbm4b:s2+s4], $0x800, $0x38;
	[tilespmem:$0x4C00] =	vst v63  }
0x14: {  	_ =	swait.ge [sflag:s12], $0x800  }
0x15: {  	[sflag:s12] =	ssyncset.done $0x0  }
0x16: {  	[sflag:s12] =	ssyncadd.s32 $0xFFFFF800  }
0x17: {  	[tilespmem:s4], [sflag:$0x1] =	stream.linear.gather [hbm4b:s7+s4], $0x1400, $0x38;
	[tilespmem:$0x4C00] =	vst v63  }
0x18: {  	_ =	swait.ge [sflag:s12], $0x1400  }
0x19: {  	[sflag:s12] =	ssyncset.done $0x0  }
0x1a: {  	s16 =	simm.s32 $0x0;
	[sflag:s12] =	ssyncadd.s32 $0xFFFFEC00  }
0x1b: {  	[spmem:s3] =	stream.indirect.scatter.add.f32 [tilespmem:s13], [sflag:$0x1], $0x10, s16, s14, $0xb8;
	[tilespmem:$0x4C00] =	vst v63  }
0x1c: {  	_ =	swait.ge [sflag:s12], $0x800  }
0x1d: {  	s16 =	simm.s32 $0x200;
	[sflag:s12] =	ssyncset.done $0x0  }
.LBB2_2:
0x1e: {  	s17 =	sshra.s32 s16, $0x2;
	[sflag:s12] =	ssyncadd.s32 $0xFFFFF800;
	p0 =	sne.s32 s16, $0x4E00  }
0x1f: {  	[spmem:s3] =	stream.indirect.scatter.add.f32 [tilespmem:s13], [sflag:$0x1], $0x10, s17, s14, $0xb8;
	[tilespmem:$0x4C00] =	vst v63  }
.Ltmp0:
0x20: {  	_ = 	snop;
	(pc) =	sbr.rel @p0 .LBB2_2-.Ltmp0, $4  }
0x21: {  	_ = 	snop  }
0x22: {  	s16 =	sadd.s32 $0x200, s16  }
0x23: {  	_ =	swait.ge [sflag:s12], $0x800  }
0x24: {  	[sflag:s12] =	ssyncset.done $0x0  }
0x25: {  	[sflag:s12] =	ssyncadd.s32 $0xFFFFF800;
	s16 =	simm.s32 $0x0  }
0x26: {  	[tilespmem:s16], [sflag:$0x1] =	stream.linear.gather [hbm4b:s8+s16], $0x1400, $0x38;
	[tilespmem:$0x4C00] =	vst v63  }
0x27: {  	_ =	swait.ge [sflag:s12], $0x1400  }
0x28: {  	[sflag:s12] =	ssyncset.done $0x0  }
0x29: {  	s31 =	simm.s32 $0x0;
	[sflag:s12] =	ssyncadd.s32 $0xFFFFEC00  }
0x2a: {  	[spmem:s3] =	stream.indirect.scatter.add.f32 [tilespmem:s13], [sflag:$0x1], $0x10, s31, s14, $0xb8;
	[tilespmem:$0x4C00] =	vst v63  }
0x2b: {  	_ =	swait.ge [sflag:s12], $0x800  }
0x2c: {  	s16 =	simm.s32 $0x200;
	[sflag:s12] =	ssyncset.done $0x0  }
.LBB2_4:
0x2d: {  	s17 =	sshra.s32 s16, $0x2;
	[sflag:s12] =	ssyncadd.s32 $0xFFFFF800;
	p0 =	sne.s32 s16, $0x4E00  }
0x2e: {  	[spmem:s3] =	stream.indirect.scatter.add.f32 [tilespmem:s13], [sflag:$0x1], $0x10, s17, s14, $0xb8;
	[tilespmem:$0x4C00] =	vst v63  }
.Ltmp1:
0x2f: {  	_ = 	snop;
	(pc) =	sbr.rel @p0 .LBB2_4-.Ltmp1, $4  }
0x30: {  	_ = 	snop  }
0x31: {  	s16 =	sadd.s32 $0x200, s16  }
0x32: {  	_ =	swait.ge [sflag:s12], $0x800  }
0x33: {  	[sflag:s12] =	ssyncset.done $0x0  }
0x34: {  	s15 =	sadd.s32 $0x1, s15  }
0x35: {  	[sflag:s12] =	ssyncadd.s32 $0xFFFFF800;
	p0 =	sne.s32 s15, s10  }
.Ltmp2:
0x36: {  	[bflag:$0x0] =	sbarrier.arrive $0xFFFF;
	(pc) =	sbr.rel @p0 .LBB2_1-.Ltmp2, $4  }
0x37: {  	[hbm:s9], [sflag:s6] =	dma.local [spmem:s11], $0x500  }
0x38: {  	_ =	swait.ge [sflag:s12], $0x500  }
0x39: {  	[sflag:s12] =	ssyncset.done $0x0  }
0x3a: {  	[sflag:s12] =	ssyncadd.s32 $0xFFFFFB00  }
0x3b: {  	_ =	sfence.sel $0x180000  }
0x3c: {  	[bflag:$0x0] =	sbarrier.arrive $0xFFFF  }
0x3d: {  	p0 =	sne.s32 s0, $0x0;
	_ =	strace $0x90000047  }
0x3e: {  	s0 =	sadd.s32 @!p0 $0x100000, s1;
	[bflag:$0x2] =	sbarrier.arrive $0xFFFF  }
0x3f: {  	[sflag:s0] =	ssyncadd.tile.s32 @!p0 $0x1;
	_ =	shalt  }
.Lfunc_end2:
_tile_overlayer_lowered:
.L_overlay_start_2:
0x40: {  	(tag) =	ssettag $0x2  }
0x41: {  	s0 =	rddreg [dreg:$0x0];
	s2 =	stileid.u32  }
0x42: {  	s1 =	rddreg [dreg:$0x1];
	p0 =	sne.s32 s2, $0x0  }
0x43: {  	s3 =	rddreg [dreg:$0x2];
	[bflag:$0x3] =	sbarrier.arrive $0xFFFF;
	s2 =	simm.s32 @!p0 $0x1C01  }
0x44: {  	[timem:s3], [sflag:s2] =	dma.local @!p0 [hbm:s0], s1  }
0x45: {  	s0 =	simm.s32 @!p0 $0x1  }
0x46: {  	_ =	swait.ge @!p0 [sflag:s0], s1  }
0x47: {  	s1 =	ssub.s32 @!p0 $0x0, s1;
	[sflag:s0] =	ssyncset.done @!p0 $0x0  }
0x48: {  	[sflag:s0] =	ssyncadd.s32 @!p0 s1  }
0x49: {  	[bflag:$0x3] =	sbarrier.arrive $0xFFFF  }
0x4a: {  	_ =	shalt  }

// kernel: kernel.13.cloned.1.call-start
scs
__scs_entry_jumppad:
0x0: {  	(pc) =	sbr.rel $0x88, $3  }
0x1: {  	(tag) =	ssettag $0x0;
	lr =	simm.s32 $0x1  }
0x2: {  	[smem:$0x3F98] =	sst lr;
	_ =	strace $0xD0000000  }
0x3: {  	_ = 	snop  }
0x4: {  	_ = 	snop  }
0x5: {  	_ = 	snop  }
0x6: {  	_ = 	snop  }
0x7: {  	_ = 	snop  }
__scs_overlays_trampoline_lowered:
0x8: {  	[smem:$0x3FA7] =	sst s0  }
0x9: {  	[smem:$0x3FA8] =	sst s1  }
0xa: {  	[smem:$0x3FA9] =	sst s2  }
0xb: {  	[smem:$0x3FAA] =	sst s3  }
0xc: {  	[smem:$0x3FAB] =	sst s4  }
0xd: {  	[smem:$0x3FAC] =	sst s5  }
0xe: {  	[smem:$0x3FAD] =	sst s6  }
0xf: {  	[smem:$0x3FAE] =	sst s7  }
0x10: {  	[smem:$0x3FAF] =	sst s8  }
0x11: {  	[smem:$0x3FB0] =	sst s9;
	s0 =	simm.s32 @!p0 $0x0  }
0x12: {  	s1 =	sld [smem:$0x3F96];
	s0 =	simm.s32 @p0 $0x1  }
0x13: {  	[smem:$0x3FB1] =	sst s0;
	s0 =	simm.s32 @!p1 $0x0  }
0x14: {  	s2 =	sld [smem:$0x3F95];
	s0 =	simm.s32 @p1 $0x1  }
0x15: {  	[smem:$0x3FB2] =	sst s0;
	s0 =	simm.s32 @!p2 $0x0  }
0x16: {  	s3 =	sld [smem:$0x3FDB];
	s0 =	simm.s32 @p2 $0x1  }
0x17: {  	s4 =	simm.s32 $0x1BF5;
	[smem:$0x3FB4] =	sst s0  }
0x18: {  	s0 =	sld [smem:$0x3F97];
	_ =	swait.ge [sflag:s4], $0x0  }
0x19: {  	s7 =	sld [smem:$0x3F98]  }
0x1a: {  	s8 =	sadd.s32 $0xFFFFE003, lr  }
0x1b: {  	s9 =	sadd.s32 $0xFFFFFEF7, lr;
	s5 =	simm.s32 $0xFFFFFFFF;
	p2 =	slt.u32 s8, $0xFFFFF086  }
0x1c: {  	p1 =	slt.u32 s9, $0xF7A;
	s5 =	simm.s32 @!p2 $0x0  }
0x1d: {  	s5 =	simm.s32 @p1 $0x1;
	p0 =	seq.s32 s7, s2  }
0x1e: {  	s7 =	smul.u32 @!p0 $0xF7A, s2;
	p2 =	seq.s32 @!p0 s5, $0x0  }
0x1f: {  	s9 =	smul.u32 $0xF7A, s1;
	s8 =	simm.s32 @!p0 $0x1BF5;
	p2 =	por !p2, p0  }
0x20: {  	[sflag:s8] =	ssyncset.s32 @!p0 $0xFFFFF086;
	s6 =	sadd.s32 @!p0 s3, s7;
	s7 =	simm.s32 @!p0 $0x108  }
0x21: {  	s3 =	sadd.s32 s3, s9;
	s6 =	sadd.s32 @!p0 $0x88, s6;
	s7 =	simm.s32 @p2 $0x1082  }
0x22: {  	[simem:s7], [sflag:s8] =	dma.local @!p0 [hbm:s6], $0xF7A  }
0x23: {  	s9 =	sor.u32 $0xD0000000, s2;
	s6 =	simm.s32 $0x108;
	_ =	swait.ge @!p0 [sflag:s8], $0x0  }
0x24: {  	s3 =	sadd.s32 $0x88, s3;
	s6 =	simm.s32 @!p1 $0x1082;
	[sflag:s4] =	ssyncset.s32 $0xFFFFF086  }
0x25: {  	[simem:s6], [sflag:s4] =	dma.local [hbm:s3], $0xF7A  }
0x26: {  	[smem:$0x3F98] =	sst s1;
	(tag) =	ssettag s2;
	_ =	strace s9  }
0x27: {  	s1 =	sld [smem:$0x3FA8]  }
0x28: {  	s2 =	sld [smem:$0x3FA9]  }
0x29: {  	s4 =	sld [smem:$0x3FAB]  }
0x2a: {  	p0 =	seq.s32 s5, $0x0;
	s5 =	sld [smem:$0x3FAC]  }
0x2b: {  	s6 =	sld [smem:$0x3FAD]  }
0x2c: {  	s7 =	sld [smem:$0x3FAE]  }
0x2d: {  	s3 =	simm.s32 $0x108;
	s8 =	sld [smem:$0x3FAF]  }
0x2e: {  	s3 =	simm.s32 @!p0 $0x1082;
	s9 =	sld [smem:$0x3FB0]  }
0x2f: {  	lr =	sadd.s32 s0, s3;
	s0 =	sld [smem:$0x3FA7]  }
0x30: {  	s3 =	sld [smem:$0x3FAA]  }
0x31: {  	[smem:$0x3FB3] =	sst s10  }
0x32: {  	s10 =	sld [smem:$0x3FB1];
	_ =	sdelay $0x3  }
0x33: {  	p0 =	seq.s32 s10, $0x1;
	s10 =	sld [smem:$0x3FB3];
	_ =	sdelay $0x3  }
0x34: {  	[smem:$0x3FB3] =	sst s10  }
0x35: {  	s10 =	sld [smem:$0x3FB2];
	_ =	sdelay $0x3  }
0x36: {  	p1 =	seq.s32 s10, $0x1;
	s10 =	sld [smem:$0x3FB3];
	_ =	sdelay $0x3  }
0x37: {  	[smem:$0x3FB3] =	sst s10  }
0x38: {  	s10 =	sld [smem:$0x3FB4]  }
0x39: {  	_ = 	snop;
	(pc) =	sbr.ind lr, $3  }
0x3a: {  	_ = 	snop  }
0x3b: {  	_ = 	snop  }
0x3c: {  	p2 =	seq.s32 s10, $0x1;
	s10 =	sld [smem:$0x3FB3]  }
0x3d: {  	_ =	shalt  }
0x3e: {  	_ =	shalt  }
0x3f: {  	_ =	shalt  }
0x40: {  	_ =	shalt  }
0x41: {  	_ =	shalt  }
0x42: {  	_ =	shalt  }
0x43: {  	_ =	shalt  }
0x44: {  	_ =	shalt  }
0x45: {  	_ =	shalt  }
0x46: {  	_ =	shalt  }
0x47: {  	_ =	shalt  }
0x48: {  	_ =	shalt  }
0x49: {  	_ =	shalt  }
0x4a: {  	_ =	shalt  }
0x4b: {  	_ =	shalt  }
0x4c: {  	_ =	shalt  }
0x4d: {  	_ =	shalt  }
0x4e: {  	_ =	shalt  }
0x4f: {  	_ =	shalt  }
0x50: {  	_ =	shalt  }
0x51: {  	_ =	shalt  }
0x52: {  	_ =	shalt  }
0x53: {  	_ =	shalt  }
0x54: {  	_ =	shalt  }
0x55: {  	_ =	shalt  }
0x56: {  	_ =	shalt  }
0x57: {  	_ =	shalt  }
0x58: {  	_ =	shalt  }
0x59: {  	_ =	shalt  }
0x5a: {  	_ =	shalt  }
0x5b: {  	_ =	shalt  }
0x5c: {  	_ =	shalt  }
0x5d: {  	_ =	shalt  }
0x5e: {  	_ =	shalt  }
0x5f: {  	_ =	shalt  }
0x60: {  	_ =	shalt  }
0x61: {  	_ =	shalt  }
0x62: {  	_ =	shalt  }
0x63: {  	_ =	shalt  }
0x64: {  	_ =	shalt  }
0x65: {  	_ =	shalt  }
0x66: {  	_ =	shalt  }
0x67: {  	_ =	shalt  }
0x68: {  	_ =	shalt  }
0x69: {  	_ =	shalt  }
0x6a: {  	_ =	shalt  }
0x6b: {  	_ =	shalt  }
0x6c: {  	_ =	shalt  }
0x6d: {  	_ =	shalt  }
0x6e: {  	_ =	shalt  }
0x6f: {  	_ =	shalt  }
0x70: {  	_ =	shalt  }
0x71: {  	_ =	shalt  }
0x72: {  	_ =	shalt  }
0x73: {  	_ =	shalt  }
0x74: {  	_ =	shalt  }
0x75: {  	_ =	shalt  }
0x76: {  	_ =	shalt  }
0x77: {  	_ =	shalt  }
0x78: {  	_ =	shalt  }
0x79: {  	_ =	shalt  }
0x7a: {  	_ =	shalt  }
0x7b: {  	_ =	shalt  }
0x7c: {  	_ =	shalt  }
0x7d: {  	_ =	shalt  }
0x7e: {  	_ =	shalt  }
0x7f: {  	_ =	shalt  }
0x80: {  	_ =	shalt  }
0x81: {  	_ =	shalt  }
0x82: {  	_ =	shalt  }
0x83: {  	_ =	shalt  }
0x84: {  	_ =	shalt  }
0x85: {  	_ =	shalt  }
0x86: {  	_ =	shalt  }
0x87: {  	_ =	shalt  }
.Lfunc_end0:
.L_simem_size_0:
called_computation.1_lowered:
.L_overlay_start_0:
0x88: {  	s2 =	sld [smem:$0x3FD9]  }
0x89: {  	s3 =	sld [smem:$0x3FFE];
	_ =	sdelay $0x1  }
0x8a: {  	s1 =	srdreg.scid  }
0x8b: {  	s0 =	sand.u32 $0x1, s1  }
0x8c: {  	s16 =	sshll.u32 s0, $0xA;
	s2 =	sadd.s32 s3, s2  }
0x8d: {  	s2 =	sadd.s32 s2, s16  }
0x8e: {  	[smem:$0x3FBF] =	sst s2  }
0x8f: {  	_ = 	snop  }
0x90: {  	(tm) =	ssettm $0x1  }
0x91: {  	s17 =	sld [smem:$0x3FFB];
	_ =	sdelay $0x3  }
0x92: {  	_ =	strace s17  }
0x93: {  	s2 =	sld [smem:$0x3FFC];
	_ =	sdelay $0x3  }
0x94: {  	_ =	strace s2  }
0x95: {  	s2 =	sld [smem:$0x3FFD];
	_ =	sdelay $0x3  }
0x96: {  	_ =	strace s2  }
0x97: {  	_ =	strace $0x8FFFFFFF  }
0x98: {  	s18 =	sld [smem:$0x3FDB];
	_ =	sdelay $0x1  }
0x99: {  	s19 =	simm.s32 $_scs_section_size  }
0x9a: {  	s4 =	simm.s32 $_size__tile_overlayer_lowered;
	s5 =	simm.s32 $_tile_overlayer_lowered  }
0x9b: {  	s22 =	simm.s32 $0x1BFF;
	s21 =	sshll.u32 s5, $0x1;
	s2 =	sadd.s32 s19, s18  }
0x9c: {  	s6 =	simm.s32 $0x0;
	s20 =	sshll.u32 s4, $0x1;
	s4 =	sadd.s32 s21, s2  }
0x9d: {  	[timem:s6], [sflag:s22] =	dma.local [hbm:s4], s20  }
0x9e: {  	_ =	swait.ge [sflag:s22], s20  }
0x9f: {  	s3 =	ssub.s32 $0x0, s20;
	[sflag:s22] =	ssyncset.done $0x0  }
0xa0: {  	[sflag:s22] =	ssyncadd.s32 s3;
	_ =	sdelay $0x1  }
0xa1: {  	s23 =	simm.s32 $0x1B8B  }
0xa2: {  	_ =	swait.ge [sflag:s23], $0x1  }
0xa3: {  	[sflag:s23] =	ssyncset.done $0x0  }
0xa4: {  	s25 =	simm.s32 $0x1B8E;
	s24 =	sld [smem:$0x3FFE];
	[sflag:s23] =	ssyncadd.s32 $0xFFFFFFFF  }
0xa5: {  	s26 =	simm.s32 $execute0_lowered;
	[smem:$0x3FD2] =	sst s25  }
0xa6: {  	s4 =	sshll.u32 s26, $0x1;
	_ =	strace $0x80000049;
	[dreg:$0x1] =	wrdreg $0xFFFFFFFF  }
0xa7: {  	s28 =	simm.s32 $_size_execute0_lowered;
	s2 =	sadd.s32 s2, s4;
	[dreg:$0x0] =	wrdreg $0x0  }
0xa8: {  	s4 =	sshll.u32 s28, $0x1;
	[dreg:$0x2] =	wrdreg s2  }
0xa9: {  	[dreg:$0x3] =	wrdreg s4  }
0xaa: {  	[dreg:$0x4] =	wrdreg $0xC0  }
0xab: {  	_ =	task [dreg:s6], $0x5FFFF  }
0xac: {  	[dreg:$0x1] =	wrdreg $0xFFFFFFFF  }
0xad: {  	[dreg:$0x0] =	wrdreg $0x60  }
0xae: {  	[dreg:$0x2] =	wrdreg s24  }
0xaf: {  	[dreg:$0x3] =	wrdreg $0xA8000  }
0xb0: {  	[dreg:$0x4] =	wrdreg $0x9  }
0xb1: {  	_ =	task.clear_ibuf [dreg:s6], $0x5FFFF;
	_ =	strace $0x90000049  }
0xb2: {  	s29 =	simm.s32 $0x9;
	_ =	strace $0x8000004B  }
0xb3: {  	_ =	swait.ge [sflag:s29], $0x1  }
0xb4: {  	[sflag:s29] =	ssyncadd.s32 $0xFFFFFFFF  }
0xb5: {  	_ =	strace $0x9000004B  }
0xb6: {  	_ =	sfence  }
0xb7: {  	s30 =	sld [smem:$0x0];
	_ =	sdelay $0x2  }
0xb8: {  	s31 =	sshll.u32 s1, $0xD;
	s1 =	sshrl.u32 s1, $0x2  }
0xb9: {  	s3 =	sand.u32 $0x4000, s31;
	s1 =	sadd.s32 s1, s30  }
0xba: {  	s0 =	sor.u32 s3, s0;
	s1 =	sshll.u32 s1, $0x11  }
0xbb: {  	s0 =	sor.u32 s1, s0  }
0xbc: {  	s0 =	sadd.s32 $0x8F2B, s0  }
0xbd: {  	[sflag:s0] =	ssyncadd.remote.s32 $0x1  }
0xbe: {  	_ =	sfence.sel $0xFFFF  }
0xbf: {  	[dreg:$0x0] =	wrdreg $0xFFFFFFFF;
	(pc) =	sbr.abs _section_cstart, $3  }
0xc0: {  	[dreg:$0x1] =	wrdreg $0xFFFFFFFF  }
0xc1: {  	_ =	task.clear_ibuf [dreg:s6], $0x2FFFF;
	_ =	strace $0x9FFFFFFF  }
0xc2: {  	(tm) =	ssettm $0x7FFFFFFF  }
0xc3: {  	_ =	shalt  }
tec
execute0_lowered:
.L_overlay_start_1:
0x0: {  	(tag) =	ssettag $0x1  }
0x1: {  	s6 =	rddreg [dreg:$0x0]  }
0x2: {  	s2 =	rddreg [dreg:$0x1]  }
0x3: {  	s0 =	rddreg [dreg:$0x2];
	s3 =	simm.s32 $0x0;
	s4 =	srdreg.scid  }
0x4: {  	s1 =	stileid.u32;
	s15 =	simm.s32 $0x1400;
	s16 =	simm.s32 $0x80  }
0x5: {  	s17 =	simm.s32 $0x2800;
	s18 =	simm.s32 $0x0;
	[smem:$0x7FF] =	sst s3  }
0x6: {  	s5 =	sand.u32 $0x1, s4;
	s7 =	smul.u32 $0x14000, s1;
	s4 =	sadd.s32 $0x17A00, s6  }
0x7: {  	s9 =	sadd.s32 $0xD400, s6;
	s10 =	sshll.u32 s1, $0x1;
	s11 =	sadd.s32 $0x3400, s6  }
0x8: {  	s30 =	sshll.u32 s1, $0x6;
	_ =	strace $0x8000004A;
	s8 =	smul.u32 $0x140000, s5  }
0x9: {  	s10 =	sor.u32 s5, s10;
	s12 =	ssub.s32 $0x2, s5;
	s5 =	sadd.s32 $0x3FA00, s6  }
0xa: {  	s10 =	smul.u32 $0x2800, s10;
	s29 =	sshrl.u32 s12, $0x1;
	s8 =	sadd.s32 s7, s8  }
0xb: {  	s14 =	sadd.s32 s7, s2;
	s12 =	ssub.s32 s12, s29;
	s8 =	sshrl.u32 s8, $0x3  }
0xc: {  	s31 =	sshrl.u32 s10, $0x3;
	s12 =	smax.u32 s12, $0x1;
	s13 =	sadd.s32 s8, s6  }
0xd: {  	s6 =	sor.u32 $0x1C01, s30;
	s10 =	sadd.s32 $0x280, s31;
	s7 =	sadd.s32 s9, s31  }
0xe: {  	s8 =	sadd.s32 s11, s31;
	s9 =	sadd.s32 s9, s10;
	s10 =	sadd.s32 s11, s10  }
0xf: {  	s11 =	sadd.s32 $0x42200, s13;
	s13 =	sshrl.u32 s14, $0x3;
	s14 =	simm.s32 $0x1  }
.LBB2_1:
0x10: {  	[spmem:s13], [sflag:s6] =	dma.local [hbm:s5], $0x2800  }
0x11: {  	_ =	swait.ge [sflag:s14], $0x2800  }
0x12: {  	[sflag:s14] =	ssyncset.done $0x0  }
0x13: {  	[sflag:s14] =	ssyncadd.s32 $0xFFFFD800  }
0x14: {  	[bflag:$0x0] =	sbarrier.arrive $0xFFFF  }
0x15: {  	[tilespmem:s3], [sflag:$0x1] =	stream.linear.gather [hbm4b:s7+s3], $0x1400, $0x38;
	[tilespmem:$0x1E800] =	vst v63  }
0x16: {  	_ =	swait.ge [sflag:s14], $0x1400  }
0x17: {  	[sflag:s14] =	ssyncset.done $0x0  }
0x18: {  	[sflag:s14] =	ssyncadd.s32 $0xFFFFEC00  }
0x19: {  	[tilespmem:s15], [sflag:$0x1] =	stream.linear.gather [hbm4b:s8+s3], $0x1400, $0x38;
	[tilespmem:$0x1E800] =	vst v63  }
0x1a: {  	_ =	swait.ge [sflag:s14], $0x1400  }
0x1b: {  	[sflag:s14] =	ssyncset.done $0x0  }
0x1c: {  	s19 =	simm.s32 $0x0;
	[sflag:s14] =	ssyncadd.s32 $0xFFFFEC00  }
0x1d: {  	[tilespmem:s17], [sflag:$0x1] =	stream.indirect.gather [hbm4b:s4+s16], $0x80, s19, s16, $0xb8;
	[tilespmem:$0x1E800] =	vst v63  }
0x1e: {  	_ =	swait.ge [sflag:s14], $0x4000  }
0x1f: {  	[sflag:s14] =	ssyncset.done $0x0  }
0x20: {  	s31 =	simm.s32 $0x1400;
	[sflag:s14] =	ssyncadd.s32 $0xFFFFC000  }
0x21: {  	[spmem:s2] =	stream.indirect.scatter.add.f32 [tilespmem:s17], [sflag:$0x1], $0x80, s31, s16, $0xb8;
	[tilespmem:$0x1E800] =	vst v63  }
0x22: {  	_ =	swait.ge [sflag:s14], $0x4000  }
0x23: {  	s20 =	simm.s32 $0x400;
	s19 =	simm.s32 $0x200;
	[sflag:s14] =	ssyncset.done $0x0  }
.LBB2_2:
0x24: {  	s21 =	sshra.s32 s19, $0x2  }
0x25: {  	[sflag:s14] =	ssyncadd.s32 $0xFFFFC000;
	s19 =	smov.u32 s20;
	s22 =	sadd.s32 $0x200, s20  }
0x26: {  	[tilespmem:s17], [sflag:$0x1] =	stream.indirect.gather [hbm4b:s4+s16], $0x80, s21, s16, $0xb8;
	[tilespmem:$0x1E800] =	vst v63  }
0x27: {  	p0 =	sne.s32 s20, $0x4E00;
	_ =	swait.ge [sflag:s14], $0x4000  }
.Ltmp0:
0x28: {  	[sflag:s14] =	ssyncset.done $0x0;
	(pc) =	sbr.rel @p0 .LBB2_2-.Ltmp0, $4  }
0x29: {  	s20 =	sadd.s32 $0x1400, s21;
	[sflag:s14] =	ssyncadd.s32 $0xFFFFC000  }
0x2a: {  	[spmem:s2] =	stream.indirect.scatter.add.f32 [tilespmem:s17], [sflag:$0x1], $0x80, s20, s16, $0xb8;
	[tilespmem:$0x1E800] =	vst v63  }
0x2b: {  	_ =	swait.ge [sflag:s14], $0x4000  }
0x2c: {  	s20 =	smov.u32 s22;
	[sflag:s14] =	ssyncset.done $0x0  }
0x2d: {  	s19 =	sshra.s32 s19, $0x2;
	[sflag:s14] =	ssyncadd.s32 $0xFFFFC000  }
0x2e: {  	[tilespmem:s17], [sflag:$0x1] =	stream.indirect.gather [hbm4b:s4+s16], $0x80, s19, s16, $0xb8;
	[tilespmem:$0x1E800] =	vst v63  }
0x2f: {  	_ =	swait.ge [sflag:s14], $0x4000  }
0x30: {  	[sflag:s14] =	ssyncset.done $0x0  }
0x31: {  	s19 =	sadd.s32 $0x1400, s19;
	[sflag:s14] =	ssyncadd.s32 $0xFFFFC000  }
0x32: {  	[spmem:s2] =	stream.indirect.scatter.add.f32 [tilespmem:s17], [sflag:$0x1], $0x80, s19, s16, $0xb8;
	[tilespmem:$0x1E800] =	vst v63  }
0x33: {  	_ =	swait.ge [sflag:s14], $0x4000  }
0x34: {  	[sflag:s14] =	ssyncset.done $0x0  }
0x35: {  	s29 =	simm.s32 $0x0;
	[sflag:s14] =	ssyncadd.s32 $0xFFFFC000  }
0x36: {  	[tilespmem:s29], [sflag:$0x1] =	stream.linear.gather [hbm4b:s9+s29], $0x1400, $0x38;
	[tilespmem:$0x1E800] =	vst v63  }
0x37: {  	_ =	swait.ge [sflag:s14], $0x1400  }
0x38: {  	[sflag:s14] =	ssyncset.done $0x0  }
0x39: {  	[sflag:s14] =	ssyncadd.s32 $0xFFFFEC00  }
0x3a: {  	[tilespmem:s15], [sflag:$0x1] =	stream.linear.gather [hbm4b:s10+s29], $0x1400, $0x38;
	[tilespmem:$0x1E800] =	vst v63  }
0x3b: {  	_ =	swait.ge [sflag:s14], $0x1400  }
0x3c: {  	[sflag:s14] =	ssyncset.done $0x0  }
0x3d: {  	s30 =	simm.s32 $0x0;
	[sflag:s14] =	ssyncadd.s32 $0xFFFFEC00  }
0x3e: {  	[tilespmem:s17], [sflag:$0x1] =	stream.indirect.gather [hbm4b:s4+s16], $0x80, s30, s16, $0xb8;
	[tilespmem:$0x1E800] =	vst v63  }
0x3f: {  	_ =	swait.ge [sflag:s14], $0x4000  }
0x40: {  	[sflag:s14] =	ssyncset.done $0x0  }
0x41: {  	s31 =	simm.s32 $0x1400;
	[sflag:s14] =	ssyncadd.s32 $0xFFFFC000  }
0x42: {  	[spmem:s2] =	stream.indirect.scatter.add.f32 [tilespmem:s17], [sflag:$0x1], $0x80, s31, s16, $0xb8;
	[tilespmem:$0x1E800] =	vst v63  }
0x43: {  	_ =	swait.ge [sflag:s14], $0x4000  }
0x44: {  	s20 =	simm.s32 $0x400;
	s19 =	simm.s32 $0x200;
	[sflag:s14] =	ssyncset.done $0x0  }
.LBB2_4:
0x45: {  	s21 =	sshra.s32 s19, $0x2  }
0x46: {  	[sflag:s14] =	ssyncadd.s32 $0xFFFFC000;
	s19 =	smov.u32 s20;
	s22 =	sadd.s32 $0x200, s20  }
0x47: {  	[tilespmem:s17], [sflag:$0x1] =	stream.indirect.gather [hbm4b:s4+s16], $0x80, s21, s16, $0xb8;
	[tilespmem:$0x1E800] =	vst v63  }
0x48: {  	p0 =	sne.s32 s20, $0x4E00;
	_ =	swait.ge [sflag:s14], $0x4000  }
.Ltmp1:
0x49: {  	[sflag:s14] =	ssyncset.done $0x0;
	(pc) =	sbr.rel @p0 .LBB2_4-.Ltmp1, $4  }
0x4a: {  	s20 =	sadd.s32 $0x1400, s21;
	[sflag:s14] =	ssyncadd.s32 $0xFFFFC000  }
0x4b: {  	[spmem:s2] =	stream.indirect.scatter.add.f32 [tilespmem:s17], [sflag:$0x1], $0x80, s20, s16, $0xb8;
	[tilespmem:$0x1E800] =	vst v63  }
0x4c: {  	_ =	swait.ge [sflag:s14], $0x4000  }
0x4d: {  	s20 =	smov.u32 s22;
	[sflag:s14] =	ssyncset.done $0x0  }
0x4e: {  	s19 =	sshra.s32 s19, $0x2;
	[sflag:s14] =	ssyncadd.s32 $0xFFFFC000  }
0x4f: {  	[tilespmem:s17], [sflag:$0x1] =	stream.indirect.gather [hbm4b:s4+s16], $0x80, s19, s16, $0xb8;
	[tilespmem:$0x1E800] =	vst v63  }
0x50: {  	_ =	swait.ge [sflag:s14], $0x4000  }
0x51: {  	[sflag:s14] =	ssyncset.done $0x0  }
0x52: {  	s19 =	sadd.s32 $0x1400, s19;
	[sflag:s14] =	ssyncadd.s32 $0xFFFFC000  }
0x53: {  	[spmem:s2] =	stream.indirect.scatter.add.f32 [tilespmem:s17], [sflag:$0x1], $0x80, s19, s16, $0xb8;
	[tilespmem:$0x1E800] =	vst v63  }
0x54: {  	_ =	swait.ge [sflag:s14], $0x4000  }
0x55: {  	s18 =	sadd.s32 $0x1, s18;
	[sflag:s14] =	ssyncset.done $0x0  }
0x56: {  	p0 =	sne.s32 s18, s12;
	[sflag:s14] =	ssyncadd.s32 $0xFFFFC000  }
.Ltmp2:
0x57: {  	[bflag:$0x0] =	sbarrier.arrive $0xFFFF;
	(pc) =	sbr.rel @p0 .LBB2_1-.Ltmp2, $4  }
0x58: {  	[hbm:s11], [sflag:s6] =	dma.local [spmem:s13], $0x2800  }
0x59: {  	_ =	swait.ge [sflag:s14], $0x2800  }
0x5a: {  	[sflag:s14] =	ssyncset.done $0x0  }
0x5b: {  	[sflag:s14] =	ssyncadd.s32 $0xFFFFD800  }
0x5c: {  	_ =	sfence.sel $0x180000  }
0x5d: {  	[bflag:$0x0] =	sbarrier.arrive $0xFFFF  }
0x5e: {  	p0 =	sne.s32 s1, $0x0;
	_ =	strace $0x9000004A  }
0x5f: {  	s0 =	sadd.s32 @!p0 $0x100000, s0;
	[bflag:$0x2] =	sbarrier.arrive $0xFFFF  }
0x60: {  	[sflag:s0] =	ssyncadd.tile.s32 @!p0 $0x1;
	_ =	shalt  }
.Lfunc_end2:
_tile_overlayer_lowered:
.L_overlay_start_2:
0x61: {  	(tag) =	ssettag $0x2  }
0x62: {  	s0 =	rddreg [dreg:$0x0];
	s2 =	stileid.u32  }
0x63: {  	s1 =	rddreg [dreg:$0x1];
	p0 =	sne.s32 s2, $0x0  }
0x64: {  	s3 =	rddreg [dreg:$0x2];
	[bflag:$0x3] =	sbarrier.arrive $0xFFFF;
	s2 =	simm.s32 @!p0 $0x1C01  }
0x65: {  	[timem:s3], [sflag:s2] =	dma.local @!p0 [hbm:s0], s1  }
0x66: {  	s0 =	simm.s32 @!p0 $0x1  }
0x67: {  	_ =	swait.ge @!p0 [sflag:s0], s1  }
0x68: {  	s1 =	ssub.s32 @!p0 $0x0, s1;
	[sflag:s0] =	ssyncset.done @!p0 $0x0  }
0x69: {  	[sflag:s0] =	ssyncadd.s32 @!p0 s1  }
0x6a: {  	[bflag:$0x3] =	sbarrier.arrive $0xFFFF  }
0x6b: {  	_ =	shalt  }

// kernel: kernel.16.cloned.1.call-start
scs
__scs_entry_jumppad:
0x0: {  	(pc) =	sbr.rel $0x88, $3  }
0x1: {  	(tag) =	ssettag $0x0;
	lr =	simm.s32 $0x1  }
0x2: {  	[smem:$0x3F98] =	sst lr;
	_ =	strace $0xD0000000  }
0x3: {  	_ = 	snop  }
0x4: {  	_ = 	snop  }
0x5: {  	_ = 	snop  }
0x6: {  	_ = 	snop  }
0x7: {  	_ = 	snop  }
__scs_overlays_trampoline_lowered:
0x8: {  	[smem:$0x3FA7] =	sst s0  }
0x9: {  	[smem:$0x3FA8] =	sst s1  }
0xa: {  	[smem:$0x3FA9] =	sst s2  }
0xb: {  	[smem:$0x3FAA] =	sst s3  }
0xc: {  	[smem:$0x3FAB] =	sst s4  }
0xd: {  	[smem:$0x3FAC] =	sst s5  }
0xe: {  	[smem:$0x3FAD] =	sst s6  }
0xf: {  	[smem:$0x3FAE] =	sst s7  }
0x10: {  	[smem:$0x3FAF] =	sst s8  }
0x11: {  	[smem:$0x3FB0] =	sst s9;
	s0 =	simm.s32 @!p0 $0x0  }
0x12: {  	s1 =	sld [smem:$0x3F96];
	s0 =	simm.s32 @p0 $0x1  }
0x13: {  	[smem:$0x3FB1] =	sst s0;
	s0 =	simm.s32 @!p1 $0x0  }
0x14: {  	s2 =	sld [smem:$0x3F95];
	s0 =	simm.s32 @p1 $0x1  }
0x15: {  	[smem:$0x3FB2] =	sst s0;
	s0 =	simm.s32 @!p2 $0x0  }
0x16: {  	s3 =	sld [smem:$0x3FDB];
	s0 =	simm.s32 @p2 $0x1  }
0x17: {  	s4 =	simm.s32 $0x1BF5;
	[smem:$0x3FB4] =	sst s0  }
0x18: {  	s0 =	sld [smem:$0x3F97];
	_ =	swait.ge [sflag:s4], $0x0  }
0x19: {  	s7 =	sld [smem:$0x3F98]  }
0x1a: {  	s8 =	sadd.s32 $0xFFFFE003, lr  }
0x1b: {  	s9 =	sadd.s32 $0xFFFFFEF7, lr;
	s5 =	simm.s32 $0xFFFFFFFF;
	p2 =	slt.u32 s8, $0xFFFFF086  }
0x1c: {  	p1 =	slt.u32 s9, $0xF7A;
	s5 =	simm.s32 @!p2 $0x0  }
0x1d: {  	s5 =	simm.s32 @p1 $0x1;
	p0 =	seq.s32 s7, s2  }
0x1e: {  	s7 =	smul.u32 @!p0 $0xF7A, s2;
	p2 =	seq.s32 @!p0 s5, $0x0  }
0x1f: {  	s9 =	smul.u32 $0xF7A, s1;
	s8 =	simm.s32 @!p0 $0x1BF5;
	p2 =	por !p2, p0  }
0x20: {  	[sflag:s8] =	ssyncset.s32 @!p0 $0xFFFFF086;
	s6 =	sadd.s32 @!p0 s3, s7;
	s7 =	simm.s32 @!p0 $0x108  }
0x21: {  	s3 =	sadd.s32 s3, s9;
	s6 =	sadd.s32 @!p0 $0x88, s6;
	s7 =	simm.s32 @p2 $0x1082  }
0x22: {  	[simem:s7], [sflag:s8] =	dma.local @!p0 [hbm:s6], $0xF7A  }
0x23: {  	s9 =	sor.u32 $0xD0000000, s2;
	s6 =	simm.s32 $0x108;
	_ =	swait.ge @!p0 [sflag:s8], $0x0  }
0x24: {  	s3 =	sadd.s32 $0x88, s3;
	s6 =	simm.s32 @!p1 $0x1082;
	[sflag:s4] =	ssyncset.s32 $0xFFFFF086  }
0x25: {  	[simem:s6], [sflag:s4] =	dma.local [hbm:s3], $0xF7A  }
0x26: {  	[smem:$0x3F98] =	sst s1;
	(tag) =	ssettag s2;
	_ =	strace s9  }
0x27: {  	s1 =	sld [smem:$0x3FA8]  }
0x28: {  	s2 =	sld [smem:$0x3FA9]  }
0x29: {  	s4 =	sld [smem:$0x3FAB]  }
0x2a: {  	p0 =	seq.s32 s5, $0x0;
	s5 =	sld [smem:$0x3FAC]  }
0x2b: {  	s6 =	sld [smem:$0x3FAD]  }
0x2c: {  	s7 =	sld [smem:$0x3FAE]  }
0x2d: {  	s3 =	simm.s32 $0x108;
	s8 =	sld [smem:$0x3FAF]  }
0x2e: {  	s3 =	simm.s32 @!p0 $0x1082;
	s9 =	sld [smem:$0x3FB0]  }
0x2f: {  	lr =	sadd.s32 s0, s3;
	s0 =	sld [smem:$0x3FA7]  }
0x30: {  	s3 =	sld [smem:$0x3FAA]  }
0x31: {  	[smem:$0x3FB3] =	sst s10  }
0x32: {  	s10 =	sld [smem:$0x3FB1];
	_ =	sdelay $0x3  }
0x33: {  	p0 =	seq.s32 s10, $0x1;
	s10 =	sld [smem:$0x3FB3];
	_ =	sdelay $0x3  }
0x34: {  	[smem:$0x3FB3] =	sst s10  }
0x35: {  	s10 =	sld [smem:$0x3FB2];
	_ =	sdelay $0x3  }
0x36: {  	p1 =	seq.s32 s10, $0x1;
	s10 =	sld [smem:$0x3FB3];
	_ =	sdelay $0x3  }
0x37: {  	[smem:$0x3FB3] =	sst s10  }
0x38: {  	s10 =	sld [smem:$0x3FB4]  }
0x39: {  	_ = 	snop;
	(pc) =	sbr.ind lr, $3  }
0x3a: {  	_ = 	snop  }
0x3b: {  	_ = 	snop  }
0x3c: {  	p2 =	seq.s32 s10, $0x1;
	s10 =	sld [smem:$0x3FB3]  }
0x3d: {  	_ =	shalt  }
0x3e: {  	_ =	shalt  }
0x3f: {  	_ =	shalt  }
0x40: {  	_ =	shalt  }
0x41: {  	_ =	shalt  }
0x42: {  	_ =	shalt  }
0x43: {  	_ =	shalt  }
0x44: {  	_ =	shalt  }
0x45: {  	_ =	shalt  }
0x46: {  	_ =	shalt  }
0x47: {  	_ =	shalt  }
0x48: {  	_ =	shalt  }
0x49: {  	_ =	shalt  }
0x4a: {  	_ =	shalt  }
0x4b: {  	_ =	shalt  }
0x4c: {  	_ =	shalt  }
0x4d: {  	_ =	shalt  }
0x4e: {  	_ =	shalt  }
0x4f: {  	_ =	shalt  }
0x50: {  	_ =	shalt  }
0x51: {  	_ =	shalt  }
0x52: {  	_ =	shalt  }
0x53: {  	_ =	shalt  }
0x54: {  	_ =	shalt  }
0x55: {  	_ =	shalt  }
0x56: {  	_ =	shalt  }
0x57: {  	_ =	shalt  }
0x58: {  	_ =	shalt  }
0x59: {  	_ =	shalt  }
0x5a: {  	_ =	shalt  }
0x5b: {  	_ =	shalt  }
0x5c: {  	_ =	shalt  }
0x5d: {  	_ =	shalt  }
0x5e: {  	_ =	shalt  }
0x5f: {  	_ =	shalt  }
0x60: {  	_ =	shalt  }
0x61: {  	_ =	shalt  }
0x62: {  	_ =	shalt  }
0x63: {  	_ =	shalt  }
0x64: {  	_ =	shalt  }
0x65: {  	_ =	shalt  }
0x66: {  	_ =	shalt  }
0x67: {  	_ =	shalt  }
0x68: {  	_ =	shalt  }
0x69: {  	_ =	shalt  }
0x6a: {  	_ =	shalt  }
0x6b: {  	_ =	shalt  }
0x6c: {  	_ =	shalt  }
0x6d: {  	_ =	shalt  }
0x6e: {  	_ =	shalt  }
0x6f: {  	_ =	shalt  }
0x70: {  	_ =	shalt  }
0x71: {  	_ =	shalt  }
0x72: {  	_ =	shalt  }
0x73: {  	_ =	shalt  }
0x74: {  	_ =	shalt  }
0x75: {  	_ =	shalt  }
0x76: {  	_ =	shalt  }
0x77: {  	_ =	shalt  }
0x78: {  	_ =	shalt  }
0x79: {  	_ =	shalt  }
0x7a: {  	_ =	shalt  }
0x7b: {  	_ =	shalt  }
0x7c: {  	_ =	shalt  }
0x7d: {  	_ =	shalt  }
0x7e: {  	_ =	shalt  }
0x7f: {  	_ =	shalt  }
0x80: {  	_ =	shalt  }
0x81: {  	_ =	shalt  }
0x82: {  	_ =	shalt  }
0x83: {  	_ =	shalt  }
0x84: {  	_ =	shalt  }
0x85: {  	_ =	shalt  }
0x86: {  	_ =	shalt  }
0x87: {  	_ =	shalt  }
.Lfunc_end0:
.L_simem_size_0:
called_computation.2_lowered:
.L_overlay_start_0:
0x88: {  	s2 =	sld [smem:$0x3FD9]  }
0x89: {  	s3 =	sld [smem:$0x3FFE];
	_ =	sdelay $0x1  }
0x8a: {  	s1 =	srdreg.scid  }
0x8b: {  	s0 =	sand.u32 $0x1, s1  }
0x8c: {  	s16 =	sshll.u32 s0, $0xA;
	s2 =	sadd.s32 s3, s2  }
0x8d: {  	s2 =	sadd.s32 s2, s16  }
0x8e: {  	[smem:$0x3FBF] =	sst s2  }
0x8f: {  	_ = 	snop  }
0x90: {  	(tm) =	ssettm $0x1  }
0x91: {  	s17 =	sld [smem:$0x3FFB];
	_ =	sdelay $0x3  }
0x92: {  	_ =	strace s17  }
0x93: {  	s2 =	sld [smem:$0x3FFC];
	_ =	sdelay $0x3  }
0x94: {  	_ =	strace s2  }
0x95: {  	s2 =	sld [smem:$0x3FFD];
	_ =	sdelay $0x3  }
0x96: {  	_ =	strace s2  }
0x97: {  	_ =	strace $0x8FFFFFFF  }
0x98: {  	s18 =	sld [smem:$0x3FDB];
	_ =	sdelay $0x1  }
0x99: {  	s19 =	simm.s32 $_scs_section_size  }
0x9a: {  	s4 =	simm.s32 $_size__tile_overlayer_lowered;
	s5 =	simm.s32 $_tile_overlayer_lowered  }
0x9b: {  	s22 =	simm.s32 $0x1BFF;
	s21 =	sshll.u32 s5, $0x1;
	s2 =	sadd.s32 s19, s18  }
0x9c: {  	s6 =	simm.s32 $0x0;
	s20 =	sshll.u32 s4, $0x1;
	s4 =	sadd.s32 s21, s2  }
0x9d: {  	[timem:s6], [sflag:s22] =	dma.local [hbm:s4], s20  }
0x9e: {  	_ =	swait.ge [sflag:s22], s20  }
0x9f: {  	s3 =	ssub.s32 $0x0, s20;
	[sflag:s22] =	ssyncset.done $0x0  }
0xa0: {  	[sflag:s22] =	ssyncadd.s32 s3;
	_ =	sdelay $0x1  }
0xa1: {  	s23 =	simm.s32 $0x1B8B  }
0xa2: {  	_ =	swait.ge [sflag:s23], $0x1  }
0xa3: {  	[sflag:s23] =	ssyncset.done $0x0  }
0xa4: {  	s25 =	simm.s32 $0x1B8E;
	s24 =	sld [smem:$0x3FFE];
	[sflag:s23] =	ssyncadd.s32 $0xFFFFFFFF  }
0xa5: {  	s26 =	simm.s32 $execute0_lowered;
	[smem:$0x3FD2] =	sst s25  }
0xa6: {  	s4 =	sshll.u32 s26, $0x1;
	_ =	strace $0x8000004C;
	[dreg:$0x1] =	wrdreg $0xFFFFFFFF  }
0xa7: {  	s28 =	simm.s32 $_size_execute0_lowered;
	s2 =	sadd.s32 s2, s4;
	[dreg:$0x0] =	wrdreg $0x0  }
0xa8: {  	s4 =	sshll.u32 s28, $0x1;
	[dreg:$0x2] =	wrdreg s2  }
0xa9: {  	[dreg:$0x3] =	wrdreg s4  }
0xaa: {  	[dreg:$0x4] =	wrdreg $0xC0  }
0xab: {  	_ =	task [dreg:s6], $0x5FFFF  }
0xac: {  	[dreg:$0x1] =	wrdreg $0xFFFFFFFF  }
0xad: {  	[dreg:$0x0] =	wrdreg $0x60  }
0xae: {  	[dreg:$0x2] =	wrdreg s24  }
0xaf: {  	[dreg:$0x3] =	wrdreg $0xA8000  }
0xb0: {  	[dreg:$0x4] =	wrdreg $0x9  }
0xb1: {  	_ =	task.clear_ibuf [dreg:s6], $0x5FFFF;
	_ =	strace $0x9000004C  }
0xb2: {  	s29 =	simm.s32 $0x9;
	_ =	strace $0x8000004E  }
0xb3: {  	_ =	swait.ge [sflag:s29], $0x1  }
0xb4: {  	[sflag:s29] =	ssyncadd.s32 $0xFFFFFFFF  }
0xb5: {  	_ =	strace $0x9000004E  }
0xb6: {  	_ =	sfence  }
0xb7: {  	s30 =	sld [smem:$0x0];
	_ =	sdelay $0x2  }
0xb8: {  	s31 =	sshll.u32 s1, $0xD;
	s1 =	sshrl.u32 s1, $0x2  }
0xb9: {  	s3 =	sand.u32 $0x4000, s31;
	s1 =	sadd.s32 s1, s30  }
0xba: {  	s0 =	sor.u32 s3, s0;
	s1 =	sshll.u32 s1, $0x11  }
0xbb: {  	s0 =	sor.u32 s1, s0  }
0xbc: {  	s0 =	sadd.s32 $0x8F2B, s0  }
0xbd: {  	[sflag:s0] =	ssyncadd.remote.s32 $0x1  }
0xbe: {  	_ =	sfence.sel $0xFFFF  }
0xbf: {  	[dreg:$0x0] =	wrdreg $0xFFFFFFFF;
	(pc) =	sbr.abs _section_cstart, $3  }
0xc0: {  	[dreg:$0x1] =	wrdreg $0xFFFFFFFF  }
0xc1: {  	_ =	task.clear_ibuf [dreg:s6], $0x2FFFF;
	_ =	strace $0x9FFFFFFF  }
0xc2: {  	(tm) =	ssettm $0x7FFFFFFF  }
0xc3: {  	_ =	shalt  }
tec
execute0_lowered:
.L_overlay_start_1:
0x0: {  	(tag) =	ssettag $0x1  }
0x1: {  	s6 =	rddreg [dreg:$0x0]  }
0x2: {  	s2 =	rddreg [dreg:$0x1]  }
0x3: {  	s0 =	rddreg [dreg:$0x2];
	s3 =	simm.s32 $0x0;
	s4 =	srdreg.scid  }
0x4: {  	s1 =	stileid.u32;
	s15 =	simm.s32 $0x1400;
	s16 =	simm.s32 $0x80  }
0x5: {  	s17 =	simm.s32 $0x2800;
	s18 =	simm.s32 $0x0;
	[smem:$0x7FF] =	sst s3  }
0x6: {  	s5 =	sand.u32 $0x1, s4;
	s7 =	smul.u32 $0x14000, s1;
	s4 =	sadd.s32 $0x17A00, s6  }
0x7: {  	s9 =	sadd.s32 $0xD400, s6;
	s10 =	sshll.u32 s1, $0x1;
	s11 =	sadd.s32 $0x3400, s6  }
0x8: {  	s30 =	sshll.u32 s1, $0x6;
	_ =	strace $0x8000004D;
	s8 =	smul.u32 $0x140000, s5  }
0x9: {  	s10 =	sor.u32 s5, s10;
	s12 =	ssub.s32 $0x2, s5;
	s5 =	sadd.s32 $0x3FA00, s6  }
0xa: {  	s10 =	smul.u32 $0x2800, s10;
	s29 =	sshrl.u32 s12, $0x1;
	s8 =	sadd.s32 s7, s8  }
0xb: {  	s14 =	sadd.s32 s7, s2;
	s12 =	ssub.s32 s12, s29;
	s8 =	sshrl.u32 s8, $0x3  }
0xc: {  	s31 =	sshrl.u32 s10, $0x3;
	s12 =	smax.u32 s12, $0x1;
	s13 =	sadd.s32 s8, s6  }
0xd: {  	s6 =	sor.u32 $0x1C01, s30;
	s10 =	sadd.s32 $0x280, s31;
	s7 =	sadd.s32 s9, s31  }
0xe: {  	s8 =	sadd.s32 s11, s31;
	s9 =	sadd.s32 s9, s10;
	s10 =	sadd.s32 s11, s10  }
0xf: {  	s11 =	sadd.s32 $0x42200, s13;
	s13 =	sshrl.u32 s14, $0x3;
	s14 =	simm.s32 $0x1  }
.LBB2_1:
0x10: {  	[spmem:s13], [sflag:s6] =	dma.local [hbm:s5], $0x2800  }
0x11: {  	_ =	swait.ge [sflag:s14], $0x2800  }
0x12: {  	[sflag:s14] =	ssyncset.done $0x0  }
0x13: {  	[sflag:s14] =	ssyncadd.s32 $0xFFFFD800  }
0x14: {  	[bflag:$0x0] =	sbarrier.arrive $0xFFFF  }
0x15: {  	[tilespmem:s3], [sflag:$0x1] =	stream.linear.gather [hbm4b:s7+s3], $0x1400, $0x38;
	[tilespmem:$0x1E800] =	vst v63  }
0x16: {  	_ =	swait.ge [sflag:s14], $0x1400  }
0x17: {  	[sflag:s14] =	ssyncset.done $0x0  }
0x18: {  	[sflag:s14] =	ssyncadd.s32 $0xFFFFEC00  }
0x19: {  	[tilespmem:s15], [sflag:$0x1] =	stream.linear.gather [hbm4b:s8+s3], $0x1400, $0x38;
	[tilespmem:$0x1E800] =	vst v63  }
0x1a: {  	_ =	swait.ge [sflag:s14], $0x1400  }
0x1b: {  	[sflag:s14] =	ssyncset.done $0x0  }
0x1c: {  	s19 =	simm.s32 $0x0;
	[sflag:s14] =	ssyncadd.s32 $0xFFFFEC00  }
0x1d: {  	[tilespmem:s17], [sflag:$0x1] =	stream.indirect.gather [hbm4b:s4+s16], $0x80, s19, s16, $0xb8;
	[tilespmem:$0x1E800] =	vst v63  }
0x1e: {  	_ =	swait.ge [sflag:s14], $0x4000  }
0x1f: {  	[sflag:s14] =	ssyncset.done $0x0  }
0x20: {  	s31 =	simm.s32 $0x1400;
	[sflag:s14] =	ssyncadd.s32 $0xFFFFC000  }
0x21: {  	[spmem:s2] =	stream.indirect.scatter.add.f32 [tilespmem:s17], [sflag:$0x1], $0x80, s31, s16, $0xb8;
	[tilespmem:$0x1E800] =	vst v63  }
0x22: {  	_ =	swait.ge [sflag:s14], $0x4000  }
0x23: {  	s20 =	simm.s32 $0x400;
	s19 =	simm.s32 $0x200;
	[sflag:s14] =	ssyncset.done $0x0  }
.LBB2_2:
0x24: {  	s21 =	sshra.s32 s19, $0x2  }
0x25: {  	[sflag:s14] =	ssyncadd.s32 $0xFFFFC000;
	s19 =	smov.u32 s20;
	s22 =	sadd.s32 $0x200, s20  }
0x26: {  	[tilespmem:s17], [sflag:$0x1] =	stream.indirect.gather [hbm4b:s4+s16], $0x80, s21, s16, $0xb8;
	[tilespmem:$0x1E800] =	vst v63  }
0x27: {  	p0 =	sne.s32 s20, $0x4E00;
	_ =	swait.ge [sflag:s14], $0x4000  }
.Ltmp0:
0x28: {  	[sflag:s14] =	ssyncset.done $0x0;
	(pc) =	sbr.rel @p0 .LBB2_2-.Ltmp0, $4  }
0x29: {  	s20 =	sadd.s32 $0x1400, s21;
	[sflag:s14] =	ssyncadd.s32 $0xFFFFC000  }
0x2a: {  	[spmem:s2] =	stream.indirect.scatter.add.f32 [tilespmem:s17], [sflag:$0x1], $0x80, s20, s16, $0xb8;
	[tilespmem:$0x1E800] =	vst v63  }
0x2b: {  	_ =	swait.ge [sflag:s14], $0x4000  }
0x2c: {  	s20 =	smov.u32 s22;
	[sflag:s14] =	ssyncset.done $0x0  }
0x2d: {  	s19 =	sshra.s32 s19, $0x2;
	[sflag:s14] =	ssyncadd.s32 $0xFFFFC000  }
0x2e: {  	[tilespmem:s17], [sflag:$0x1] =	stream.indirect.gather [hbm4b:s4+s16], $0x80, s19, s16, $0xb8;
	[tilespmem:$0x1E800] =	vst v63  }
0x2f: {  	_ =	swait.ge [sflag:s14], $0x4000  }
0x30: {  	[sflag:s14] =	ssyncset.done $0x0  }
0x31: {  	s19 =	sadd.s32 $0x1400, s19;
	[sflag:s14] =	ssyncadd.s32 $0xFFFFC000  }
0x32: {  	[spmem:s2] =	stream.indirect.scatter.add.f32 [tilespmem:s17], [sflag:$0x1], $0x80, s19, s16, $0xb8;
	[tilespmem:$0x1E800] =	vst v63  }
0x33: {  	_ =	swait.ge [sflag:s14], $0x4000  }
0x34: {  	[sflag:s14] =	ssyncset.done $0x0  }
0x35: {  	s29 =	simm.s32 $0x0;
	[sflag:s14] =	ssyncadd.s32 $0xFFFFC000  }
0x36: {  	[tilespmem:s29], [sflag:$0x1] =	stream.linear.gather [hbm4b:s9+s29], $0x1400, $0x38;
	[tilespmem:$0x1E800] =	vst v63  }
0x37: {  	_ =	swait.ge [sflag:s14], $0x1400  }
0x38: {  	[sflag:s14] =	ssyncset.done $0x0  }
0x39: {  	[sflag:s14] =	ssyncadd.s32 $0xFFFFEC00  }
0x3a: {  	[tilespmem:s15], [sflag:$0x1] =	stream.linear.gather [hbm4b:s10+s29], $0x1400, $0x38;
	[tilespmem:$0x1E800] =	vst v63  }
0x3b: {  	_ =	swait.ge [sflag:s14], $0x1400  }
0x3c: {  	[sflag:s14] =	ssyncset.done $0x0  }
0x3d: {  	s30 =	simm.s32 $0x0;
	[sflag:s14] =	ssyncadd.s32 $0xFFFFEC00  }
0x3e: {  	[tilespmem:s17], [sflag:$0x1] =	stream.indirect.gather [hbm4b:s4+s16], $0x80, s30, s16, $0xb8;
	[tilespmem:$0x1E800] =	vst v63  }
0x3f: {  	_ =	swait.ge [sflag:s14], $0x4000  }
0x40: {  	[sflag:s14] =	ssyncset.done $0x0  }
0x41: {  	s31 =	simm.s32 $0x1400;
	[sflag:s14] =	ssyncadd.s32 $0xFFFFC000  }
0x42: {  	[spmem:s2] =	stream.indirect.scatter.add.f32 [tilespmem:s17], [sflag:$0x1], $0x80, s31, s16, $0xb8;
	[tilespmem:$0x1E800] =	vst v63  }
0x43: {  	_ =	swait.ge [sflag:s14], $0x4000  }
0x44: {  	s20 =	simm.s32 $0x400;
	s19 =	simm.s32 $0x200;
	[sflag:s14] =	ssyncset.done $0x0  }
.LBB2_4:
0x45: {  	s21 =	sshra.s32 s19, $0x2  }
0x46: {  	[sflag:s14] =	ssyncadd.s32 $0xFFFFC000;
	s19 =	smov.u32 s20;
	s22 =	sadd.s32 $0x200, s20  }
0x47: {  	[tilespmem:s17], [sflag:$0x1] =	stream.indirect.gather [hbm4b:s4+s16], $0x80, s21, s16, $0xb8;
	[tilespmem:$0x1E800] =	vst v63  }
0x48: {  	p0 =	sne.s32 s20, $0x4E00;
	_ =	swait.ge [sflag:s14], $0x4000  }
.Ltmp1:
0x49: {  	[sflag:s14] =	ssyncset.done $0x0;
	(pc) =	sbr.rel @p0 .LBB2_4-.Ltmp1, $4  }
0x4a: {  	s20 =	sadd.s32 $0x1400, s21;
	[sflag:s14] =	ssyncadd.s32 $0xFFFFC000  }
0x4b: {  	[spmem:s2] =	stream.indirect.scatter.add.f32 [tilespmem:s17], [sflag:$0x1], $0x80, s20, s16, $0xb8;
	[tilespmem:$0x1E800] =	vst v63  }
0x4c: {  	_ =	swait.ge [sflag:s14], $0x4000  }
0x4d: {  	s20 =	smov.u32 s22;
	[sflag:s14] =	ssyncset.done $0x0  }
0x4e: {  	s19 =	sshra.s32 s19, $0x2;
	[sflag:s14] =	ssyncadd.s32 $0xFFFFC000  }
0x4f: {  	[tilespmem:s17], [sflag:$0x1] =	stream.indirect.gather [hbm4b:s4+s16], $0x80, s19, s16, $0xb8;
	[tilespmem:$0x1E800] =	vst v63  }
0x50: {  	_ =	swait.ge [sflag:s14], $0x4000  }
0x51: {  	[sflag:s14] =	ssyncset.done $0x0  }
0x52: {  	s19 =	sadd.s32 $0x1400, s19;
	[sflag:s14] =	ssyncadd.s32 $0xFFFFC000  }
0x53: {  	[spmem:s2] =	stream.indirect.scatter.add.f32 [tilespmem:s17], [sflag:$0x1], $0x80, s19, s16, $0xb8;
	[tilespmem:$0x1E800] =	vst v63  }
0x54: {  	_ =	swait.ge [sflag:s14], $0x4000  }
0x55: {  	s18 =	sadd.s32 $0x1, s18;
	[sflag:s14] =	ssyncset.done $0x0  }
0x56: {  	p0 =	sne.s32 s18, s12;
	[sflag:s14] =	ssyncadd.s32 $0xFFFFC000  }
.Ltmp2:
0x57: {  	[bflag:$0x0] =	sbarrier.arrive $0xFFFF;
	(pc) =	sbr.rel @p0 .LBB2_1-.Ltmp2, $4  }
0x58: {  	[hbm:s11], [sflag:s6] =	dma.local [spmem:s13], $0x2800  }
0x59: {  	_ =	swait.ge [sflag:s14], $0x2800  }
0x5a: {  	[sflag:s14] =	ssyncset.done $0x0  }
0x5b: {  	[sflag:s14] =	ssyncadd.s32 $0xFFFFD800  }
0x5c: {  	_ =	sfence.sel $0x180000  }
0x5d: {  	[bflag:$0x0] =	sbarrier.arrive $0xFFFF  }
0x5e: {  	p0 =	sne.s32 s1, $0x0;
	_ =	strace $0x9000004D  }
0x5f: {  	s0 =	sadd.s32 @!p0 $0x100000, s0;
	[bflag:$0x2] =	sbarrier.arrive $0xFFFF  }
0x60: {  	[sflag:s0] =	ssyncadd.tile.s32 @!p0 $0x1;
	_ =	shalt  }
.Lfunc_end2:
_tile_overlayer_lowered:
.L_overlay_start_2:
0x61: {  	(tag) =	ssettag $0x2  }
0x62: {  	s0 =	rddreg [dreg:$0x0];
	s2 =	stileid.u32  }
0x63: {  	s1 =	rddreg [dreg:$0x1];
	p0 =	sne.s32 s2, $0x0  }
0x64: {  	s3 =	rddreg [dreg:$0x2];
	[bflag:$0x3] =	sbarrier.arrive $0xFFFF;
	s2 =	simm.s32 @!p0 $0x1C01  }
0x65: {  	[timem:s3], [sflag:s2] =	dma.local @!p0 [hbm:s0], s1  }
0x66: {  	s0 =	simm.s32 @!p0 $0x1  }
0x67: {  	_ =	swait.ge @!p0 [sflag:s0], s1  }
0x68: {  	s1 =	ssub.s32 @!p0 $0x0, s1;
	[sflag:s0] =	ssyncset.done @!p0 $0x0  }
0x69: {  	[sflag:s0] =	ssyncadd.s32 @!p0 s1  }
0x6a: {  	[bflag:$0x3] =	sbarrier.arrive $0xFFFF  }
0x6b: {  	_ =	shalt  }

// kernel: kernel.19.cloned.1.call-start
scs
__scs_entry_jumppad:
0x0: {  	(pc) =	sbr.rel $0x88, $3  }
0x1: {  	(tag) =	ssettag $0x0;
	lr =	simm.s32 $0x1  }
0x2: {  	[smem:$0x3F98] =	sst lr;
	_ =	strace $0xD0000000  }
0x3: {  	_ = 	snop  }
0x4: {  	_ = 	snop  }
0x5: {  	_ = 	snop  }
0x6: {  	_ = 	snop  }
0x7: {  	_ = 	snop  }
__scs_overlays_trampoline_lowered:
0x8: {  	[smem:$0x3FA7] =	sst s0  }
0x9: {  	[smem:$0x3FA8] =	sst s1  }
0xa: {  	[smem:$0x3FA9] =	sst s2  }
0xb: {  	[smem:$0x3FAA] =	sst s3  }
0xc: {  	[smem:$0x3FAB] =	sst s4  }
0xd: {  	[smem:$0x3FAC] =	sst s5  }
0xe: {  	[smem:$0x3FAD] =	sst s6  }
0xf: {  	[smem:$0x3FAE] =	sst s7  }
0x10: {  	[smem:$0x3FAF] =	sst s8  }
0x11: {  	[smem:$0x3FB0] =	sst s9;
	s0 =	simm.s32 @!p0 $0x0  }
0x12: {  	s1 =	sld [smem:$0x3F96];
	s0 =	simm.s32 @p0 $0x1  }
0x13: {  	[smem:$0x3FB1] =	sst s0;
	s0 =	simm.s32 @!p1 $0x0  }
0x14: {  	s2 =	sld [smem:$0x3F95];
	s0 =	simm.s32 @p1 $0x1  }
0x15: {  	[smem:$0x3FB2] =	sst s0;
	s0 =	simm.s32 @!p2 $0x0  }
0x16: {  	s3 =	sld [smem:$0x3FDB];
	s0 =	simm.s32 @p2 $0x1  }
0x17: {  	s4 =	simm.s32 $0x1BF5;
	[smem:$0x3FB4] =	sst s0  }
0x18: {  	s0 =	sld [smem:$0x3F97];
	_ =	swait.ge [sflag:s4], $0x0  }
0x19: {  	s7 =	sld [smem:$0x3F98]  }
0x1a: {  	s8 =	sadd.s32 $0xFFFFE003, lr  }
0x1b: {  	s9 =	sadd.s32 $0xFFFFFEF7, lr;
	s5 =	simm.s32 $0xFFFFFFFF;
	p2 =	slt.u32 s8, $0xFFFFF086  }
0x1c: {  	p1 =	slt.u32 s9, $0xF7A;
	s5 =	simm.s32 @!p2 $0x0  }
0x1d: {  	s5 =	simm.s32 @p1 $0x1;
	p0 =	seq.s32 s7, s2  }
0x1e: {  	s7 =	smul.u32 @!p0 $0xF7A, s2;
	p2 =	seq.s32 @!p0 s5, $0x0  }
0x1f: {  	s9 =	smul.u32 $0xF7A, s1;
	s8 =	simm.s32 @!p0 $0x1BF5;
	p2 =	por !p2, p0  }
0x20: {  	[sflag:s8] =	ssyncset.s32 @!p0 $0xFFFFF086;
	s6 =	sadd.s32 @!p0 s3, s7;
	s7 =	simm.s32 @!p0 $0x108  }
0x21: {  	s3 =	sadd.s32 s3, s9;
	s6 =	sadd.s32 @!p0 $0x88, s6;
	s7 =	simm.s32 @p2 $0x1082  }
0x22: {  	[simem:s7], [sflag:s8] =	dma.local @!p0 [hbm:s6], $0xF7A  }
0x23: {  	s9 =	sor.u32 $0xD0000000, s2;
	s6 =	simm.s32 $0x108;
	_ =	swait.ge @!p0 [sflag:s8], $0x0  }
0x24: {  	s3 =	sadd.s32 $0x88, s3;
	s6 =	simm.s32 @!p1 $0x1082;
	[sflag:s4] =	ssyncset.s32 $0xFFFFF086  }
0x25: {  	[simem:s6], [sflag:s4] =	dma.local [hbm:s3], $0xF7A  }
0x26: {  	[smem:$0x3F98] =	sst s1;
	(tag) =	ssettag s2;
	_ =	strace s9  }
0x27: {  	s1 =	sld [smem:$0x3FA8]  }
0x28: {  	s2 =	sld [smem:$0x3FA9]  }
0x29: {  	s4 =	sld [smem:$0x3FAB]  }
0x2a: {  	p0 =	seq.s32 s5, $0x0;
	s5 =	sld [smem:$0x3FAC]  }
0x2b: {  	s6 =	sld [smem:$0x3FAD]  }
0x2c: {  	s7 =	sld [smem:$0x3FAE]  }
0x2d: {  	s3 =	simm.s32 $0x108;
	s8 =	sld [smem:$0x3FAF]  }
0x2e: {  	s3 =	simm.s32 @!p0 $0x1082;
	s9 =	sld [smem:$0x3FB0]  }
0x2f: {  	lr =	sadd.s32 s0, s3;
	s0 =	sld [smem:$0x3FA7]  }
0x30: {  	s3 =	sld [smem:$0x3FAA]  }
0x31: {  	[smem:$0x3FB3] =	sst s10  }
0x32: {  	s10 =	sld [smem:$0x3FB1];
	_ =	sdelay $0x3  }
0x33: {  	p0 =	seq.s32 s10, $0x1;
	s10 =	sld [smem:$0x3FB3];
	_ =	sdelay $0x3  }
0x34: {  	[smem:$0x3FB3] =	sst s10  }
0x35: {  	s10 =	sld [smem:$0x3FB2];
	_ =	sdelay $0x3  }
0x36: {  	p1 =	seq.s32 s10, $0x1;
	s10 =	sld [smem:$0x3FB3];
	_ =	sdelay $0x3  }
0x37: {  	[smem:$0x3FB3] =	sst s10  }
0x38: {  	s10 =	sld [smem:$0x3FB4]  }
0x39: {  	_ = 	snop;
	(pc) =	sbr.ind lr, $3  }
0x3a: {  	_ = 	snop  }
0x3b: {  	_ = 	snop  }
0x3c: {  	p2 =	seq.s32 s10, $0x1;
	s10 =	sld [smem:$0x3FB3]  }
0x3d: {  	_ =	shalt  }
0x3e: {  	_ =	shalt  }
0x3f: {  	_ =	shalt  }
0x40: {  	_ =	shalt  }
0x41: {  	_ =	shalt  }
0x42: {  	_ =	shalt  }
0x43: {  	_ =	shalt  }
0x44: {  	_ =	shalt  }
0x45: {  	_ =	shalt  }
0x46: {  	_ =	shalt  }
0x47: {  	_ =	shalt  }
0x48: {  	_ =	shalt  }
0x49: {  	_ =	shalt  }
0x4a: {  	_ =	shalt  }
0x4b: {  	_ =	shalt  }
0x4c: {  	_ =	shalt  }
0x4d: {  	_ =	shalt  }
0x4e: {  	_ =	shalt  }
0x4f: {  	_ =	shalt  }
0x50: {  	_ =	shalt  }
0x51: {  	_ =	shalt  }
0x52: {  	_ =	shalt  }
0x53: {  	_ =	shalt  }
0x54: {  	_ =	shalt  }
0x55: {  	_ =	shalt  }
0x56: {  	_ =	shalt  }
0x57: {  	_ =	shalt  }
0x58: {  	_ =	shalt  }
0x59: {  	_ =	shalt  }
0x5a: {  	_ =	shalt  }
0x5b: {  	_ =	shalt  }
0x5c: {  	_ =	shalt  }
0x5d: {  	_ =	shalt  }
0x5e: {  	_ =	shalt  }
0x5f: {  	_ =	shalt  }
0x60: {  	_ =	shalt  }
0x61: {  	_ =	shalt  }
0x62: {  	_ =	shalt  }
0x63: {  	_ =	shalt  }
0x64: {  	_ =	shalt  }
0x65: {  	_ =	shalt  }
0x66: {  	_ =	shalt  }
0x67: {  	_ =	shalt  }
0x68: {  	_ =	shalt  }
0x69: {  	_ =	shalt  }
0x6a: {  	_ =	shalt  }
0x6b: {  	_ =	shalt  }
0x6c: {  	_ =	shalt  }
0x6d: {  	_ =	shalt  }
0x6e: {  	_ =	shalt  }
0x6f: {  	_ =	shalt  }
0x70: {  	_ =	shalt  }
0x71: {  	_ =	shalt  }
0x72: {  	_ =	shalt  }
0x73: {  	_ =	shalt  }
0x74: {  	_ =	shalt  }
0x75: {  	_ =	shalt  }
0x76: {  	_ =	shalt  }
0x77: {  	_ =	shalt  }
0x78: {  	_ =	shalt  }
0x79: {  	_ =	shalt  }
0x7a: {  	_ =	shalt  }
0x7b: {  	_ =	shalt  }
0x7c: {  	_ =	shalt  }
0x7d: {  	_ =	shalt  }
0x7e: {  	_ =	shalt  }
0x7f: {  	_ =	shalt  }
0x80: {  	_ =	shalt  }
0x81: {  	_ =	shalt  }
0x82: {  	_ =	shalt  }
0x83: {  	_ =	shalt  }
0x84: {  	_ =	shalt  }
0x85: {  	_ =	shalt  }
0x86: {  	_ =	shalt  }
0x87: {  	_ =	shalt  }
.Lfunc_end0:
.L_simem_size_0:
called_computation.3_lowered:
.L_overlay_start_0:
0x88: {  	s2 =	sld [smem:$0x3FD9]  }
0x89: {  	s3 =	sld [smem:$0x3FFE];
	_ =	sdelay $0x1  }
0x8a: {  	s1 =	srdreg.scid  }
0x8b: {  	s0 =	sand.u32 $0x1, s1  }
0x8c: {  	s16 =	sshll.u32 s0, $0xA;
	s2 =	sadd.s32 s3, s2  }
0x8d: {  	s2 =	sadd.s32 s2, s16  }
0x8e: {  	[smem:$0x3FBF] =	sst s2  }
0x8f: {  	_ = 	snop  }
0x90: {  	(tm) =	ssettm $0x1  }
0x91: {  	s17 =	sld [smem:$0x3FFB];
	_ =	sdelay $0x3  }
0x92: {  	_ =	strace s17  }
0x93: {  	s2 =	sld [smem:$0x3FFC];
	_ =	sdelay $0x3  }
0x94: {  	_ =	strace s2  }
0x95: {  	s2 =	sld [smem:$0x3FFD];
	_ =	sdelay $0x3  }
0x96: {  	_ =	strace s2  }
0x97: {  	_ =	strace $0x8FFFFFFF  }
0x98: {  	s18 =	sld [smem:$0x3FDB];
	_ =	sdelay $0x1  }
0x99: {  	s19 =	simm.s32 $_scs_section_size  }
0x9a: {  	s4 =	simm.s32 $_size__tile_overlayer_lowered;
	s5 =	simm.s32 $_tile_overlayer_lowered  }
0x9b: {  	s22 =	simm.s32 $0x1BFF;
	s21 =	sshll.u32 s5, $0x1;
	s2 =	sadd.s32 s19, s18  }
0x9c: {  	s6 =	simm.s32 $0x0;
	s20 =	sshll.u32 s4, $0x1;
	s4 =	sadd.s32 s21, s2  }
0x9d: {  	[timem:s6], [sflag:s22] =	dma.local [hbm:s4], s20  }
0x9e: {  	_ =	swait.ge [sflag:s22], s20  }
0x9f: {  	s3 =	ssub.s32 $0x0, s20;
	[sflag:s22] =	ssyncset.done $0x0  }
0xa0: {  	[sflag:s22] =	ssyncadd.s32 s3;
	_ =	sdelay $0x1  }
0xa1: {  	s23 =	simm.s32 $0x1B8B  }
0xa2: {  	_ =	swait.ge [sflag:s23], $0x1  }
0xa3: {  	[sflag:s23] =	ssyncset.done $0x0  }
0xa4: {  	s25 =	simm.s32 $0x1B8E;
	s24 =	sld [smem:$0x3FFE];
	[sflag:s23] =	ssyncadd.s32 $0xFFFFFFFF  }
0xa5: {  	s26 =	simm.s32 $execute0_lowered;
	[smem:$0x3FD2] =	sst s25  }
0xa6: {  	s4 =	sshll.u32 s26, $0x1;
	_ =	strace $0x8000004F;
	[dreg:$0x1] =	wrdreg $0xFFFFFFFF  }
0xa7: {  	s28 =	simm.s32 $_size_execute0_lowered;
	s2 =	sadd.s32 s2, s4;
	[dreg:$0x0] =	wrdreg $0x0  }
0xa8: {  	s4 =	sshll.u32 s28, $0x1;
	[dreg:$0x2] =	wrdreg s2  }
0xa9: {  	[dreg:$0x3] =	wrdreg s4  }
0xaa: {  	[dreg:$0x4] =	wrdreg $0xC0  }
0xab: {  	_ =	task [dreg:s6], $0x5FFFF  }
0xac: {  	[dreg:$0x1] =	wrdreg $0xFFFFFFFF  }
0xad: {  	[dreg:$0x0] =	wrdreg $0x60  }
0xae: {  	[dreg:$0x2] =	wrdreg s24  }
0xaf: {  	[dreg:$0x3] =	wrdreg $0x38000  }
0xb0: {  	[dreg:$0x4] =	wrdreg $0x9  }
0xb1: {  	_ =	task.clear_ibuf [dreg:s6], $0x5FFFF;
	_ =	strace $0x9000004F  }
0xb2: {  	s29 =	simm.s32 $0x9;
	_ =	strace $0x80000051  }
0xb3: {  	_ =	swait.ge [sflag:s29], $0x1  }
0xb4: {  	[sflag:s29] =	ssyncadd.s32 $0xFFFFFFFF  }
0xb5: {  	_ =	strace $0x90000051  }
0xb6: {  	_ =	sfence  }
0xb7: {  	s30 =	sld [smem:$0x0];
	_ =	sdelay $0x2  }
0xb8: {  	s31 =	sshll.u32 s1, $0xD;
	s1 =	sshrl.u32 s1, $0x2  }
0xb9: {  	s3 =	sand.u32 $0x4000, s31;
	s1 =	sadd.s32 s1, s30  }
0xba: {  	s0 =	sor.u32 s3, s0;
	s1 =	sshll.u32 s1, $0x11  }
0xbb: {  	s0 =	sor.u32 s1, s0  }
0xbc: {  	s0 =	sadd.s32 $0x8F2B, s0  }
0xbd: {  	[sflag:s0] =	ssyncadd.remote.s32 $0x1  }
0xbe: {  	_ =	sfence.sel $0xFFFF  }
0xbf: {  	[dreg:$0x0] =	wrdreg $0xFFFFFFFF;
	(pc) =	sbr.abs _section_cstart, $3  }
0xc0: {  	[dreg:$0x1] =	wrdreg $0xFFFFFFFF  }
0xc1: {  	_ =	task.clear_ibuf [dreg:s6], $0x2FFFF;
	_ =	strace $0x9FFFFFFF  }
0xc2: {  	(tm) =	ssettm $0x7FFFFFFF  }
0xc3: {  	_ =	shalt  }
tec
execute0_lowered:
.L_overlay_start_1:
0x0: {  	(tag) =	ssettag $0x1  }
0x1: {  	s6 =	rddreg [dreg:$0x0]  }
0x2: {  	s2 =	rddreg [dreg:$0x1]  }
0x3: {  	s0 =	rddreg [dreg:$0x2];
	s3 =	simm.s32 $0x0;
	s4 =	srdreg.scid  }
0x4: {  	s1 =	stileid.u32;
	s15 =	simm.s32 $0x1400;
	s16 =	simm.s32 $0x80  }
0x5: {  	s17 =	simm.s32 $0x2800;
	s18 =	simm.s32 $0x0;
	[smem:$0x7FF] =	sst s3  }
0x6: {  	s5 =	sand.u32 $0x1, s4;
	s7 =	smul.u32 $0x2800, s1;
	s4 =	sadd.s32 $0x17A00, s6  }
0x7: {  	s9 =	sadd.s32 $0xD400, s6;
	s10 =	sshll.u32 s1, $0x1;
	s11 =	sadd.s32 $0x3400, s6  }
0x8: {  	s30 =	sshll.u32 s1, $0x6;
	_ =	strace $0x80000050;
	s8 =	smul.u32 $0x28000, s5  }
0x9: {  	s10 =	sor.u32 s5, s10;
	s12 =	ssub.s32 $0x2, s5;
	s5 =	sadd.s32 $0x17400, s6  }
0xa: {  	s10 =	smul.u32 $0x2800, s10;
	s29 =	sshrl.u32 s12, $0x1;
	s8 =	sadd.s32 s7, s8  }
0xb: {  	s14 =	sadd.s32 s7, s2;
	s12 =	ssub.s32 s12, s29;
	s8 =	sshrl.u32 s8, $0x3  }
0xc: {  	s31 =	sshrl.u32 s10, $0x3;
	s12 =	smax.u32 s12, $0x1;
	s13 =	sadd.s32 s8, s6  }
0xd: {  	s6 =	sor.u32 $0x1C01, s30;
	s10 =	sadd.s32 $0x280, s31;
	s7 =	sadd.s32 s9, s31  }
0xe: {  	s8 =	sadd.s32 s11, s31;
	s9 =	sadd.s32 s9, s10;
	s10 =	sadd.s32 s11, s10  }
0xf: {  	s11 =	sadd.s32 $0x1CA00, s13;
	s13 =	sshrl.u32 s14, $0x3;
	s14 =	simm.s32 $0x1  }
.LBB2_1:
0x10: {  	[spmem:s13], [sflag:s6] =	dma.local [hbm:s5], $0x500  }
0x11: {  	_ =	swait.ge [sflag:s14], $0x500  }
0x12: {  	[sflag:s14] =	ssyncset.done $0x0  }
0x13: {  	[sflag:s14] =	ssyncadd.s32 $0xFFFFFB00  }
0x14: {  	[bflag:$0x0] =	sbarrier.arrive $0xFFFF  }
0x15: {  	[tilespmem:s3], [sflag:$0x1] =	stream.linear.gather [hbm4b:s7+s3], $0x1400, $0x38;
	[tilespmem:$0x6000] =	vst v63  }
0x16: {  	_ =	swait.ge [sflag:s14], $0x1400  }
0x17: {  	[sflag:s14] =	ssyncset.done $0x0  }
0x18: {  	[sflag:s14] =	ssyncadd.s32 $0xFFFFEC00  }
0x19: {  	[tilespmem:s15], [sflag:$0x1] =	stream.linear.gather [hbm4b:s8+s3], $0x1400, $0x38;
	[tilespmem:$0x6000] =	vst v63  }
0x1a: {  	_ =	swait.ge [sflag:s14], $0x1400  }
0x1b: {  	[sflag:s14] =	ssyncset.done $0x0  }
0x1c: {  	s19 =	simm.s32 $0x0;
	[sflag:s14] =	ssyncadd.s32 $0xFFFFEC00  }
0x1d: {  	[tilespmem:s17], [sflag:$0x1] =	stream.indirect.gather [hbm4b:s4+s16], $0x10, s19, s16, $0xb8;
	[tilespmem:$0x6000] =	vst v63  }
0x1e: {  	_ =	swait.ge [sflag:s14], $0x800  }
0x1f: {  	[sflag:s14] =	ssyncset.done $0x0  }
0x20: {  	s31 =	simm.s32 $0x1400;
	[sflag:s14] =	ssyncadd.s32 $0xFFFFF800  }
0x21: {  	[spmem:s2] =	stream.indirect.scatter.add.f32 [tilespmem:s17], [sflag:$0x1], $0x10, s31, s16, $0xb8;
	[tilespmem:$0x6000] =	vst v63  }
0x22: {  	_ =	swait.ge [sflag:s14], $0x800  }
0x23: {  	s20 =	simm.s32 $0x400;
	s19 =	simm.s32 $0x200;
	[sflag:s14] =	ssyncset.done $0x0  }
.LBB2_2:
0x24: {  	s21 =	sshra.s32 s19, $0x2  }
0x25: {  	[sflag:s14] =	ssyncadd.s32 $0xFFFFF800;
	s19 =	smov.u32 s20;
	s22 =	sadd.s32 $0x200, s20  }
0x26: {  	[tilespmem:s17], [sflag:$0x1] =	stream.indirect.gather [hbm4b:s4+s16], $0x10, s21, s16, $0xb8;
	[tilespmem:$0x6000] =	vst v63  }
0x27: {  	p0 =	sne.s32 s20, $0x4E00;
	_ =	swait.ge [sflag:s14], $0x800  }
.Ltmp0:
0x28: {  	[sflag:s14] =	ssyncset.done $0x0;
	(pc) =	sbr.rel @p0 .LBB2_2-.Ltmp0, $4  }
0x29: {  	s20 =	sadd.s32 $0x1400, s21;
	[sflag:s14] =	ssyncadd.s32 $0xFFFFF800  }
0x2a: {  	[spmem:s2] =	stream.indirect.scatter.add.f32 [tilespmem:s17], [sflag:$0x1], $0x10, s20, s16, $0xb8;
	[tilespmem:$0x6000] =	vst v63  }
0x2b: {  	_ =	swait.ge [sflag:s14], $0x800  }
0x2c: {  	s20 =	smov.u32 s22;
	[sflag:s14] =	ssyncset.done $0x0  }
0x2d: {  	s19 =	sshra.s32 s19, $0x2;
	[sflag:s14] =	ssyncadd.s32 $0xFFFFF800  }
0x2e: {  	[tilespmem:s17], [sflag:$0x1] =	stream.indirect.gather [hbm4b:s4+s16], $0x10, s19, s16, $0xb8;
	[tilespmem:$0x6000] =	vst v63  }
0x2f: {  	_ =	swait.ge [sflag:s14], $0x800  }
0x30: {  	[sflag:s14] =	ssyncset.done $0x0  }
0x31: {  	s19 =	sadd.s32 $0x1400, s19;
	[sflag:s14] =	ssyncadd.s32 $0xFFFFF800  }
0x32: {  	[spmem:s2] =	stream.indirect.scatter.add.f32 [tilespmem:s17], [sflag:$0x1], $0x10, s19, s16, $0xb8;
	[tilespmem:$0x6000] =	vst v63  }
0x33: {  	_ =	swait.ge [sflag:s14], $0x800  }
0x34: {  	[sflag:s14] =	ssyncset.done $0x0  }
0x35: {  	s29 =	simm.s32 $0x0;
	[sflag:s14] =	ssyncadd.s32 $0xFFFFF800  }
0x36: {  	[tilespmem:s29], [sflag:$0x1] =	stream.linear.gather [hbm4b:s9+s29], $0x1400, $0x38;
	[tilespmem:$0x6000] =	vst v63  }
0x37: {  	_ =	swait.ge [sflag:s14], $0x1400  }
0x38: {  	[sflag:s14] =	ssyncset.done $0x0  }
0x39: {  	[sflag:s14] =	ssyncadd.s32 $0xFFFFEC00  }
0x3a: {  	[tilespmem:s15], [sflag:$0x1] =	stream.linear.gather [hbm4b:s10+s29], $0x1400, $0x38;
	[tilespmem:$0x6000] =	vst v63  }
0x3b: {  	_ =	swait.ge [sflag:s14], $0x1400  }
0x3c: {  	[sflag:s14] =	ssyncset.done $0x0  }
0x3d: {  	s30 =	simm.s32 $0x0;
	[sflag:s14] =	ssyncadd.s32 $0xFFFFEC00  }
0x3e: {  	[tilespmem:s17], [sflag:$0x1] =	stream.indirect.gather [hbm4b:s4+s16], $0x10, s30, s16, $0xb8;
	[tilespmem:$0x6000] =	vst v63  }
0x3f: {  	_ =	swait.ge [sflag:s14], $0x800  }
0x40: {  	[sflag:s14] =	ssyncset.done $0x0  }
0x41: {  	s31 =	simm.s32 $0x1400;
	[sflag:s14] =	ssyncadd.s32 $0xFFFFF800  }
0x42: {  	[spmem:s2] =	stream.indirect.scatter.add.f32 [tilespmem:s17], [sflag:$0x1], $0x10, s31, s16, $0xb8;
	[tilespmem:$0x6000] =	vst v63  }
0x43: {  	_ =	swait.ge [sflag:s14], $0x800  }
0x44: {  	s20 =	simm.s32 $0x400;
	s19 =	simm.s32 $0x200;
	[sflag:s14] =	ssyncset.done $0x0  }
.LBB2_4:
0x45: {  	s21 =	sshra.s32 s19, $0x2  }
0x46: {  	[sflag:s14] =	ssyncadd.s32 $0xFFFFF800;
	s19 =	smov.u32 s20;
	s22 =	sadd.s32 $0x200, s20  }
0x47: {  	[tilespmem:s17], [sflag:$0x1] =	stream.indirect.gather [hbm4b:s4+s16], $0x10, s21, s16, $0xb8;
	[tilespmem:$0x6000] =	vst v63  }
0x48: {  	p0 =	sne.s32 s20, $0x4E00;
	_ =	swait.ge [sflag:s14], $0x800  }
.Ltmp1:
0x49: {  	[sflag:s14] =	ssyncset.done $0x0;
	(pc) =	sbr.rel @p0 .LBB2_4-.Ltmp1, $4  }
0x4a: {  	s20 =	sadd.s32 $0x1400, s21;
	[sflag:s14] =	ssyncadd.s32 $0xFFFFF800  }
0x4b: {  	[spmem:s2] =	stream.indirect.scatter.add.f32 [tilespmem:s17], [sflag:$0x1], $0x10, s20, s16, $0xb8;
	[tilespmem:$0x6000] =	vst v63  }
0x4c: {  	_ =	swait.ge [sflag:s14], $0x800  }
0x4d: {  	s20 =	smov.u32 s22;
	[sflag:s14] =	ssyncset.done $0x0  }
0x4e: {  	s19 =	sshra.s32 s19, $0x2;
	[sflag:s14] =	ssyncadd.s32 $0xFFFFF800  }
0x4f: {  	[tilespmem:s17], [sflag:$0x1] =	stream.indirect.gather [hbm4b:s4+s16], $0x10, s19, s16, $0xb8;
	[tilespmem:$0x6000] =	vst v63  }
0x50: {  	_ =	swait.ge [sflag:s14], $0x800  }
0x51: {  	[sflag:s14] =	ssyncset.done $0x0  }
0x52: {  	s19 =	sadd.s32 $0x1400, s19;
	[sflag:s14] =	ssyncadd.s32 $0xFFFFF800  }
0x53: {  	[spmem:s2] =	stream.indirect.scatter.add.f32 [tilespmem:s17], [sflag:$0x1], $0x10, s19, s16, $0xb8;
	[tilespmem:$0x6000] =	vst v63  }
0x54: {  	_ =	swait.ge [sflag:s14], $0x800  }
0x55: {  	s18 =	sadd.s32 $0x1, s18;
	[sflag:s14] =	ssyncset.done $0x0  }
0x56: {  	p0 =	sne.s32 s18, s12;
	[sflag:s14] =	ssyncadd.s32 $0xFFFFF800  }
.Ltmp2:
0x57: {  	[bflag:$0x0] =	sbarrier.arrive $0xFFFF;
	(pc) =	sbr.rel @p0 .LBB2_1-.Ltmp2, $4  }
0x58: {  	[hbm:s11], [sflag:s6] =	dma.local [spmem:s13], $0x500  }
0x59: {  	_ =	swait.ge [sflag:s14], $0x500  }
0x5a: {  	[sflag:s14] =	ssyncset.done $0x0  }
0x5b: {  	[sflag:s14] =	ssyncadd.s32 $0xFFFFFB00  }
0x5c: {  	_ =	sfence.sel $0x180000  }
0x5d: {  	[bflag:$0x0] =	sbarrier.arrive $0xFFFF  }
0x5e: {  	p0 =	sne.s32 s1, $0x0;
	_ =	strace $0x90000050  }
0x5f: {  	s0 =	sadd.s32 @!p0 $0x100000, s0;
	[bflag:$0x2] =	sbarrier.arrive $0xFFFF  }
0x60: {  	[sflag:s0] =	ssyncadd.tile.s32 @!p0 $0x1;
	_ =	shalt  }
.Lfunc_end2:
_tile_overlayer_lowered:
.L_overlay_start_2:
0x61: {  	(tag) =	ssettag $0x2  }
0x62: {  	s0 =	rddreg [dreg:$0x0];
	s2 =	stileid.u32  }
0x63: {  	s1 =	rddreg [dreg:$0x1];
	p0 =	sne.s32 s2, $0x0  }
0x64: {  	s3 =	rddreg [dreg:$0x2];
	[bflag:$0x3] =	sbarrier.arrive $0xFFFF;
	s2 =	simm.s32 @!p0 $0x1C01  }
0x65: {  	[timem:s3], [sflag:s2] =	dma.local @!p0 [hbm:s0], s1  }
0x66: {  	s0 =	simm.s32 @!p0 $0x1  }
0x67: {  	_ =	swait.ge @!p0 [sflag:s0], s1  }
0x68: {  	s1 =	ssub.s32 @!p0 $0x0, s1;
	[sflag:s0] =	ssyncset.done @!p0 $0x0  }
0x69: {  	[sflag:s0] =	ssyncadd.s32 @!p0 s1  }
0x6a: {  	[bflag:$0x3] =	sbarrier.arrive $0xFFFF  }
0x6b: {  	_ =	shalt  }

</sc_bundles>
